<compile_context>
chip_gen: v7x
topology: tpu7x:2x2x1
jax: 0.10.2.dev20260603
libtpu: 0.0.44.dev20260713+nightly
codegen_flags: <defaults>
</compile_context>

<pallas_src>
import functools

import jax
import jax.numpy as jnp
from jax import lax
from jax.experimental import pallas as pl
from jax.experimental.pallas import tpu as pltpu
from jax.experimental.pallas import tpu_sc as plsc

_D = 256
_GATHER_W = 128
_EDGE_BLK = 3200
_SCAT_C = 80
_NODE_BLK = 1024


def _gather_sc(table, idx_flat):
  m = idx_flat.shape[0]
  d = table.shape[1]
  mesh = plsc.VectorSubcoreMesh(core_axis_name="core",
                                subcore_axis_name="subcore")
  idx2 = idx_flat.reshape(1, m)

  @functools.partial(
      pl.kernel,
      out_type=jax.ShapeDtypeStruct((m, d), table.dtype),
      mesh=mesh)
  def k(t_hbm, i_hbm, o_hbm):
    def body(i_vmem, o_vmem):
      pltpu.sync_copy(t_hbm.at[i_vmem.at[0]], o_vmem)

    pltpu.emit_pipeline(
        body,
        grid=(m // _GATHER_W,),
        in_specs=[pl.BlockSpec((1, _GATHER_W), lambda i: (0, i))],
        out_specs=[pl.BlockSpec((_GATHER_W, d), lambda i: (i, 0))],
        core_axis_name=("core", "subcore"),
        dimension_semantics=(pltpu.PARALLEL,),
    )(i_hbm, o_hbm)

  return k(table, idx2)


def _scatter_add_sc(vec, col3, zeros_acc):
  n_pad = zeros_acc.shape[0]
  j_steps = col3.shape[1]
  c = col3.shape[2]
  rows_per_tile = n_pad // 16
  mesh = plsc.VectorSubcoreMesh(core_axis_name="core",
                                subcore_axis_name="subcore")

  @functools.partial(
      pl.kernel,
      out_type=jax.ShapeDtypeStruct((2, n_pad, 128), jnp.float32),
      mesh=mesh,
      scratch_types=[
          pltpu.VMEM((c,), jnp.int32),
          pltpu.VMEM((c, 128), jnp.float32),
          pltpu.VMEM_SHARED((n_pad, 128), jnp.float32),
      ])
  def k(vec_hbm, col_hbm, z_hbm, out_hbm, idx_v, vec_v, acc_sh):
    cid = lax.axis_index("core")
    sid = lax.axis_index("subcore")
    wid = cid * 16 + sid

    @pl.when(sid == 0)
    def _():
      pltpu.sync_copy(z_hbm, acc_sh)

    plsc.subcore_barrier()

    @pl.loop(0, j_steps)
    def _(j):
      base = (wid * j_steps + j) * c
      pltpu.sync_copy(col_hbm.at[wid, j], idx_v)
      pltpu.sync_copy(vec_hbm.at[pl.ds(base, c)], vec_v)
      pltpu.sync_copy(vec_v, acc_sh.at[idx_v], add=True)

    plsc.subcore_barrier()
    pltpu.sync_copy(acc_sh.at[pl.ds(sid * rows_per_tile, rows_per_tile)],
                    out_hbm.at[cid, pl.ds(sid * rows_per_tile, rows_per_tile)])

  return k(vec, col3, zeros_acc)


def _omega(dist):
  p = 5.0
  dr = jnp.clip(dist / 4.5, 0.0, 1.0)
  dr2 = dr * dr
  dr5 = dr2 * dr2 * dr
  dr6 = dr5 * dr
  dr7 = dr6 * dr
  out = (1.0
         - (p + 1.0) * (p + 2.0) / 2.0 * dr5
         + p * (p + 2.0) * dr6
         - p * (p + 1.0) / 2.0 * dr7)
  return jnp.clip(out, 0.0, 1.0)


def _mlp_body(gr, gc, wcat, ba, wb, bb, out):
  xr = gr[:, :128]
  xc = gc[:, :128]
  pr = gr[:, 128:131]
  pc = gc[:, 128:131]
  d = pr - pc
  dist = jnp.sqrt(jnp.sum(d * d, axis=1, keepdims=True) + 1e-12)
  b = d.shape[0]
  xcat = jnp.concatenate([xr, xc, dist, jnp.zeros((b, 127), jnp.float32)],
                         axis=1)
  h = jnp.dot(xcat, wcat[...], preferred_element_type=jnp.float32) + ba[...]
  h = jax.nn.silu(h)
  mes = jnp.dot(h, wb[...], preferred_element_type=jnp.float32) + bb[...]
  coe = _omega(dist)
  nv = d / (dist + 1e-8)
  v1 = nv * coe * mes[:, 0:1]
  v2 = nv * coe * mes[:, 1:2]
  z5 = jnp.zeros((b, 5), jnp.float32)
  z117 = jnp.zeros((b, 117), jnp.float32)
  out[...] = jnp.concatenate([v1, z5, v2, z117], axis=1)


def _mlp_tc(g, wcat, ba, wb, bb, n_edges, interpret=False):
  nblk = n_edges // _EDGE_BLK
  return pl.pallas_call(
      _mlp_body,
      grid=(nblk,),
      in_specs=[
          pl.BlockSpec((_EDGE_BLK, _D), lambda i: (i, 0)),
          pl.BlockSpec((_EDGE_BLK, _D), lambda i, _n=nblk: (i + _n, 0)),
          pl.BlockSpec((384, 256), lambda i: (0, 0)),
          pl.BlockSpec((1, 256), lambda i: (0, 0)),
          pl.BlockSpec((256, 2), lambda i: (0, 0)),
          pl.BlockSpec((1, 2), lambda i: (0, 0)),
      ],
      out_specs=pl.BlockSpec((_EDGE_BLK, 128), lambda i: (i, 0)),
      out_shape=jax.ShapeDtypeStruct((n_edges, 128), jnp.float32),
      interpret=interpret,
  )(g, g, wcat, ba, wb, bb)


def _gram_body(*refs):
  eps = 1e-6
  parts = refs[:-2]
  rnd = refs[-2]
  out = refs[-1]
  b = parts[0].shape[0]
  v = parts[0][...]
  for pk in parts[1:]:
    v = v + pk[...]
  v1 = v[:, 0:3]
  v2 = v[:, 8:11]

  def safe_norm(u):
    return jnp.sqrt(jnp.sum(u * u, axis=1, keepdims=True) + 1e-12)

  v1_norm = safe_norm(v1)
  mask1 = v1_norm > eps
  n1 = v1 / (v1_norm + eps)
  r = rnd[:, 0:3]
  r = r / safe_norm(r)
  n1 = jnp.where(mask1, n1, r)
  n2p = v2 - jnp.sum(n1 * v2, axis=1, keepdims=True) * n1
  n2_norm = safe_norm(n2p)
  mask2 = n2_norm > eps
  zc = jnp.zeros((b, 1), jnp.float32)
  oc = jnp.ones((b, 1), jnp.float32)
  default_orth = jnp.concatenate([-n1[:, 1:2], n1[:, 0:1], zc], axis=1)
  d_norm = safe_norm(default_orth)
  d_mask = d_norm > eps
  e3 = jnp.concatenate([zc, zc, oc], axis=1)
  default_orth = jnp.where(d_mask, default_orth / (d_norm + eps), e3)
  n2 = jnp.where(mask2, n2p / (n2_norm + eps), default_orth)
  n3 = jnp.concatenate([
      n1[:, 1:2] * n2[:, 2:3] - n1[:, 2:3] * n2[:, 1:2],
      n1[:, 2:3] * n2[:, 0:1] - n1[:, 0:1] * n2[:, 2:3],
      n1[:, 0:1] * n2[:, 1:2] - n1[:, 1:2] * n2[:, 0:1],
  ], axis=1)
  n3 = n3 / (safe_norm(n3) + eps)
  z7 = jnp.zeros((b, 7), jnp.float32)
  out[...] = jnp.concatenate([n1, n2, n3, z7], axis=1)


def _gram_tc(parts, rnd16, interpret=False):
  n_pad = parts[0].shape[0]
  return pl.pallas_call(
      _gram_body,
      grid=(n_pad // _NODE_BLK,),
      in_specs=(
          [pl.BlockSpec((_NODE_BLK, 128), lambda i: (i, 0))] * len(parts)
          + [pl.BlockSpec((_NODE_BLK, 16), lambda i: (i, 0))]),
      out_specs=pl.BlockSpec((_NODE_BLK, 16), lambda i: (i, 0)),
      out_shape=jax.ShapeDtypeStruct((n_pad, 16), jnp.float32),
      interpret=interpret,
  )(*parts, rnd16)


def kernel(x, pos, edge_index, W1a, b1a, W1b, b1b, W2a, b2a, W2b, b2b):
  n, f = x.shape
  e = edge_index.shape[1]
  n_pad = ((n + 1023) // 1024) * 1024

  table = jnp.concatenate(
      [x, pos, jnp.zeros((n, _D - f - 3), jnp.float32)], axis=1)

  wcat = jnp.concatenate([
      jnp.concatenate([W1a, W2a], axis=1),
      jnp.zeros((384 - (2 * f + 1), 256), jnp.float32),
  ], axis=0)
  ba = jnp.concatenate([b1a, b2a]).reshape(1, 256)
  wb = jnp.concatenate([
      jnp.concatenate([W1b, jnp.zeros_like(W1b)], axis=1),
      jnp.concatenate([jnp.zeros_like(W2b), W2b], axis=1),
  ], axis=0)
  bb = jnp.concatenate([b1b, b2b]).reshape(1, 2)

  n_chunks = 2
  ec = e // n_chunks
  c = 40
  j_steps = ec // (32 * c)
  zeros_acc = jnp.zeros((n_pad, 128), jnp.float32)
  partial_list = []
  for k in range(n_chunks):
    rows_k = lax.dynamic_slice_in_dim(edge_index[0], k * ec, ec)
    cols_k = lax.dynamic_slice_in_dim(edge_index[1], k * ec, ec)
    idx_k = jnp.concatenate([rows_k, cols_k])
    g_k = _gather_sc(table, idx_k)
    vec_k = _mlp_tc(g_k, wcat, ba, wb, bb, ec)
    col3_k = cols_k.reshape(32, j_steps, c)
    partial_list.append(_scatter_add_sc(vec_k, col3_k, zeros_acc))

  rnd = jax.random.normal(jax.random.key(42), (n, 3), dtype=jnp.float32)
  rnd16 = jnp.concatenate(
      [rnd, jnp.ones((n, 13), jnp.float32)], axis=1)
  rnd16 = jnp.concatenate(
      [rnd16, jnp.ones((n_pad - n, 16), jnp.float32)], axis=0)
  p_all = [p[i] for p in partial_list for i in range(2)]
  res = _gram_tc(p_all, rnd16)
  frames = res[:n, :9].reshape(n, 3, 3).transpose(0, 2, 1)
  return frames

# --- scband reference (transcript-rebuilt; emitter-appended) ---
"""Pipeline reference for scband-equivariant-layer-30674656428244 (READ-ONLY COPY).

The authoritative reference and input builder live on the scoring server;
editing this copy changes nothing except your own understanding.
"""

import jax, jax.numpy as jnp
import numpy as np


def _safe_norm(v):
    return jnp.sqrt(jnp.sum(v * v, axis=-1, keepdims=True) + 1e-12)


def _mlp(x, Wa, ba, Wb, bb):
    h = jax.nn.silu(x @ Wa + ba)
    return h @ Wb + bb


def _omega(dist, p=5.0):
    r_max = 4.5
    dr = jnp.clip(dist / r_max, 0.0, 1.0)
    out = (1.0
           - (p + 1.0) * (p + 2.0) / 2.0 * dr ** p
           + p * (p + 2.0) * dr ** (p + 1.0)
           - p * (p + 1.0) / 2.0 * dr ** (p + 2.0))
    return jnp.clip(out, 0.0, 1.0)


def _gram_schmidt(v1, v2):
    eps = 1e-6
    v1_norm = _safe_norm(v1)
    mask1 = v1_norm > eps
    n1 = v1 / (v1_norm + eps)
    rnd = jax.random.normal(jax.random.key(42), v1.shape, dtype=v1.dtype)
    rnd = rnd / _safe_norm(rnd)
    n1 = jnp.where(mask1, n1, rnd)
    n2p = v2 - jnp.sum(n1 * v2, axis=-1, keepdims=True) * n1
    n2_norm = _safe_norm(n2p)
    mask2 = n2_norm > eps
    default_orth = jnp.stack([-n1[:, 1], n1[:, 0], jnp.zeros_like(n1[:, 0])], axis=-1)
    d_norm = _safe_norm(default_orth)
    d_mask = d_norm > eps
    default_orth = jnp.where(d_mask, default_orth / (d_norm + eps), jnp.array([0.0, 0.0, 1.0], dtype=v1.dtype))
    n2 = jnp.where(mask2, n2p / (n2_norm + eps), default_orth)
    n3 = jnp.cross(n1, n2)
    n3 = n3 / (_safe_norm(n3) + eps)
    return jnp.stack([n1, n2, n3], axis=-1)


def _forward(x, pos, edge_index, W1a, b1a, W1b, b1b, W2a, b2a, W2b, b2b):
    row = edge_index[0]
    col = edge_index[1]
    direction = pos[row] - pos[col]
    dist = _safe_norm(direction)
    x_ij = jnp.concatenate([x[row], x[col], dist], axis=-1)
    mes1 = _mlp(x_ij, W1a, b1a, W1b, b1b)
    mes2 = _mlp(x_ij, W2a, b2a, W2b, b2b)
    coe = _omega(dist)
    norm_vec = direction / (dist + 1e-8)
    vec1 = norm_vec * coe * mes1
    vec2 = norm_vec * coe * mes2
    N = x.shape[0]
    v1 = jax.ops.segment_sum(vec1, col, num_segments=N)
    v2 = jax.ops.segment_sum(vec2, col, num_segments=N)
    return _gram_schmidt(v1, v2)


def setup_inputs(seed: int = 0):
    key = jax.random.key(seed)
    ks = jax.random.split(key, 8)
    N, F, H, E = 10000, 128, 128, 320000
    din = 2 * F + 1
    x = jax.random.normal(ks[0], (N, F), dtype=jnp.float32)
    pos = jax.random.normal(ks[1], (N, 3), dtype=jnp.float32)
    edge_index = jax.random.randint(ks[2], (2, E), 0, N, dtype=jnp.int32)
    W1a = jax.random.normal(ks[3], (din, H), dtype=jnp.float32) / np.sqrt(din)
    b1a = jnp.zeros((H,), dtype=jnp.float32)
    W1b = jax.random.normal(ks[4], (H, 1), dtype=jnp.float32) / np.sqrt(H)
    b1b = jnp.zeros((1,), dtype=jnp.float32)
    W2a = jax.random.normal(ks[5], (din, H), dtype=jnp.float32) / np.sqrt(din)
    b2a = jnp.zeros((H,), dtype=jnp.float32)
    W2b = jax.random.normal(ks[6], (H, 1), dtype=jnp.float32) / np.sqrt(H)
    b2b = jnp.zeros((1,), dtype=jnp.float32)
    return {"x": x, "pos": pos, "edge_index": edge_index,
            "W1a": W1a, "b1a": b1a, "W1b": W1b, "b1b": b1b,
            "W2a": W2a, "b2a": b2a, "W2b": W2b, "b2b": b2b}


def reference(x, pos, edge_index, W1a, b1a, W1b, b1b, W2a, b2a, W2b, b2b):
    return _forward(x, pos, edge_index, W1a, b1a, W1b, b1b, W2a, b2a, W2b, b2b)

if __name__ == "__main__":
    import jax
    _d = setup_inputs()
    print(jax.jit(kernel)(*tuple(_d.values())))

</pallas_src>

<mosaic_0001>
#map = affine_map<(d0, d1) -> (0, 0)>
#map1 = affine_map<(d0, d1) -> (0, 0, 0)>
module attributes {stable_mosaic.version = 14 : i64} {
  func.func @k(%arg0: i32, %arg1: i32, %arg2: memref<160000x128xf32, #tpu.memory_space<hbm>>, %arg3: memref<32x125x40xi32, #tpu.memory_space<hbm>>, %arg4: memref<10240x128xf32, #tpu.memory_space<hbm>>, %arg5: memref<2x10240x128xf32, #tpu.memory_space<hbm>>, %arg6: memref<40xi32, #tpu.memory_space<vmem>>, %arg7: memref<40x128xf32, #tpu.memory_space<vmem>>, %arg8: memref<10240x128xf32, #tpu.memory_space<vmem_shared>>) attributes {dimension_semantics = [#tpu.dimension_semantics<core_parallel>, #tpu.dimension_semantics<subcore_parallel>], iteration_bounds = array<i64: 2, 16>, scalar_prefetch = 0 : i64, scratch_operands = 3 : i64, tpu.core_type = #tpu.core_type<sc_vector_subcore>, window_params = [{transform_indices = #map}, {transform_indices = #map1}, {transform_indices = #map}, {transform_indices = #map1}]} {
    %mul3A = arith.constant 16 : i32
    %mul3A_0 = arith.muli %arg0, %mul3A : i32
    %add3A = arith.addi %mul3A_0, %arg1 : i32
    %eq3A = arith.constant 0 : i32
    %eq3A_1 = arith.cmpi eq, %arg1, %eq3A : i32
    %convert_element_type3A = arith.extui %eq3A_1 : i1 to i32
    %cond3A = arith.constant 0 : i32
    %cond3A_2 = arith.cmpi ne, %convert_element_type3A, %cond3A : i32
    scf.if %cond3A_2 {
      "tpu.region"() ({
        %run_scoped3A = tpu.sem_alloc : memref<!tpu.dma_semaphore, #tpu.memory_space<semaphore_mem>>
        tpu.enqueue_dma source(%arg4 : memref<10240x128xf32, #tpu.memory_space<hbm>>) target(%arg8 : memref<10240x128xf32, #tpu.memory_space<vmem_shared>>) target_semaphore(%run_scoped3A : memref<!tpu.dma_semaphore, #tpu.memory_space<semaphore_mem>>)
        tpu.wait_dma2 semaphore(%run_scoped3A : memref<!tpu.dma_semaphore, #tpu.memory_space<semaphore_mem>>) src(%arg4 : memref<10240x128xf32, #tpu.memory_space<hbm>>) dst(%arg8 : memref<10240x128xf32, #tpu.memory_space<vmem_shared>>)
        tpu.yield
      }) : () -> ()
    } else {
    }
    %barrier3A = arith.constant 0 : index
    tpu.barrier barrier_id(%barrier3A)
    %scan3A = arith.constant 0 : i32
    %scan3A_3 = arith.constant 125 : i32
    %scan3A_4 = arith.addi %scan3A, %scan3A_3 : i32
    %scan3A_5 = arith.constant 1 : i32
    scf.for %scan3A_12 = %scan3A to %scan3A_4 step %scan3A_5  : i32 {
      %mul3A_13 = arith.constant 1 : i32
      %mul3A_14 = arith.muli %scan3A_12, %mul3A_13 : i32
      %add3A_15 = arith.constant 0 : i32
      %add3A_16 = arith.addi %add3A_15, %mul3A_14 : i32
      %mul3A_17 = arith.constant 125 : i32
      %mul3A_18 = arith.muli %add3A, %mul3A_17 : i32
      %add3A_19 = arith.addi %mul3A_18, %add3A_16 : i32
      %mul3A_20 = arith.constant 40 : i32
      %mul3A_21 = arith.muli %add3A_19, %mul3A_20 : i32
      "tpu.region"() ({
        %run_scoped3A = tpu.sem_alloc : memref<!tpu.dma_semaphore, #tpu.memory_space<semaphore_mem>>
        %dma_start3A = arith.constant 0 : i32
        %dma_start3A_22 = tpu.memref_slice %arg3[%add3A, %add3A_16, %dma_start3A] : memref<32x125x40xi32, #tpu.memory_space<hbm>> -> memref<1x1x40xi32, #tpu.memory_space<hbm>>
        %dma_start3A_23 = tpu.memref_squeeze %dma_start3A_22 : memref<1x1x40xi32, #tpu.memory_space<hbm>> -> memref<40xi32, #tpu.memory_space<hbm>>
        %dma_start3A_24 = arith.constant 0 : i32
        %dma_start3A_25 = tpu.memref_slice %arg3[%add3A, %add3A_16, %dma_start3A_24] : memref<32x125x40xi32, #tpu.memory_space<hbm>> -> memref<1x1x40xi32, #tpu.memory_space<hbm>>
        %dma_start3A_26 = tpu.memref_squeeze %dma_start3A_25 : memref<1x1x40xi32, #tpu.memory_space<hbm>> -> memref<40xi32, #tpu.memory_space<hbm>>
        tpu.enqueue_dma source(%dma_start3A_26 : memref<40xi32, #tpu.memory_space<hbm>>) target(%arg6 : memref<40xi32, #tpu.memory_space<vmem>>) target_semaphore(%run_scoped3A : memref<!tpu.dma_semaphore, #tpu.memory_space<semaphore_mem>>)
        %dma_wait3A = arith.constant 0 : i32
        %dma_wait3A_27 = tpu.memref_slice %arg3[%add3A, %add3A_16, %dma_wait3A] : memref<32x125x40xi32, #tpu.memory_space<hbm>> -> memref<1x1x40xi32, #tpu.memory_space<hbm>>
        %dma_wait3A_28 = tpu.memref_squeeze %dma_wait3A_27 : memref<1x1x40xi32, #tpu.memory_space<hbm>> -> memref<40xi32, #tpu.memory_space<hbm>>
        %dma_wait3A_29 = arith.constant 0 : i32
        %dma_wait3A_30 = tpu.memref_slice %arg3[%add3A, %add3A_16, %dma_wait3A_29] : memref<32x125x40xi32, #tpu.memory_space<hbm>> -> memref<1x1x40xi32, #tpu.memory_space<hbm>>
        %dma_wait3A_31 = tpu.memref_squeeze %dma_wait3A_30 : memref<1x1x40xi32, #tpu.memory_space<hbm>> -> memref<40xi32, #tpu.memory_space<hbm>>
        tpu.wait_dma2 semaphore(%run_scoped3A : memref<!tpu.dma_semaphore, #tpu.memory_space<semaphore_mem>>) src(%dma_wait3A_31 : memref<40xi32, #tpu.memory_space<hbm>>) dst(%arg6 : memref<40xi32, #tpu.memory_space<vmem>>)
        tpu.yield
      }) : () -> ()
      "tpu.region"() ({
        %run_scoped3A = tpu.sem_alloc : memref<!tpu.dma_semaphore, #tpu.memory_space<semaphore_mem>>
        %dma_start3A = arith.constant 0 : i32
        %dma_start3A_22 = tpu.memref_slice %arg2[%mul3A_21, %dma_start3A] : memref<160000x128xf32, #tpu.memory_space<hbm>> -> memref<40x128xf32, #tpu.memory_space<hbm>>
        %dma_start3A_23 = arith.constant 0 : i32
        %dma_start3A_24 = tpu.memref_slice %arg2[%mul3A_21, %dma_start3A_23] : memref<160000x128xf32, #tpu.memory_space<hbm>> -> memref<40x128xf32, #tpu.memory_space<hbm>>
        tpu.enqueue_dma source(%dma_start3A_24 : memref<40x128xf32, #tpu.memory_space<hbm>>) target(%arg7 : memref<40x128xf32, #tpu.memory_space<vmem>>) target_semaphore(%run_scoped3A : memref<!tpu.dma_semaphore, #tpu.memory_space<semaphore_mem>>)
        %dma_wait3A = arith.constant 0 : i32
        %dma_wait3A_25 = tpu.memref_slice %arg2[%mul3A_21, %dma_wait3A] : memref<160000x128xf32, #tpu.memory_space<hbm>> -> memref<40x128xf32, #tpu.memory_space<hbm>>
        %dma_wait3A_26 = arith.constant 0 : i32
        %dma_wait3A_27 = tpu.memref_slice %arg2[%mul3A_21, %dma_wait3A_26] : memref<160000x128xf32, #tpu.memory_space<hbm>> -> memref<40x128xf32, #tpu.memory_space<hbm>>
        tpu.wait_dma2 semaphore(%run_scoped3A : memref<!tpu.dma_semaphore, #tpu.memory_space<semaphore_mem>>) src(%dma_wait3A_27 : memref<40x128xf32, #tpu.memory_space<hbm>>) dst(%arg7 : memref<40x128xf32, #tpu.memory_space<vmem>>)
        tpu.yield
      }) : () -> ()
      "tpu.region"() ({
        %run_scoped3A = tpu.sem_alloc : memref<!tpu.dma_semaphore, #tpu.memory_space<semaphore_mem>>
        %dma_start3A = arith.constant 0 : i32
        %dma_start3A_22 = arith.constant 0 : i32
        %dma_start3A_23 = tpu.memref_slice %arg8[%dma_start3A, %dma_start3A_22] : memref<10240x128xf32, #tpu.memory_space<vmem_shared>> -> memref<10240x128xf32, #tpu.memory_space<vmem_shared>>
        tpu.enqueue_indirect_dma source(%arg7 : memref<40x128xf32, #tpu.memory_space<vmem>>) target(%dma_start3A_23 : memref<10240x128xf32, #tpu.memory_space<vmem_shared>>) offsets(%arg6 : memref<40xi32, #tpu.memory_space<vmem>>) semaphore(%run_scoped3A : memref<!tpu.dma_semaphore, #tpu.memory_space<semaphore_mem>>) {add = true}
        %dma_wait3A = arith.constant 0 : i32
        %dma_wait3A_24 = arith.constant 0 : i32
        %dma_wait3A_25 = tpu.memref_slice %arg8[%dma_wait3A, %dma_wait3A_24] : memref<10240x128xf32, #tpu.memory_space<vmem_shared>> -> memref<10240x128xf32, #tpu.memory_space<vmem_shared>>
        tpu.wait_indirect_dma semaphore(%run_scoped3A : memref<!tpu.dma_semaphore, #tpu.memory_space<semaphore_mem>>) src(%arg7 : memref<40x128xf32, #tpu.memory_space<vmem>>) dst(%dma_wait3A_25 : memref<10240x128xf32, #tpu.memory_space<vmem_shared>>)
        tpu.yield
      }) : () -> ()
    }
    %scan3A_6 = arith.constant 125 : i32
    %barrier3A_7 = arith.constant 0 : index
    tpu.barrier barrier_id(%barrier3A_7)
    %mul3A_8 = arith.constant 640 : i32
    %mul3A_9 = arith.muli %arg1, %mul3A_8 : i32
    %mul3A_10 = arith.constant 640 : i32
    %mul3A_11 = arith.muli %arg1, %mul3A_10 : i32
    "tpu.region"() ({
      %run_scoped3A = tpu.sem_alloc : memref<!tpu.dma_semaphore, #tpu.memory_space<semaphore_mem>>
      %dma_start3A = arith.constant 0 : i32
      %dma_start3A_12 = tpu.memref_slice %arg5[%arg0, %mul3A_11, %dma_start3A] : memref<2x10240x128xf32, #tpu.memory_space<hbm>> -> memref<1x640x128xf32, #tpu.memory_space<hbm>>
      %dma_start3A_13 = tpu.memref_squeeze %dma_start3A_12 : memref<1x640x128xf32, #tpu.memory_space<hbm>> -> memref<640x128xf32, #tpu.memory_space<hbm>>
      %dma_start3A_14 = arith.constant 0 : i32
      %dma_start3A_15 = tpu.memref_slice %arg8[%mul3A_9, %dma_start3A_14] : memref<10240x128xf32, #tpu.memory_space<vmem_shared>> -> memref<640x128xf32, #tpu.memory_space<vmem_shared>>
      tpu.enqueue_dma source(%dma_start3A_15 : memref<640x128xf32, #tpu.memory_space<vmem_shared>>) target(%dma_start3A_13 : memref<640x128xf32, #tpu.memory_space<hbm>>) target_semaphore(%run_scoped3A : memref<!tpu.dma_semaphore, #tpu.memory_space<semaphore_mem>>)
      %dma_wait3A = arith.constant 0 : i32
      %dma_wait3A_16 = tpu.memref_slice %arg5[%arg0, %mul3A_11, %dma_wait3A] : memref<2x10240x128xf32, #tpu.memory_space<hbm>> -> memref<1x640x128xf32, #tpu.memory_space<hbm>>
      %dma_wait3A_17 = tpu.memref_squeeze %dma_wait3A_16 : memref<1x640x128xf32, #tpu.memory_space<hbm>> -> memref<640x128xf32, #tpu.memory_space<hbm>>
      %dma_wait3A_18 = arith.constant 0 : i32
      %dma_wait3A_19 = tpu.memref_slice %arg8[%mul3A_9, %dma_wait3A_18] : memref<10240x128xf32, #tpu.memory_space<vmem_shared>> -> memref<640x128xf32, #tpu.memory_space<vmem_shared>>
      tpu.wait_dma2 semaphore(%run_scoped3A : memref<!tpu.dma_semaphore, #tpu.memory_space<semaphore_mem>>) src(%dma_wait3A_19 : memref<640x128xf32, #tpu.memory_space<vmem_shared>>) dst(%dma_wait3A_17 : memref<640x128xf32, #tpu.memory_space<hbm>>)
      tpu.yield
    }) : () -> ()
    return
  }
}

#map = affine_map<(d0, d1) -> (0, 0)>
#map1 = affine_map<(d0, d1) -> (0, 0, 0)>
module attributes {stable_mosaic.version = 14 : i64} {
  func.func @k(%arg0: i32, %arg1: i32, %arg2: memref<160000x128xf32, #tpu.memory_space<hbm>>, %arg3: memref<32x125x40xi32, #tpu.memory_space<hbm>>, %arg4: memref<10240x128xf32, #tpu.memory_space<hbm>>, %arg5: memref<2x10240x128xf32, #tpu.memory_space<hbm>>, %arg6: memref<40xi32, #tpu.memory_space<vmem>>, %arg7: memref<40x128xf32, #tpu.memory_space<vmem>>, %arg8: memref<10240x128xf32, #tpu.memory_space<vmem_shared>>) attributes {dimension_semantics = [#tpu.dimension_semantics<core_parallel>, #tpu.dimension_semantics<subcore_parallel>], iteration_bounds = array<i64: 2, 16>, scalar_prefetch = 0 : i64, scratch_operands = 3 : i64, tpu.core_type = #tpu.core_type<sc_vector_subcore>, window_params = [{transform_indices = #map}, {transform_indices = #map1}, {transform_indices = #map}, {transform_indices = #map1}]} {
    %mul3A = arith.constant 16 : i32
    %mul3A_0 = arith.muli %arg0, %mul3A : i32
    %add3A = arith.addi %mul3A_0, %arg1 : i32
    %eq3A = arith.constant 0 : i32
    %eq3A_1 = arith.cmpi eq, %arg1, %eq3A : i32
    %convert_element_type3A = arith.extui %eq3A_1 : i1 to i32
    %cond3A = arith.constant 0 : i32
    %cond3A_2 = arith.cmpi ne, %convert_element_type3A, %cond3A : i32
    scf.if %cond3A_2 {
      "tpu.region"() ({
        %run_scoped3A = tpu.sem_alloc : memref<!tpu.dma_semaphore, #tpu.memory_space<semaphore_mem>>
        tpu.enqueue_dma source(%arg4 : memref<10240x128xf32, #tpu.memory_space<hbm>>) target(%arg8 : memref<10240x128xf32, #tpu.memory_space<vmem_shared>>) target_semaphore(%run_scoped3A : memref<!tpu.dma_semaphore, #tpu.memory_space<semaphore_mem>>)
        tpu.wait_dma2 semaphore(%run_scoped3A : memref<!tpu.dma_semaphore, #tpu.memory_space<semaphore_mem>>) src(%arg4 : memref<10240x128xf32, #tpu.memory_space<hbm>>) dst(%arg8 : memref<10240x128xf32, #tpu.memory_space<vmem_shared>>)
        tpu.yield
      }) : () -> ()
    } else {
    }
    %barrier3A = arith.constant 0 : index
    tpu.barrier barrier_id(%barrier3A)
    %scan3A = arith.constant 0 : i32
    %scan3A_3 = arith.constant 125 : i32
    %scan3A_4 = arith.addi %scan3A, %scan3A_3 : i32
    %scan3A_5 = arith.constant 1 : i32
    scf.for %scan3A_12 = %scan3A to %scan3A_4 step %scan3A_5  : i32 {
      %mul3A_13 = arith.constant 1 : i32
      %mul3A_14 = arith.muli %scan3A_12, %mul3A_13 : i32
      %add3A_15 = arith.constant 0 : i32
      %add3A_16 = arith.addi %add3A_15, %mul3A_14 : i32
      %mul3A_17 = arith.constant 125 : i32
      %mul3A_18 = arith.muli %add3A, %mul3A_17 : i32
      %add3A_19 = arith.addi %mul3A_18, %add3A_16 : i32
      %mul3A_20 = arith.constant 40 : i32
      %mul3A_21 = arith.muli %add3A_19, %mul3A_20 : i32
      "tpu.region"() ({
        %run_scoped3A = tpu.sem_alloc : memref<!tpu.dma_semaphore, #tpu.memory_space<semaphore_mem>>
        %dma_start3A = arith.constant 0 : i32
        %dma_start3A_22 = tpu.memref_slice %arg3[%add3A, %add3A_16, %dma_start3A] : memref<32x125x40xi32, #tpu.memory_space<hbm>> -> memref<1x1x40xi32, #tpu.memory_space<hbm>>
        %dma_start3A_23 = tpu.memref_squeeze %dma_start3A_22 : memref<1x1x40xi32, #tpu.memory_space<hbm>> -> memref<40xi32, #tpu.memory_space<hbm>>
        %dma_start3A_24 = arith.constant 0 : i32
        %dma_start3A_25 = tpu.memref_slice %arg3[%add3A, %add3A_16, %dma_start3A_24] : memref<32x125x40xi32, #tpu.memory_space<hbm>> -> memref<1x1x40xi32, #tpu.memory_space<hbm>>
        %dma_start3A_26 = tpu.memref_squeeze %dma_start3A_25 : memref<1x1x40xi32, #tpu.memory_space<hbm>> -> memref<40xi32, #tpu.memory_space<hbm>>
        tpu.enqueue_dma source(%dma_start3A_26 : memref<40xi32, #tpu.memory_space<hbm>>) target(%arg6 : memref<40xi32, #tpu.memory_space<vmem>>) target_semaphore(%run_scoped3A : memref<!tpu.dma_semaphore, #tpu.memory_space<semaphore_mem>>)
        %dma_wait3A = arith.constant 0 : i32
        %dma_wait3A_27 = tpu.memref_slice %arg3[%add3A, %add3A_16, %dma_wait3A] : memref<32x125x40xi32, #tpu.memory_space<hbm>> -> memref<1x1x40xi32, #tpu.memory_space<hbm>>
        %dma_wait3A_28 = tpu.memref_squeeze %dma_wait3A_27 : memref<1x1x40xi32, #tpu.memory_space<hbm>> -> memref<40xi32, #tpu.memory_space<hbm>>
        %dma_wait3A_29 = arith.constant 0 : i32
        %dma_wait3A_30 = tpu.memref_slice %arg3[%add3A, %add3A_16, %dma_wait3A_29] : memref<32x125x40xi32, #tpu.memory_space<hbm>> -> memref<1x1x40xi32, #tpu.memory_space<hbm>>
        %dma_wait3A_31 = tpu.memref_squeeze %dma_wait3A_30 : memref<1x1x40xi32, #tpu.memory_space<hbm>> -> memref<40xi32, #tpu.memory_space<hbm>>
        tpu.wait_dma2 semaphore(%run_scoped3A : memref<!tpu.dma_semaphore, #tpu.memory_space<semaphore_mem>>) src(%dma_wait3A_31 : memref<40xi32, #tpu.memory_space<hbm>>) dst(%arg6 : memref<40xi32, #tpu.memory_space<vmem>>)
        tpu.yield
      }) : () -> ()
      "tpu.region"() ({
        %run_scoped3A = tpu.sem_alloc : memref<!tpu.dma_semaphore, #tpu.memory_space<semaphore_mem>>
        %dma_start3A = arith.constant 0 : i32
        %dma_start3A_22 = tpu.memref_slice %arg2[%mul3A_21, %dma_start3A] : memref<160000x128xf32, #tpu.memory_space<hbm>> -> memref<40x128xf32, #tpu.memory_space<hbm>>
        %dma_start3A_23 = arith.constant 0 : i32
        %dma_start3A_24 = tpu.memref_slice %arg2[%mul3A_21, %dma_start3A_23] : memref<160000x128xf32, #tpu.memory_space<hbm>> -> memref<40x128xf32, #tpu.memory_space<hbm>>
        tpu.enqueue_dma source(%dma_start3A_24 : memref<40x128xf32, #tpu.memory_space<hbm>>) target(%arg7 : memref<40x128xf32, #tpu.memory_space<vmem>>) target_semaphore(%run_scoped3A : memref<!tpu.dma_semaphore, #tpu.memory_space<semaphore_mem>>)
        %dma_wait3A = arith.constant 0 : i32
        %dma_wait3A_25 = tpu.memref_slice %arg2[%mul3A_21, %dma_wait3A] : memref<160000x128xf32, #tpu.memory_space<hbm>> -> memref<40x128xf32, #tpu.memory_space<hbm>>
        %dma_wait3A_26 = arith.constant 0 : i32
        %dma_wait3A_27 = tpu.memref_slice %arg2[%mul3A_21, %dma_wait3A_26] : memref<160000x128xf32, #tpu.memory_space<hbm>> -> memref<40x128xf32, #tpu.memory_space<hbm>>
        tpu.wait_dma2 semaphore(%run_scoped3A : memref<!tpu.dma_semaphore, #tpu.memory_space<semaphore_mem>>) src(%dma_wait3A_27 : memref<40x128xf32, #tpu.memory_space<hbm>>) dst(%arg7 : memref<40x128xf32, #tpu.memory_space<vmem>>)
        tpu.yield
      }) : () -> ()
      "tpu.region"() ({
        %run_scoped3A = tpu.sem_alloc : memref<!tpu.dma_semaphore, #tpu.memory_space<semaphore_mem>>
        %dma_start3A = arith.constant 0 : i32
        %dma_start3A_22 = arith.constant 0 : i32
        %dma_start3A_23 = tpu.memref_slice %arg8[%dma_start3A, %dma_start3A_22] : memref<10240x128xf32, #tpu.memory_space<vmem_shared>> -> memref<10240x128xf32, #tpu.memory_space<vmem_shared>>
        tpu.enqueue_indirect_dma source(%arg7 : memref<40x128xf32, #tpu.memory_space<vmem>>) target(%dma_start3A_23 : memref<10240x128xf32, #tpu.memory_space<vmem_shared>>) offsets(%arg6 : memref<40xi32, #tpu.memory_space<vmem>>) semaphore(%run_scoped3A : memref<!tpu.dma_semaphore, #tpu.memory_space<semaphore_mem>>) {add = true}
        %dma_wait3A = arith.constant 0 : i32
        %dma_wait3A_24 = arith.constant 0 : i32
        %dma_wait3A_25 = tpu.memref_slice %arg8[%dma_wait3A, %dma_wait3A_24] : memref<10240x128xf32, #tpu.memory_space<vmem_shared>> -> memref<10240x128xf32, #tpu.memory_space<vmem_shared>>
        tpu.wait_indirect_dma semaphore(%run_scoped3A : memref<!tpu.dma_semaphore, #tpu.memory_space<semaphore_mem>>) src(%arg7 : memref<40x128xf32, #tpu.memory_space<vmem>>) dst(%dma_wait3A_25 : memref<10240x128xf32, #tpu.memory_space<vmem_shared>>)
        tpu.yield
      }) : () -> ()
    }
    %scan3A_6 = arith.constant 125 : i32
    %barrier3A_7 = arith.constant 0 : index
    tpu.barrier barrier_id(%barrier3A_7)
    %mul3A_8 = arith.constant 640 : i32
    %mul3A_9 = arith.muli %arg1, %mul3A_8 : i32
    %mul3A_10 = arith.constant 640 : i32
    %mul3A_11 = arith.muli %arg1, %mul3A_10 : i32
    "tpu.region"() ({
      %run_scoped3A = tpu.sem_alloc : memref<!tpu.dma_semaphore, #tpu.memory_space<semaphore_mem>>
      %dma_start3A = arith.constant 0 : i32
      %dma_start3A_12 = tpu.memref_slice %arg5[%arg0, %mul3A_11, %dma_start3A] : memref<2x10240x128xf32, #tpu.memory_space<hbm>> -> memref<1x640x128xf32, #tpu.memory_space<hbm>>
      %dma_start3A_13 = tpu.memref_squeeze %dma_start3A_12 : memref<1x640x128xf32, #tpu.memory_space<hbm>> -> memref<640x128xf32, #tpu.memory_space<hbm>>
      %dma_start3A_14 = arith.constant 0 : i32
      %dma_start3A_15 = tpu.memref_slice %arg8[%mul3A_9, %dma_start3A_14] : memref<10240x128xf32, #tpu.memory_space<vmem_shared>> -> memref<640x128xf32, #tpu.memory_space<vmem_shared>>
      tpu.enqueue_dma source(%dma_start3A_15 : memref<640x128xf32, #tpu.memory_space<vmem_shared>>) target(%dma_start3A_13 : memref<640x128xf32, #tpu.memory_space<hbm>>) target_semaphore(%run_scoped3A : memref<!tpu.dma_semaphore, #tpu.memory_space<semaphore_mem>>)
      %dma_wait3A = arith.constant 0 : i32
      %dma_wait3A_16 = tpu.memref_slice %arg5[%arg0, %mul3A_11, %dma_wait3A] : memref<2x10240x128xf32, #tpu.memory_space<hbm>> -> memref<1x640x128xf32, #tpu.memory_space<hbm>>
      %dma_wait3A_17 = tpu.memref_squeeze %dma_wait3A_16 : memref<1x640x128xf32, #tpu.memory_space<hbm>> -> memref<640x128xf32, #tpu.memory_space<hbm>>
      %dma_wait3A_18 = arith.constant 0 : i32
      %dma_wait3A_19 = tpu.memref_slice %arg8[%mul3A_9, %dma_wait3A_18] : memref<10240x128xf32, #tpu.memory_space<vmem_shared>> -> memref<640x128xf32, #tpu.memory_space<vmem_shared>>
      tpu.wait_dma2 semaphore(%run_scoped3A : memref<!tpu.dma_semaphore, #tpu.memory_space<semaphore_mem>>) src(%dma_wait3A_19 : memref<640x128xf32, #tpu.memory_space<vmem_shared>>) dst(%dma_wait3A_17 : memref<640x128xf32, #tpu.memory_space<hbm>>)
      tpu.yield
    }) : () -> ()
    return
  }
}

#map = affine_map<(d0, d1) -> (0, 0)>
module attributes {stable_mosaic.version = 14 : i64} {
  func.func @k(%arg0: i32, %arg1: i32, %arg2: memref<10000x256xf32, #tpu.memory_space<hbm>>, %arg3: memref<1x320000xi32, #tpu.memory_space<hbm>>, %arg4: memref<320000x256xf32, #tpu.memory_space<hbm>>) attributes {dimension_semantics = [#tpu.dimension_semantics<core_parallel>, #tpu.dimension_semantics<subcore_parallel>], iteration_bounds = array<i64: 2, 16>, scalar_prefetch = 0 : i64, scratch_operands = 0 : i64, tpu.core_type = #tpu.core_type<sc_vector_subcore>, window_params = [{transform_indices = #map}, {transform_indices = #map}, {transform_indices = #map}]} {
    %mul3A = arith.constant 1 : i32
    %mul3A_0 = arith.muli %arg1, %mul3A : i32
    %add3A = arith.constant 0 : i32
    %add3A_1 = arith.addi %add3A, %mul3A_0 : i32
    %mul3A_2 = arith.constant 16 : i32
    %mul3A_3 = arith.muli %arg0, %mul3A_2 : i32
    %add3A_4 = arith.addi %add3A_1, %mul3A_3 : i32
    %lt3A = arith.constant 4 : i32
    %lt3A_5 = arith.cmpi slt, %add3A_4, %lt3A : i32
    %jit3A = arith.constant 79 : i32
    %jit3A_6 = arith.constant 78 : i32
    %select_n3A = arith.select %lt3A_5, %jit3A, %jit3A_6 : i32
    %lt3A_7 = arith.constant 4 : i32
    %lt3A_8 = arith.cmpi slt, %add3A_4, %lt3A_7 : i32
    %mul3A_9 = arith.muli %add3A_4, %select_n3A : i32
    %mul3A_10 = arith.constant 78 : i32
    %mul3A_11 = arith.muli %add3A_4, %mul3A_10 : i32
    %add3A_12 = arith.constant 4 : i32
    %add3A_13 = arith.addi %mul3A_11, %add3A_12 : i32
    %select_n3A_14 = arith.select %lt3A_8, %mul3A_9, %add3A_13 : i32
    %mul3A_15 = arith.constant 1 : i32
    %mul3A_16 = arith.muli %mul3A_15, %select_n3A : i32
    "tpu.region"() ({
      %run_scoped3A = memref.alloca() : memref<2x1x128xi32, #tpu.memory_space<vmem>>
      %run_scoped3A_17 = tpu.sem_alloc : memref<2x!tpu.dma_semaphore, #tpu.memory_space<semaphore_mem>>
      %run_scoped3A_18 = memref.alloca() : memref<2x128x256xf32, #tpu.memory_space<vmem>>
      %run_scoped3A_19 = tpu.sem_alloc : memref<2x!tpu.dma_semaphore, #tpu.memory_space<semaphore_mem>>
      %gt3A = arith.constant 0 : i32
      %gt3A_20 = arith.cmpi sgt, %mul3A_16, %gt3A : i32
      %convert_element_type3A = arith.extui %gt3A_20 : i1 to i32
      %cond3A = arith.constant 0 : i32
      %cond3A_21 = arith.cmpi ne, %convert_element_type3A, %cond3A : i32
      scf.if %cond3A_21 {
        %mul3A_22 = arith.constant 1 : i32
        %mul3A_23 = arith.muli %mul3A_22, %select_n3A : i32
        %sub3A = arith.constant 1 : i32
        %sub3A_24 = arith.subi %mul3A_23, %sub3A : i32
        %eq3A = arith.constant 0 : i32
        %eq3A_25 = arith.cmpi eq, %sub3A_24, %eq3A : i32
        %add3A_26 = arith.constant 0 : i32
        %add3A_27 = arith.addi %add3A_26, %select_n3A_14 : i32
        %select_n3A_28 = arith.constant true
        %select_n3A_29 = arith.constant 0 : i32
        %select_n3A_30 = arith.constant -1 : i32
        %select_n3A_31 = arith.select %select_n3A_28, %select_n3A_30, %select_n3A_29 : i32
        %eq3A_32 = arith.constant -1 : i32
        %eq3A_33 = arith.cmpi eq, %select_n3A_31, %eq3A_32 : i32
        %sub3A_34 = arith.constant 1 : i32
        %sub3A_35 = arith.subi %select_n3A, %sub3A_34 : i32
        %select_n3A_36 = arith.select %eq3A_33, %sub3A_35, %select_n3A_31 : i32
        %add3A_37 = arith.addi %select_n3A_36, %select_n3A_14 : i32
        %select_n3A_38 = arith.constant true
        %select_n3A_39 = arith.constant 0 : i32
        %select_n3A_40 = arith.constant 1 : i32
        %select_n3A_41 = arith.select %select_n3A_38, %select_n3A_40, %select_n3A_39 : i32
        %eq3A_42 = arith.cmpi eq, %select_n3A_41, %select_n3A : i32
        %select_n3A_43 = arith.constant 0 : i32
        %select_n3A_44 = arith.select %eq3A_42, %select_n3A_43, %select_n3A_41 : i32
        %add3A_45 = arith.addi %select_n3A_44, %select_n3A_14 : i32
        %add3A_46 = arith.constant 1 : i32
        %add3A_47 = arith.addi %select_n3A_44, %add3A_46 : i32
        %select_n3A_48 = arith.constant true
        %select_n3A_49 = arith.select %select_n3A_48, %add3A_47, %select_n3A_44 : i32
        %eq3A_50 = arith.cmpi eq, %select_n3A_49, %select_n3A : i32
        %select_n3A_51 = arith.constant 0 : i32
        %select_n3A_52 = arith.select %eq3A_50, %select_n3A_51, %select_n3A_49 : i32
        %add3A_53 = arith.addi %select_n3A_52, %select_n3A_14 : i32
        "tpu.trace_start"() <{level = 10 : i32, message = "ep_initialize_0"}> : () -> ()
        %rem3A = arith.constant 0 : i32
        %rem3A_54 = arith.constant 2 : i32
        %rem3A_55 = arith.remui %rem3A, %rem3A_54 : i32
        %mul3A_56 = arith.constant 128 : i32
        %mul3A_57 = arith.muli %mul3A_56, %add3A_27 : i32
        %dma_start3A = arith.constant 0 : i32
        %dma_start3A_58 = arith.constant 0 : i32
        %dma_start3A_59 = tpu.memref_slice %run_scoped3A[%rem3A_55, %dma_start3A, %dma_start3A_58] : memref<2x1x128xi32, #tpu.memory_space<vmem>> -> memref<1x1x128xi32, #tpu.memory_space<vmem>>
        %dma_start3A_60 = tpu.memref_squeeze %dma_start3A_59 : memref<1x1x128xi32, #tpu.memory_space<vmem>> -> memref<1x128xi32, #tpu.memory_space<vmem>>
        %dma_start3A_61 = arith.constant 0 : i32
        %dma_start3A_62 = tpu.memref_slice %arg3[%dma_start3A_61, %mul3A_57] : memref<1x320000xi32, #tpu.memory_space<hbm>> -> memref<1x128xi32, #tpu.memory_space<hbm>>
        %dma_start3A_63 = tpu.memref_slice %run_scoped3A_17[%rem3A_55] : memref<2x!tpu.dma_semaphore, #tpu.memory_space<semaphore_mem>> -> memref<1x!tpu.dma_semaphore, #tpu.memory_space<semaphore_mem>>
        %dma_start3A_64 = tpu.memref_squeeze %dma_start3A_63 : memref<1x!tpu.dma_semaphore, #tpu.memory_space<semaphore_mem>> -> memref<!tpu.dma_semaphore, #tpu.memory_space<semaphore_mem>>
        %dma_start3A_65 = arith.constant 0 : i32
        %dma_start3A_66 = arith.constant 0 : i32
        %dma_start3A_67 = tpu.memref_slice %run_scoped3A[%rem3A_55, %dma_start3A_65, %dma_start3A_66] : memref<2x1x128xi32, #tpu.memory_space<vmem>> -> memref<1x1x128xi32, #tpu.memory_space<vmem>>
        %dma_start3A_68 = tpu.memref_squeeze %dma_start3A_67 : memref<1x1x128xi32, #tpu.memory_space<vmem>> -> memref<1x128xi32, #tpu.memory_space<vmem>>
        %dma_start3A_69 = arith.constant 0 : i32
        %dma_start3A_70 = tpu.memref_slice %arg3[%dma_start3A_69, %mul3A_57] : memref<1x320000xi32, #tpu.memory_space<hbm>> -> memref<1x128xi32, #tpu.memory_space<hbm>>
        tpu.enqueue_dma source(%dma_start3A_70 : memref<1x128xi32, #tpu.memory_space<hbm>>) target(%dma_start3A_68 : memref<1x128xi32, #tpu.memory_space<vmem>>) target_semaphore(%dma_start3A_64 : memref<!tpu.dma_semaphore, #tpu.memory_space<semaphore_mem>>)
        %add3A_71 = arith.constant 0 : i32
        %add3A_72 = arith.constant 1 : i32
        %add3A_73 = arith.addi %add3A_71, %add3A_72 : i32
        %select_n3A_74 = arith.constant true
        %select_n3A_75 = arith.constant 0 : i32
        %select_n3A_76 = arith.select %select_n3A_74, %add3A_73, %select_n3A_75 : i32
        %while3A = arith.constant 0 : i32
        %while3A_77 = arith.constant 0 : i32
        %while3A_78 = arith.constant 0 : i32
        %while3A_79 = arith.constant 0 : i32
        %while3A_80 = arith.constant 0 : i32
        "tpu.trace_stop"() : () -> ()
        %while3A_81 = arith.subi %mul3A_16, %while3A : i32
        %while3A_82 = arith.addi %while3A, %while3A_81 : i32
        %while3A_83 = arith.constant 1 : i32
        %while3A_84 = arith.divsi %while3A_81, %while3A_83 : i32
        %while3A_85 = arith.muli %while3A_84, %while3A_83 : i32
        %while3A_86 = arith.addi %while3A, %while3A_85 : i32
        %while3A_87 = arith.constant 1 : i32
        %while3A_88:5 = scf.for %while3A_142 = %while3A to %while3A_86 step %while3A_87 iter_args(%while3A_143 = %select_n3A_76, %while3A_144 = %while3A_77, %while3A_145 = %while3A_78, %while3A_146 = %while3A_79, %while3A_147 = %while3A_80) -> (i32, i32, i32, i32, i32)  : i32 {
          %mul3A_148 = arith.constant 1 : i32
          %mul3A_149 = arith.muli %mul3A_148, %select_n3A : i32
          %eq3A_150 = arith.constant 0 : i32
          %eq3A_151 = arith.cmpi eq, %while3A_142, %eq3A_150 : i32
          %sub3A_152 = arith.constant 1 : i32
          %sub3A_153 = arith.subi %mul3A_149, %sub3A_152 : i32
          %eq3A_154 = arith.cmpi eq, %while3A_142, %sub3A_153 : i32
          %add3A_155 = arith.addi %while3A_147, %select_n3A_14 : i32
          %sub3A_156 = arith.constant 1 : i32
          %sub3A_157 = arith.subi %while3A_147, %sub3A_156 : i32
          %select_n3A_158 = arith.constant true
          %select_n3A_159 = arith.select %select_n3A_158, %sub3A_157, %while3A_147 : i32
          %eq3A_160 = arith.constant -1 : i32
          %eq3A_161 = arith.cmpi eq, %select_n3A_159, %eq3A_160 : i32
          %sub3A_162 = arith.constant 1 : i32
          %sub3A_163 = arith.subi %select_n3A, %sub3A_162 : i32
          %select_n3A_164 = arith.select %eq3A_161, %sub3A_163, %select_n3A_159 : i32
          %add3A_165 = arith.addi %select_n3A_164, %select_n3A_14 : i32
          %add3A_166 = arith.constant 1 : i32
          %add3A_167 = arith.addi %while3A_147, %add3A_166 : i32
          %select_n3A_168 = arith.constant true
          %select_n3A_169 = arith.select %select_n3A_168, %add3A_167, %while3A_147 : i32
          %eq3A_170 = arith.cmpi eq, %select_n3A_169, %select_n3A : i32
          %select_n3A_171 = arith.constant 0 : i32
          %select_n3A_172 = arith.select %eq3A_170, %select_n3A_171, %select_n3A_169 : i32
          %add3A_173 = arith.addi %select_n3A_172, %select_n3A_14 : i32
          %add3A_174 = arith.constant 1 : i32
          %add3A_175 = arith.addi %select_n3A_172, %add3A_174 : i32
          %select_n3A_176 = arith.constant true
          %select_n3A_177 = arith.select %select_n3A_176, %add3A_175, %select_n3A_172 : i32
          %eq3A_178 = arith.cmpi eq, %select_n3A_177, %select_n3A : i32
          %select_n3A_179 = arith.constant 0 : i32
          %select_n3A_180 = arith.select %eq3A_178, %select_n3A_179, %select_n3A_177 : i32
          %add3A_181 = arith.addi %select_n3A_180, %select_n3A_14 : i32
          %ne3A = arith.cmpi ne, %add3A_155, %add3A_173 : i32
          %or3A = arith.constant false
          %or3A_182 = arith.ori %or3A, %ne3A : i1
          %sub3A_183 = arith.constant 2 : i32
          %sub3A_184 = arith.subi %mul3A_149, %sub3A_183 : i32
          %add3A_185 = arith.constant 1 : i32
          %add3A_186 = arith.addi %sub3A_184, %add3A_185 : i32
          %ge3A = arith.cmpi sge, %while3A_142, %add3A_186 : i32
          %not3A = arith.constant true
          %not3A_187 = arith.xori %ge3A, %not3A : i1
          %and3A = arith.andi %or3A_182, %not3A_187 : i1
          %convert_element_type3A_188 = arith.extui %and3A : i1 to i32
          %cond3A_189 = arith.constant 0 : i32
          %cond3A_190 = arith.cmpi ne, %convert_element_type3A_188, %cond3A_189 : i32
          scf.if %cond3A_190 {
            "tpu.trace_start"() <{level = 10 : i32, message = "ep_copy_in"}> : () -> ()
            %rem3A_294 = arith.constant 2 : i32
            %rem3A_295 = arith.remui %while3A_143, %rem3A_294 : i32
            %mul3A_296 = arith.constant 128 : i32
            %mul3A_297 = arith.muli %mul3A_296, %add3A_173 : i32
            %dma_start3A_298 = arith.constant 0 : i32
            %dma_start3A_299 = arith.constant 0 : i32
            %dma_start3A_300 = tpu.memref_slice %run_scoped3A[%rem3A_295, %dma_start3A_298, %dma_start3A_299] : memref<2x1x128xi32, #tpu.memory_space<vmem>> -> memref<1x1x128xi32, #tpu.memory_space<vmem>>
            %dma_start3A_301 = tpu.memref_squeeze %dma_start3A_300 : memref<1x1x128xi32, #tpu.memory_space<vmem>> -> memref<1x128xi32, #tpu.memory_space<vmem>>
            %dma_start3A_302 = arith.constant 0 : i32
            %dma_start3A_303 = tpu.memref_slice %arg3[%dma_start3A_302, %mul3A_297] : memref<1x320000xi32, #tpu.memory_space<hbm>> -> memref<1x128xi32, #tpu.memory_space<hbm>>
            %dma_start3A_304 = tpu.memref_slice %run_scoped3A_17[%rem3A_295] : memref<2x!tpu.dma_semaphore, #tpu.memory_space<semaphore_mem>> -> memref<1x!tpu.dma_semaphore, #tpu.memory_space<semaphore_mem>>
            %dma_start3A_305 = tpu.memref_squeeze %dma_start3A_304 : memref<1x!tpu.dma_semaphore, #tpu.memory_space<semaphore_mem>> -> memref<!tpu.dma_semaphore, #tpu.memory_space<semaphore_mem>>
            %dma_start3A_306 = arith.constant 0 : i32
            %dma_start3A_307 = arith.constant 0 : i32
            %dma_start3A_308 = tpu.memref_slice %run_scoped3A[%rem3A_295, %dma_start3A_306, %dma_start3A_307] : memref<2x1x128xi32, #tpu.memory_space<vmem>> -> memref<1x1x128xi32, #tpu.memory_space<vmem>>
            %dma_start3A_309 = tpu.memref_squeeze %dma_start3A_308 : memref<1x1x128xi32, #tpu.memory_space<vmem>> -> memref<1x128xi32, #tpu.memory_space<vmem>>
            %dma_start3A_310 = arith.constant 0 : i32
            %dma_start3A_311 = tpu.memref_slice %arg3[%dma_start3A_310, %mul3A_297] : memref<1x320000xi32, #tpu.memory_space<hbm>> -> memref<1x128xi32, #tpu.memory_space<hbm>>
            tpu.enqueue_dma source(%dma_start3A_311 : memref<1x128xi32, #tpu.memory_space<hbm>>) target(%dma_start3A_309 : memref<1x128xi32, #tpu.memory_space<vmem>>) target_semaphore(%dma_start3A_305 : memref<!tpu.dma_semaphore, #tpu.memory_space<semaphore_mem>>)
            "tpu.trace_stop"() : () -> ()
          } else {
          }
          %and3A_191 = arith.constant true
          %and3A_192 = arith.andi %and3A, %and3A_191 : i1
          %add3A_193 = arith.constant 1 : i32
          %add3A_194 = arith.addi %while3A_143, %add3A_193 : i32
          %select_n3A_195 = arith.select %and3A_192, %add3A_194, %while3A_143 : i32
          %ne3A_196 = arith.cmpi ne, %add3A_155, %add3A_173 : i32
          %or3A_197 = arith.constant false
          %or3A_198 = arith.ori %or3A_197, %ne3A_196 : i1
          %or3A_199 = arith.constant false
          %or3A_200 = arith.ori %or3A_198, %or3A_199 : i1
          %sub3A_201 = arith.constant 2 : i32
          %sub3A_202 = arith.subi %mul3A_149, %sub3A_201 : i32
          %add3A_203 = arith.constant 1 : i32
          %add3A_204 = arith.addi %sub3A_202, %add3A_203 : i32
          %ge3A_205 = arith.cmpi sge, %while3A_142, %add3A_204 : i32
          %not3A_206 = arith.constant true
          %not3A_207 = arith.xori %ge3A_205, %not3A_206 : i1
          %and3A_208 = arith.andi %or3A_200, %not3A_207 : i1
          %ne3A_209 = arith.cmpi ne, %add3A_155, %add3A_165 : i32
          %or3A_210 = arith.constant false
          %or3A_211 = arith.ori %or3A_210, %ne3A_209 : i1
          %or3A_212 = arith.ori %or3A_211, %eq3A_151 : i1
          %convert_element_type3A_213 = arith.extui %or3A_212 : i1 to i32
          %cond3A_214 = arith.constant 0 : i32
          %cond3A_215 = arith.cmpi ne, %convert_element_type3A_213, %cond3A_214 : i32
          scf.if %cond3A_215 {
            "tpu.trace_start"() <{level = 10 : i32, message = "ep_wait_in"}> : () -> ()
            %mul3A_294 = arith.constant 128 : i32
            %mul3A_295 = arith.muli %mul3A_294, %add3A_155 : i32
            %rem3A_296 = arith.constant 2 : i32
            %rem3A_297 = arith.remui %while3A_144, %rem3A_296 : i32
            %dma_wait3A = arith.constant 0 : i32
            %dma_wait3A_298 = arith.constant 0 : i32
            %dma_wait3A_299 = tpu.memref_slice %run_scoped3A[%rem3A_297, %dma_wait3A, %dma_wait3A_298] : memref<2x1x128xi32, #tpu.memory_space<vmem>> -> memref<1x1x128xi32, #tpu.memory_space<vmem>>
            %dma_wait3A_300 = tpu.memref_squeeze %dma_wait3A_299 : memref<1x1x128xi32, #tpu.memory_space<vmem>> -> memref<1x128xi32, #tpu.memory_space<vmem>>
            %dma_wait3A_301 = arith.constant 0 : i32
            %dma_wait3A_302 = tpu.memref_slice %arg3[%dma_wait3A_301, %mul3A_295] : memref<1x320000xi32, #tpu.memory_space<hbm>> -> memref<1x128xi32, #tpu.memory_space<hbm>>
            %dma_wait3A_303 = tpu.memref_slice %run_scoped3A_17[%rem3A_297] : memref<2x!tpu.dma_semaphore, #tpu.memory_space<semaphore_mem>> -> memref<1x!tpu.dma_semaphore, #tpu.memory_space<semaphore_mem>>
            %dma_wait3A_304 = tpu.memref_squeeze %dma_wait3A_303 : memref<1x!tpu.dma_semaphore, #tpu.memory_space<semaphore_mem>> -> memref<!tpu.dma_semaphore, #tpu.memory_space<semaphore_mem>>
            %dma_wait3A_305 = arith.constant 0 : i32
            %dma_wait3A_306 = arith.constant 0 : i32
            %dma_wait3A_307 = tpu.memref_slice %run_scoped3A[%rem3A_297, %dma_wait3A_305, %dma_wait3A_306] : memref<2x1x128xi32, #tpu.memory_space<vmem>> -> memref<1x1x128xi32, #tpu.memory_space<vmem>>
            %dma_wait3A_308 = tpu.memref_squeeze %dma_wait3A_307 : memref<1x1x128xi32, #tpu.memory_space<vmem>> -> memref<1x128xi32, #tpu.memory_space<vmem>>
            %dma_wait3A_309 = arith.constant 0 : i32
            %dma_wait3A_310 = tpu.memref_slice %arg3[%dma_wait3A_309, %mul3A_295] : memref<1x320000xi32, #tpu.memory_space<hbm>> -> memref<1x128xi32, #tpu.memory_space<hbm>>
            tpu.wait_dma2 semaphore(%dma_wait3A_304 : memref<!tpu.dma_semaphore, #tpu.memory_space<semaphore_mem>>) src(%dma_wait3A_310 : memref<1x128xi32, #tpu.memory_space<hbm>>) dst(%dma_wait3A_308 : memref<1x128xi32, #tpu.memory_space<vmem>>)
            "tpu.trace_stop"() : () -> ()
          } else {
          }
          %ne3A_216 = arith.cmpi ne, %add3A_155, %add3A_165 : i32
          %or3A_217 = arith.constant false
          %or3A_218 = arith.ori %or3A_217, %ne3A_216 : i1
          %or3A_219 = arith.constant false
          %or3A_220 = arith.ori %or3A_218, %or3A_219 : i1
          %or3A_221 = arith.ori %or3A_220, %eq3A_151 : i1
          %convert_element_type3A_222 = arith.extui %or3A_221 : i1 to i32
          %cond3A_223 = arith.constant 0 : i32
          %cond3A_224 = arith.cmpi ne, %convert_element_type3A_222, %cond3A_223 : i32
          scf.if %cond3A_224 {
          } else {
          }
          %rem3A_225 = arith.constant 2 : i32
          %rem3A_226 = arith.remui %while3A_144, %rem3A_225 : i32
          %rem3A_227 = arith.constant 2 : i32
          %rem3A_228 = arith.remui %while3A_145, %rem3A_227 : i32
          %run_scoped3A_229 = arith.constant 0 : i32
          "tpu.trace_start"() <{level = 10 : i32, message = "ep_run_kernel"}> : () -> ()
          "tpu.region"() ({
            %run_scoped3A_294 = tpu.sem_alloc : memref<!tpu.dma_semaphore, #tpu.memory_space<semaphore_mem>>
            %dma_start3A_295 = arith.constant 0 : i32
            %dma_start3A_296 = arith.constant 0 : i32
            %dma_start3A_297 = tpu.memref_slice %run_scoped3A_18[%rem3A_228, %dma_start3A_295, %dma_start3A_296] : memref<2x128x256xf32, #tpu.memory_space<vmem>> -> memref<1x128x256xf32, #tpu.memory_space<vmem>>
            %dma_start3A_298 = tpu.memref_squeeze %dma_start3A_297 : memref<1x128x256xf32, #tpu.memory_space<vmem>> -> memref<128x256xf32, #tpu.memory_space<vmem>>
            %dma_start3A_299 = arith.constant 0 : i32
            %dma_start3A_300 = arith.constant 0 : i32
            %dma_start3A_301 = tpu.memref_slice %run_scoped3A[%rem3A_226, %dma_start3A_299, %dma_start3A_300] : memref<2x1x128xi32, #tpu.memory_space<vmem>> -> memref<1x1x128xi32, #tpu.memory_space<vmem>>
            %dma_start3A_302 = tpu.memref_squeeze %dma_start3A_301 : memref<1x1x128xi32, #tpu.memory_space<vmem>> -> memref<1x128xi32, #tpu.memory_space<vmem>>
            %dma_start3A_303 = arith.constant 0 : i32
            %dma_start3A_304 = tpu.memref_slice %dma_start3A_302[%run_scoped3A_229, %dma_start3A_303] : memref<1x128xi32, #tpu.memory_space<vmem>> -> memref<1x128xi32, #tpu.memory_space<vmem>>
            %dma_start3A_305 = tpu.memref_squeeze %dma_start3A_304 : memref<1x128xi32, #tpu.memory_space<vmem>> -> memref<128xi32, #tpu.memory_space<vmem>>
            %dma_start3A_306 = arith.constant 0 : i32
            %dma_start3A_307 = arith.constant 0 : i32
            %dma_start3A_308 = tpu.memref_slice %arg2[%dma_start3A_306, %dma_start3A_307] : memref<10000x256xf32, #tpu.memory_space<hbm>> -> memref<10000x256xf32, #tpu.memory_space<hbm>>
            tpu.enqueue_indirect_dma source(%dma_start3A_308 : memref<10000x256xf32, #tpu.memory_space<hbm>>) target(%dma_start3A_298 : memref<128x256xf32, #tpu.memory_space<vmem>>) offsets(%dma_start3A_305 : memref<128xi32, #tpu.memory_space<vmem>>) semaphore(%run_scoped3A_294 : memref<!tpu.dma_semaphore, #tpu.memory_space<semaphore_mem>>)
            %dma_wait3A = arith.constant 0 : i32
            %dma_wait3A_309 = arith.constant 0 : i32
            %dma_wait3A_310 = tpu.memref_slice %run_scoped3A_18[%rem3A_228, %dma_wait3A, %dma_wait3A_309] : memref<2x128x256xf32, #tpu.memory_space<vmem>> -> memref<1x128x256xf32, #tpu.memory_space<vmem>>
            %dma_wait3A_311 = tpu.memref_squeeze %dma_wait3A_310 : memref<1x128x256xf32, #tpu.memory_space<vmem>> -> memref<128x256xf32, #tpu.memory_space<vmem>>
            %dma_wait3A_312 = arith.constant 0 : i32
            %dma_wait3A_313 = arith.constant 0 : i32
            %dma_wait3A_314 = tpu.memref_slice %run_scoped3A[%rem3A_226, %dma_wait3A_312, %dma_wait3A_313] : memref<2x1x128xi32, #tpu.memory_space<vmem>> -> memref<1x1x128xi32, #tpu.memory_space<vmem>>
            %dma_wait3A_315 = tpu.memref_squeeze %dma_wait3A_314 : memref<1x1x128xi32, #tpu.memory_space<vmem>> -> memref<1x128xi32, #tpu.memory_space<vmem>>
            %dma_wait3A_316 = arith.constant 0 : i32
            %dma_wait3A_317 = tpu.memref_slice %dma_wait3A_315[%run_scoped3A_229, %dma_wait3A_316] : memref<1x128xi32, #tpu.memory_space<vmem>> -> memref<1x128xi32, #tpu.memory_space<vmem>>
            %dma_wait3A_318 = tpu.memref_squeeze %dma_wait3A_317 : memref<1x128xi32, #tpu.memory_space<vmem>> -> memref<128xi32, #tpu.memory_space<vmem>>
            %dma_wait3A_319 = arith.constant 0 : i32
            %dma_wait3A_320 = arith.constant 0 : i32
            %dma_wait3A_321 = tpu.memref_slice %arg2[%dma_wait3A_319, %dma_wait3A_320] : memref<10000x256xf32, #tpu.memory_space<hbm>> -> memref<10000x256xf32, #tpu.memory_space<hbm>>
            tpu.wait_indirect_dma semaphore(%run_scoped3A_294 : memref<!tpu.dma_semaphore, #tpu.memory_space<semaphore_mem>>) src(%dma_wait3A_321 : memref<10000x256xf32, #tpu.memory_space<hbm>>) dst(%dma_wait3A_311 : memref<128x256xf32, #tpu.memory_space<vmem>>)
            tpu.yield
          }) : () -> ()
          "tpu.trace_stop"() : () -> ()
          %ne3A_230 = arith.cmpi ne, %add3A_155, %add3A_173 : i32
          %or3A_231 = arith.constant false
          %or3A_232 = arith.ori %or3A_231, %ne3A_230 : i1
          %or3A_233 = arith.ori %or3A_232, %eq3A_154 : i1
          %convert_element_type3A_234 = arith.extui %or3A_233 : i1 to i32
          %cond3A_235 = arith.constant 0 : i32
          %cond3A_236 = arith.cmpi ne, %convert_element_type3A_234, %cond3A_235 : i32
          scf.if %cond3A_236 {
          } else {
          }
          %and3A_237 = arith.constant false
          %and3A_238 = arith.andi %or3A_233, %and3A_237 : i1
          %ne3A_239 = arith.cmpi ne, %add3A_155, %add3A_173 : i32
          %or3A_240 = arith.constant false
          %or3A_241 = arith.ori %or3A_240, %ne3A_239 : i1
          %or3A_242 = arith.constant false
          %or3A_243 = arith.ori %or3A_241, %or3A_242 : i1
          %or3A_244 = arith.ori %or3A_243, %eq3A_154 : i1
          %convert_element_type3A_245 = arith.extui %or3A_244 : i1 to i32
          %cond3A_246 = arith.constant 0 : i32
          %cond3A_247 = arith.cmpi ne, %convert_element_type3A_245, %cond3A_246 : i32
          scf.if %cond3A_247 {
            "tpu.trace_start"() <{level = 10 : i32, message = "ep_copy_out"}> : () -> ()
            %rem3A_294 = arith.constant 2 : i32
            %rem3A_295 = arith.remui %while3A_145, %rem3A_294 : i32
            %mul3A_296 = arith.constant 128 : i32
            %mul3A_297 = arith.muli %mul3A_296, %add3A_155 : i32
            %dma_start3A_298 = arith.constant 0 : i32
            %dma_start3A_299 = arith.constant 0 : i32
            %dma_start3A_300 = tpu.memref_slice %run_scoped3A_18[%rem3A_295, %dma_start3A_298, %dma_start3A_299] : memref<2x128x256xf32, #tpu.memory_space<vmem>> -> memref<1x128x256xf32, #tpu.memory_space<vmem>>
            %dma_start3A_301 = tpu.memref_squeeze %dma_start3A_300 : memref<1x128x256xf32, #tpu.memory_space<vmem>> -> memref<128x256xf32, #tpu.memory_space<vmem>>
            %dma_start3A_302 = arith.constant 0 : i32
            %dma_start3A_303 = tpu.memref_slice %arg4[%mul3A_297, %dma_start3A_302] : memref<320000x256xf32, #tpu.memory_space<hbm>> -> memref<128x256xf32, #tpu.memory_space<hbm>>
            %dma_start3A_304 = tpu.memref_slice %run_scoped3A_19[%rem3A_295] : memref<2x!tpu.dma_semaphore, #tpu.memory_space<semaphore_mem>> -> memref<1x!tpu.dma_semaphore, #tpu.memory_space<semaphore_mem>>
            %dma_start3A_305 = tpu.memref_squeeze %dma_start3A_304 : memref<1x!tpu.dma_semaphore, #tpu.memory_space<semaphore_mem>> -> memref<!tpu.dma_semaphore, #tpu.memory_space<semaphore_mem>>
            %dma_start3A_306 = arith.constant 0 : i32
            %dma_start3A_307 = tpu.memref_slice %arg4[%mul3A_297, %dma_start3A_306] : memref<320000x256xf32, #tpu.memory_space<hbm>> -> memref<128x256xf32, #tpu.memory_space<hbm>>
            %dma_start3A_308 = arith.constant 0 : i32
            %dma_start3A_309 = arith.constant 0 : i32
            %dma_start3A_310 = tpu.memref_slice %run_scoped3A_18[%rem3A_295, %dma_start3A_308, %dma_start3A_309] : memref<2x128x256xf32, #tpu.memory_space<vmem>> -> memref<1x128x256xf32, #tpu.memory_space<vmem>>
            %dma_start3A_311 = tpu.memref_squeeze %dma_start3A_310 : memref<1x128x256xf32, #tpu.memory_space<vmem>> -> memref<128x256xf32, #tpu.memory_space<vmem>>
            tpu.enqueue_dma source(%dma_start3A_311 : memref<128x256xf32, #tpu.memory_space<vmem>>) target(%dma_start3A_307 : memref<128x256xf32, #tpu.memory_space<hbm>>) target_semaphore(%dma_start3A_305 : memref<!tpu.dma_semaphore, #tpu.memory_space<semaphore_mem>>)
            "tpu.trace_stop"() : () -> ()
          } else {
          }
          %and3A_248 = arith.constant true
          %and3A_249 = arith.andi %or3A_244, %and3A_248 : i1
          %add3A_250 = arith.constant 1 : i32
          %add3A_251 = arith.addi %while3A_145, %add3A_250 : i32
          %select_n3A_252 = arith.select %and3A_249, %add3A_251, %while3A_145 : i32
          %ne3A_253 = arith.cmpi ne, %add3A_155, %add3A_165 : i32
          %or3A_254 = arith.constant false
          %or3A_255 = arith.ori %or3A_254, %ne3A_253 : i1
          %not3A_256 = arith.constant true
          %not3A_257 = arith.xori %eq3A_151, %not3A_256 : i1
          %and3A_258 = arith.andi %or3A_255, %not3A_257 : i1
          %convert_element_type3A_259 = arith.extui %and3A_258 : i1 to i32
          %cond3A_260 = arith.constant 0 : i32
          %cond3A_261 = arith.cmpi ne, %convert_element_type3A_259, %cond3A_260 : i32
          scf.if %cond3A_261 {
          } else {
          }
          %and3A_262 = arith.constant false
          %and3A_263 = arith.andi %and3A_258, %and3A_262 : i1
          %ne3A_264 = arith.cmpi ne, %add3A_155, %add3A_165 : i32
          %or3A_265 = arith.constant false
          %or3A_266 = arith.ori %or3A_265, %ne3A_264 : i1
          %or3A_267 = arith.constant false
          %or3A_268 = arith.ori %or3A_266, %or3A_267 : i1
          %not3A_269 = arith.constant true
          %not3A_270 = arith.xori %eq3A_151, %not3A_269 : i1
          %and3A_271 = arith.andi %or3A_268, %not3A_270 : i1
          %convert_element_type3A_272 = arith.extui %and3A_271 : i1 to i32
          %cond3A_273 = arith.constant 0 : i32
          %cond3A_274 = arith.cmpi ne, %convert_element_type3A_272, %cond3A_273 : i32
          scf.if %cond3A_274 {
            "tpu.trace_start"() <{level = 10 : i32, message = "ep_wait_out"}> : () -> ()
            %rem3A_294 = arith.constant 2 : i32
            %rem3A_295 = arith.remui %while3A_146, %rem3A_294 : i32
            %mul3A_296 = arith.constant 128 : i32
            %mul3A_297 = arith.muli %mul3A_296, %add3A_165 : i32
            %dma_wait3A = arith.constant 0 : i32
            %dma_wait3A_298 = arith.constant 0 : i32
            %dma_wait3A_299 = tpu.memref_slice %run_scoped3A_18[%rem3A_295, %dma_wait3A, %dma_wait3A_298] : memref<2x128x256xf32, #tpu.memory_space<vmem>> -> memref<1x128x256xf32, #tpu.memory_space<vmem>>
            %dma_wait3A_300 = tpu.memref_squeeze %dma_wait3A_299 : memref<1x128x256xf32, #tpu.memory_space<vmem>> -> memref<128x256xf32, #tpu.memory_space<vmem>>
            %dma_wait3A_301 = arith.constant 0 : i32
            %dma_wait3A_302 = tpu.memref_slice %arg4[%mul3A_297, %dma_wait3A_301] : memref<320000x256xf32, #tpu.memory_space<hbm>> -> memref<128x256xf32, #tpu.memory_space<hbm>>
            %dma_wait3A_303 = tpu.memref_slice %run_scoped3A_19[%rem3A_295] : memref<2x!tpu.dma_semaphore, #tpu.memory_space<semaphore_mem>> -> memref<1x!tpu.dma_semaphore, #tpu.memory_space<semaphore_mem>>
            %dma_wait3A_304 = tpu.memref_squeeze %dma_wait3A_303 : memref<1x!tpu.dma_semaphore, #tpu.memory_space<semaphore_mem>> -> memref<!tpu.dma_semaphore, #tpu.memory_space<semaphore_mem>>
            %dma_wait3A_305 = arith.constant 0 : i32
            %dma_wait3A_306 = tpu.memref_slice %arg4[%mul3A_297, %dma_wait3A_305] : memref<320000x256xf32, #tpu.memory_space<hbm>> -> memref<128x256xf32, #tpu.memory_space<hbm>>
            %dma_wait3A_307 = arith.constant 0 : i32
            %dma_wait3A_308 = arith.constant 0 : i32
            %dma_wait3A_309 = tpu.memref_slice %run_scoped3A_18[%rem3A_295, %dma_wait3A_307, %dma_wait3A_308] : memref<2x128x256xf32, #tpu.memory_space<vmem>> -> memref<1x128x256xf32, #tpu.memory_space<vmem>>
            %dma_wait3A_310 = tpu.memref_squeeze %dma_wait3A_309 : memref<1x128x256xf32, #tpu.memory_space<vmem>> -> memref<128x256xf32, #tpu.memory_space<vmem>>
            tpu.wait_dma2 semaphore(%dma_wait3A_304 : memref<!tpu.dma_semaphore, #tpu.memory_space<semaphore_mem>>) src(%dma_wait3A_310 : memref<128x256xf32, #tpu.memory_space<vmem>>) dst(%dma_wait3A_306 : memref<128x256xf32, #tpu.memory_space<hbm>>)
            "tpu.trace_stop"() : () -> ()
          } else {
          }
          %and3A_275 = arith.constant true
          %and3A_276 = arith.andi %and3A_271, %and3A_275 : i1
          %add3A_277 = arith.constant 1 : i32
          %add3A_278 = arith.addi %while3A_146, %add3A_277 : i32
          %select_n3A_279 = arith.select %and3A_276, %add3A_278, %while3A_146 : i32
          %ne3A_280 = arith.cmpi ne, %add3A_155, %add3A_173 : i32
          %or3A_281 = arith.constant false
          %or3A_282 = arith.ori %or3A_281, %ne3A_280 : i1
          %or3A_283 = arith.ori %or3A_282, %eq3A_154 : i1
          %add3A_284 = arith.constant 1 : i32
          %add3A_285 = arith.addi %while3A_144, %add3A_284 : i32
          %select_n3A_286 = arith.select %or3A_283, %add3A_285, %while3A_144 : i32
          %add3A_287 = arith.constant 1 : i32
          %add3A_288 = arith.addi %while3A_147, %add3A_287 : i32
          %select_n3A_289 = arith.constant true
          %select_n3A_290 = arith.select %select_n3A_289, %add3A_288, %while3A_147 : i32
          %eq3A_291 = arith.cmpi eq, %select_n3A_290, %select_n3A : i32
          %select_n3A_292 = arith.constant 0 : i32
          %select_n3A_293 = arith.select %eq3A_291, %select_n3A_292, %select_n3A_290 : i32
          scf.yield %select_n3A_195, %select_n3A_286, %select_n3A_252, %select_n3A_279, %select_n3A_293 : i32, i32, i32, i32, i32
        }
        %while3A_89 = arith.constant 1 : i32
        %while3A_90:5 = scf.for %while3A_142 = %while3A_86 to %while3A_82 step %while3A_89 iter_args(%while3A_143 = %while3A_88#0, %while3A_144 = %while3A_88#1, %while3A_145 = %while3A_88#2, %while3A_146 = %while3A_88#3, %while3A_147 = %while3A_88#4) -> (i32, i32, i32, i32, i32)  : i32 {
          %mul3A_148 = arith.constant 1 : i32
          %mul3A_149 = arith.muli %mul3A_148, %select_n3A : i32
          %eq3A_150 = arith.constant 0 : i32
          %eq3A_151 = arith.cmpi eq, %while3A_142, %eq3A_150 : i32
          %sub3A_152 = arith.constant 1 : i32
          %sub3A_153 = arith.subi %mul3A_149, %sub3A_152 : i32
          %eq3A_154 = arith.cmpi eq, %while3A_142, %sub3A_153 : i32
          %add3A_155 = arith.addi %while3A_147, %select_n3A_14 : i32
          %sub3A_156 = arith.constant 1 : i32
          %sub3A_157 = arith.subi %while3A_147, %sub3A_156 : i32
          %select_n3A_158 = arith.constant true
          %select_n3A_159 = arith.select %select_n3A_158, %sub3A_157, %while3A_147 : i32
          %eq3A_160 = arith.constant -1 : i32
          %eq3A_161 = arith.cmpi eq, %select_n3A_159, %eq3A_160 : i32
          %sub3A_162 = arith.constant 1 : i32
          %sub3A_163 = arith.subi %select_n3A, %sub3A_162 : i32
          %select_n3A_164 = arith.select %eq3A_161, %sub3A_163, %select_n3A_159 : i32
          %add3A_165 = arith.addi %select_n3A_164, %select_n3A_14 : i32
          %add3A_166 = arith.constant 1 : i32
          %add3A_167 = arith.addi %while3A_147, %add3A_166 : i32
          %select_n3A_168 = arith.constant true
          %select_n3A_169 = arith.select %select_n3A_168, %add3A_167, %while3A_147 : i32
          %eq3A_170 = arith.cmpi eq, %select_n3A_169, %select_n3A : i32
          %select_n3A_171 = arith.constant 0 : i32
          %select_n3A_172 = arith.select %eq3A_170, %select_n3A_171, %select_n3A_169 : i32
          %add3A_173 = arith.addi %select_n3A_172, %select_n3A_14 : i32
          %add3A_174 = arith.constant 1 : i32
          %add3A_175 = arith.addi %select_n3A_172, %add3A_174 : i32
          %select_n3A_176 = arith.constant true
          %select_n3A_177 = arith.select %select_n3A_176, %add3A_175, %select_n3A_172 : i32
          %eq3A_178 = arith.cmpi eq, %select_n3A_177, %select_n3A : i32
          %select_n3A_179 = arith.constant 0 : i32
          %select_n3A_180 = arith.select %eq3A_178, %select_n3A_179, %select_n3A_177 : i32
          %add3A_181 = arith.addi %select_n3A_180, %select_n3A_14 : i32
          %ne3A = arith.cmpi ne, %add3A_155, %add3A_173 : i32
          %or3A = arith.constant false
          %or3A_182 = arith.ori %or3A, %ne3A : i1
          %sub3A_183 = arith.constant 2 : i32
          %sub3A_184 = arith.subi %mul3A_149, %sub3A_183 : i32
          %add3A_185 = arith.constant 1 : i32
          %add3A_186 = arith.addi %sub3A_184, %add3A_185 : i32
          %ge3A = arith.cmpi sge, %while3A_142, %add3A_186 : i32
          %not3A = arith.constant true
          %not3A_187 = arith.xori %ge3A, %not3A : i1
          %and3A = arith.andi %or3A_182, %not3A_187 : i1
          %convert_element_type3A_188 = arith.extui %and3A : i1 to i32
          %cond3A_189 = arith.constant 0 : i32
          %cond3A_190 = arith.cmpi ne, %convert_element_type3A_188, %cond3A_189 : i32
          scf.if %cond3A_190 {
            "tpu.trace_start"() <{level = 10 : i32, message = "ep_copy_in"}> : () -> ()
            %rem3A_294 = arith.constant 2 : i32
            %rem3A_295 = arith.remui %while3A_143, %rem3A_294 : i32
            %mul3A_296 = arith.constant 128 : i32
            %mul3A_297 = arith.muli %mul3A_296, %add3A_173 : i32
            %dma_start3A_298 = arith.constant 0 : i32
            %dma_start3A_299 = arith.constant 0 : i32
            %dma_start3A_300 = tpu.memref_slice %run_scoped3A[%rem3A_295, %dma_start3A_298, %dma_start3A_299] : memref<2x1x128xi32, #tpu.memory_space<vmem>> -> memref<1x1x128xi32, #tpu.memory_space<vmem>>
            %dma_start3A_301 = tpu.memref_squeeze %dma_start3A_300 : memref<1x1x128xi32, #tpu.memory_space<vmem>> -> memref<1x128xi32, #tpu.memory_space<vmem>>
            %dma_start3A_302 = arith.constant 0 : i32
            %dma_start3A_303 = tpu.memref_slice %arg3[%dma_start3A_302, %mul3A_297] : memref<1x320000xi32, #tpu.memory_space<hbm>> -> memref<1x128xi32, #tpu.memory_space<hbm>>
            %dma_start3A_304 = tpu.memref_slice %run_scoped3A_17[%rem3A_295] : memref<2x!tpu.dma_semaphore, #tpu.memory_space<semaphore_mem>> -> memref<1x!tpu.dma_semaphore, #tpu.memory_space<semaphore_mem>>
            %dma_start3A_305 = tpu.memref_squeeze %dma_start3A_304 : memref<1x!tpu.dma_semaphore, #tpu.memory_space<semaphore_mem>> -> memref<!tpu.dma_semaphore, #tpu.memory_space<semaphore_mem>>
            %dma_start3A_306 = arith.constant 0 : i32
            %dma_start3A_307 = arith.constant 0 : i32
            %dma_start3A_308 = tpu.memref_slice %run_scoped3A[%rem3A_295, %dma_start3A_306, %dma_start3A_307] : memref<2x1x128xi32, #tpu.memory_space<vmem>> -> memref<1x1x128xi32, #tpu.memory_space<vmem>>
            %dma_start3A_309 = tpu.memref_squeeze %dma_start3A_308 : memref<1x1x128xi32, #tpu.memory_space<vmem>> -> memref<1x128xi32, #tpu.memory_space<vmem>>
            %dma_start3A_310 = arith.constant 0 : i32
            %dma_start3A_311 = tpu.memref_slice %arg3[%dma_start3A_310, %mul3A_297] : memref<1x320000xi32, #tpu.memory_space<hbm>> -> memref<1x128xi32, #tpu.memory_space<hbm>>
            tpu.enqueue_dma source(%dma_start3A_311 : memref<1x128xi32, #tpu.memory_space<hbm>>) target(%dma_start3A_309 : memref<1x128xi32, #tpu.memory_space<vmem>>) target_semaphore(%dma_start3A_305 : memref<!tpu.dma_semaphore, #tpu.memory_space<semaphore_mem>>)
            "tpu.trace_stop"() : () -> ()
          } else {
          }
          %and3A_191 = arith.constant true
          %and3A_192 = arith.andi %and3A, %and3A_191 : i1
          %add3A_193 = arith.constant 1 : i32
          %add3A_194 = arith.addi %while3A_143, %add3A_193 : i32
          %select_n3A_195 = arith.select %and3A_192, %add3A_194, %while3A_143 : i32
          %ne3A_196 = arith.cmpi ne, %add3A_155, %add3A_173 : i32
          %or3A_197 = arith.constant false
          %or3A_198 = arith.ori %or3A_197, %ne3A_196 : i1
          %or3A_199 = arith.constant false
          %or3A_200 = arith.ori %or3A_198, %or3A_199 : i1
          %sub3A_201 = arith.constant 2 : i32
          %sub3A_202 = arith.subi %mul3A_149, %sub3A_201 : i32
          %add3A_203 = arith.constant 1 : i32
          %add3A_204 = arith.addi %sub3A_202, %add3A_203 : i32
          %ge3A_205 = arith.cmpi sge, %while3A_142, %add3A_204 : i32
          %not3A_206 = arith.constant true
          %not3A_207 = arith.xori %ge3A_205, %not3A_206 : i1
          %and3A_208 = arith.andi %or3A_200, %not3A_207 : i1
          %ne3A_209 = arith.cmpi ne, %add3A_155, %add3A_165 : i32
          %or3A_210 = arith.constant false
          %or3A_211 = arith.ori %or3A_210, %ne3A_209 : i1
          %or3A_212 = arith.ori %or3A_211, %eq3A_151 : i1
          %convert_element_type3A_213 = arith.extui %or3A_212 : i1 to i32
          %cond3A_214 = arith.constant 0 : i32
          %cond3A_215 = arith.cmpi ne, %convert_element_type3A_213, %cond3A_214 : i32
          scf.if %cond3A_215 {
            "tpu.trace_start"() <{level = 10 : i32, message = "ep_wait_in"}> : () -> ()
            %mul3A_294 = arith.constant 128 : i32
            %mul3A_295 = arith.muli %mul3A_294, %add3A_155 : i32
            %rem3A_296 = arith.constant 2 : i32
            %rem3A_297 = arith.remui %while3A_144, %rem3A_296 : i32
            %dma_wait3A = arith.constant 0 : i32
            %dma_wait3A_298 = arith.constant 0 : i32
            %dma_wait3A_299 = tpu.memref_slice %run_scoped3A[%rem3A_297, %dma_wait3A, %dma_wait3A_298] : memref<2x1x128xi32, #tpu.memory_space<vmem>> -> memref<1x1x128xi32, #tpu.memory_space<vmem>>
            %dma_wait3A_300 = tpu.memref_squeeze %dma_wait3A_299 : memref<1x1x128xi32, #tpu.memory_space<vmem>> -> memref<1x128xi32, #tpu.memory_space<vmem>>
            %dma_wait3A_301 = arith.constant 0 : i32
            %dma_wait3A_302 = tpu.memref_slice %arg3[%dma_wait3A_301, %mul3A_295] : memref<1x320000xi32, #tpu.memory_space<hbm>> -> memref<1x128xi32, #tpu.memory_space<hbm>>
            %dma_wait3A_303 = tpu.memref_slice %run_scoped3A_17[%rem3A_297] : memref<2x!tpu.dma_semaphore, #tpu.memory_space<semaphore_mem>> -> memref<1x!tpu.dma_semaphore, #tpu.memory_space<semaphore_mem>>
            %dma_wait3A_304 = tpu.memref_squeeze %dma_wait3A_303 : memref<1x!tpu.dma_semaphore, #tpu.memory_space<semaphore_mem>> -> memref<!tpu.dma_semaphore, #tpu.memory_space<semaphore_mem>>
            %dma_wait3A_305 = arith.constant 0 : i32
            %dma_wait3A_306 = arith.constant 0 : i32
            %dma_wait3A_307 = tpu.memref_slice %run_scoped3A[%rem3A_297, %dma_wait3A_305, %dma_wait3A_306] : memref<2x1x128xi32, #tpu.memory_space<vmem>> -> memref<1x1x128xi32, #tpu.memory_space<vmem>>
            %dma_wait3A_308 = tpu.memref_squeeze %dma_wait3A_307 : memref<1x1x128xi32, #tpu.memory_space<vmem>> -> memref<1x128xi32, #tpu.memory_space<vmem>>
            %dma_wait3A_309 = arith.constant 0 : i32
            %dma_wait3A_310 = tpu.memref_slice %arg3[%dma_wait3A_309, %mul3A_295] : memref<1x320000xi32, #tpu.memory_space<hbm>> -> memref<1x128xi32, #tpu.memory_space<hbm>>
            tpu.wait_dma2 semaphore(%dma_wait3A_304 : memref<!tpu.dma_semaphore, #tpu.memory_space<semaphore_mem>>) src(%dma_wait3A_310 : memref<1x128xi32, #tpu.memory_space<hbm>>) dst(%dma_wait3A_308 : memref<1x128xi32, #tpu.memory_space<vmem>>)
            "tpu.trace_stop"() : () -> ()
          } else {
          }
          %ne3A_216 = arith.cmpi ne, %add3A_155, %add3A_165 : i32
          %or3A_217 = arith.constant false
          %or3A_218 = arith.ori %or3A_217, %ne3A_216 : i1
          %or3A_219 = arith.constant false
          %or3A_220 = arith.ori %or3A_218, %or3A_219 : i1
          %or3A_221 = arith.ori %or3A_220, %eq3A_151 : i1
          %convert_element_type3A_222 = arith.extui %or3A_221 : i1 to i32
          %cond3A_223 = arith.constant 0 : i32
          %cond3A_224 = arith.cmpi ne, %convert_element_type3A_222, %cond3A_223 : i32
          scf.if %cond3A_224 {
          } else {
          }
          %rem3A_225 = arith.constant 2 : i32
          %rem3A_226 = arith.remui %while3A_144, %rem3A_225 : i32
          %rem3A_227 = arith.constant 2 : i32
          %rem3A_228 = arith.remui %while3A_145, %rem3A_227 : i32
          %run_scoped3A_229 = arith.constant 0 : i32
          "tpu.trace_start"() <{level = 10 : i32, message = "ep_run_kernel"}> : () -> ()
          "tpu.region"() ({
            %run_scoped3A_294 = tpu.sem_alloc : memref<!tpu.dma_semaphore, #tpu.memory_space<semaphore_mem>>
            %dma_start3A_295 = arith.constant 0 : i32
            %dma_start3A_296 = arith.constant 0 : i32
            %dma_start3A_297 = tpu.memref_slice %run_scoped3A_18[%rem3A_228, %dma_start3A_295, %dma_start3A_296] : memref<2x128x256xf32, #tpu.memory_space<vmem>> -> memref<1x128x256xf32, #tpu.memory_space<vmem>>
            %dma_start3A_298 = tpu.memref_squeeze %dma_start3A_297 : memref<1x128x256xf32, #tpu.memory_space<vmem>> -> memref<128x256xf32, #tpu.memory_space<vmem>>
            %dma_start3A_299 = arith.constant 0 : i32
            %dma_start3A_300 = arith.constant 0 : i32
            %dma_start3A_301 = tpu.memref_slice %run_scoped3A[%rem3A_226, %dma_start3A_299, %dma_start3A_300] : memref<2x1x128xi32, #tpu.memory_space<vmem>> -> memref<1x1x128xi32, #tpu.memory_space<vmem>>
            %dma_start3A_302 = tpu.memref_squeeze %dma_start3A_301 : memref<1x1x128xi32, #tpu.memory_space<vmem>> -> memref<1x128xi32, #tpu.memory_space<vmem>>
            %dma_start3A_303 = arith.constant 0 : i32
            %dma_start3A_304 = tpu.memref_slice %dma_start3A_302[%run_scoped3A_229, %dma_start3A_303] : memref<1x128xi32, #tpu.memory_space<vmem>> -> memref<1x128xi32, #tpu.memory_space<vmem>>
            %dma_start3A_305 = tpu.memref_squeeze %dma_start3A_304 : memref<1x128xi32, #tpu.memory_space<vmem>> -> memref<128xi32, #tpu.memory_space<vmem>>
            %dma_start3A_306 = arith.constant 0 : i32
            %dma_start3A_307 = arith.constant 0 : i32
            %dma_start3A_308 = tpu.memref_slice %arg2[%dma_start3A_306, %dma_start3A_307] : memref<10000x256xf32, #tpu.memory_space<hbm>> -> memref<10000x256xf32, #tpu.memory_space<hbm>>
            tpu.enqueue_indirect_dma source(%dma_start3A_308 : memref<10000x256xf32, #tpu.memory_space<hbm>>) target(%dma_start3A_298 : memref<128x256xf32, #tpu.memory_space<vmem>>) offsets(%dma_start3A_305 : memref<128xi32, #tpu.memory_space<vmem>>) semaphore(%run_scoped3A_294 : memref<!tpu.dma_semaphore, #tpu.memory_space<semaphore_mem>>)
            %dma_wait3A = arith.constant 0 : i32
            %dma_wait3A_309 = arith.constant 0 : i32
            %dma_wait3A_310 = tpu.memref_slice %run_scoped3A_18[%rem3A_228, %dma_wait3A, %dma_wait3A_309] : memref<2x128x256xf32, #tpu.memory_space<vmem>> -> memref<1x128x256xf32, #tpu.memory_space<vmem>>
            %dma_wait3A_311 = tpu.memref_squeeze %dma_wait3A_310 : memref<1x128x256xf32, #tpu.memory_space<vmem>> -> memref<128x256xf32, #tpu.memory_space<vmem>>
            %dma_wait3A_312 = arith.constant 0 : i32
            %dma_wait3A_313 = arith.constant 0 : i32
            %dma_wait3A_314 = tpu.memref_slice %run_scoped3A[%rem3A_226, %dma_wait3A_312, %dma_wait3A_313] : memref<2x1x128xi32, #tpu.memory_space<vmem>> -> memref<1x1x128xi32, #tpu.memory_space<vmem>>
            %dma_wait3A_315 = tpu.memref_squeeze %dma_wait3A_314 : memref<1x1x128xi32, #tpu.memory_space<vmem>> -> memref<1x128xi32, #tpu.memory_space<vmem>>
            %dma_wait3A_316 = arith.constant 0 : i32
            %dma_wait3A_317 = tpu.memref_slice %dma_wait3A_315[%run_scoped3A_229, %dma_wait3A_316] : memref<1x128xi32, #tpu.memory_space<vmem>> -> memref<1x128xi32, #tpu.memory_space<vmem>>
            %dma_wait3A_318 = tpu.memref_squeeze %dma_wait3A_317 : memref<1x128xi32, #tpu.memory_space<vmem>> -> memref<128xi32, #tpu.memory_space<vmem>>
            %dma_wait3A_319 = arith.constant 0 : i32
            %dma_wait3A_320 = arith.constant 0 : i32
            %dma_wait3A_321 = tpu.memref_slice %arg2[%dma_wait3A_319, %dma_wait3A_320] : memref<10000x256xf32, #tpu.memory_space<hbm>> -> memref<10000x256xf32, #tpu.memory_space<hbm>>
            tpu.wait_indirect_dma semaphore(%run_scoped3A_294 : memref<!tpu.dma_semaphore, #tpu.memory_space<semaphore_mem>>) src(%dma_wait3A_321 : memref<10000x256xf32, #tpu.memory_space<hbm>>) dst(%dma_wait3A_311 : memref<128x256xf32, #tpu.memory_space<vmem>>)
            tpu.yield
          }) : () -> ()
          "tpu.trace_stop"() : () -> ()
          %ne3A_230 = arith.cmpi ne, %add3A_155, %add3A_173 : i32
          %or3A_231 = arith.constant false
          %or3A_232 = arith.ori %or3A_231, %ne3A_230 : i1
          %or3A_233 = arith.ori %or3A_232, %eq3A_154 : i1
          %convert_element_type3A_234 = arith.extui %or3A_233 : i1 to i32
          %cond3A_235 = arith.constant 0 : i32
          %cond3A_236 = arith.cmpi ne, %convert_element_type3A_234, %cond3A_235 : i32
          scf.if %cond3A_236 {
          } else {
          }
          %and3A_237 = arith.constant false
          %and3A_238 = arith.andi %or3A_233, %and3A_237 : i1
          %ne3A_239 = arith.cmpi ne, %add3A_155, %add3A_173 : i32
          %or3A_240 = arith.constant false
          %or3A_241 = arith.ori %or3A_240, %ne3A_239 : i1
          %or3A_242 = arith.constant false
          %or3A_243 = arith.ori %or3A_241, %or3A_242 : i1
          %or3A_244 = arith.ori %or3A_243, %eq3A_154 : i1
          %convert_element_type3A_245 = arith.extui %or3A_244 : i1 to i32
          %cond3A_246 = arith.constant 0 : i32
          %cond3A_247 = arith.cmpi ne, %convert_element_type3A_245, %cond3A_246 : i32
          scf.if %cond3A_247 {
            "tpu.trace_start"() <{level = 10 : i32, message = "ep_copy_out"}> : () -> ()
            %rem3A_294 = arith.constant 2 : i32
            %rem3A_295 = arith.remui %while3A_145, %rem3A_294 : i32
            %mul3A_296 = arith.constant 128 : i32
            %mul3A_297 = arith.muli %mul3A_296, %add3A_155 : i32
            %dma_start3A_298 = arith.constant 0 : i32
            %dma_start3A_299 = arith.constant 0 : i32
            %dma_start3A_300 = tpu.memref_slice %run_scoped3A_18[%rem3A_295, %dma_start3A_298, %dma_start3A_299] : memref<2x128x256xf32, #tpu.memory_space<vmem>> -> memref<1x128x256xf32, #tpu.memory_space<vmem>>
            %dma_start3A_301 = tpu.memref_squeeze %dma_start3A_300 : memref<1x128x256xf32, #tpu.memory_space<vmem>> -> memref<128x256xf32, #tpu.memory_space<vmem>>
            %dma_start3A_302 = arith.constant 0 : i32
            %dma_start3A_303 = tpu.memref_slice %arg4[%mul3A_297, %dma_start3A_302] : memref<320000x256xf32, #tpu.memory_space<hbm>> -> memref<128x256xf32, #tpu.memory_space<hbm>>
            %dma_start3A_304 = tpu.memref_slice %run_scoped3A_19[%rem3A_295] : memref<2x!tpu.dma_semaphore, #tpu.memory_space<semaphore_mem>> -> memref<1x!tpu.dma_semaphore, #tpu.memory_space<semaphore_mem>>
            %dma_start3A_305 = tpu.memref_squeeze %dma_start3A_304 : memref<1x!tpu.dma_semaphore, #tpu.memory_space<semaphore_mem>> -> memref<!tpu.dma_semaphore, #tpu.memory_space<semaphore_mem>>
            %dma_start3A_306 = arith.constant 0 : i32
            %dma_start3A_307 = tpu.memref_slice %arg4[%mul3A_297, %dma_start3A_306] : memref<320000x256xf32, #tpu.memory_space<hbm>> -> memref<128x256xf32, #tpu.memory_space<hbm>>
            %dma_start3A_308 = arith.constant 0 : i32
            %dma_start3A_309 = arith.constant 0 : i32
            %dma_start3A_310 = tpu.memref_slice %run_scoped3A_18[%rem3A_295, %dma_start3A_308, %dma_start3A_309] : memref<2x128x256xf32, #tpu.memory_space<vmem>> -> memref<1x128x256xf32, #tpu.memory_space<vmem>>
            %dma_start3A_311 = tpu.memref_squeeze %dma_start3A_310 : memref<1x128x256xf32, #tpu.memory_space<vmem>> -> memref<128x256xf32, #tpu.memory_space<vmem>>
            tpu.enqueue_dma source(%dma_start3A_311 : memref<128x256xf32, #tpu.memory_space<vmem>>) target(%dma_start3A_307 : memref<128x256xf32, #tpu.memory_space<hbm>>) target_semaphore(%dma_start3A_305 : memref<!tpu.dma_semaphore, #tpu.memory_space<semaphore_mem>>)
            "tpu.trace_stop"() : () -> ()
          } else {
          }
          %and3A_248 = arith.constant true
          %and3A_249 = arith.andi %or3A_244, %and3A_248 : i1
          %add3A_250 = arith.constant 1 : i32
          %add3A_251 = arith.addi %while3A_145, %add3A_250 : i32
          %select_n3A_252 = arith.select %and3A_249, %add3A_251, %while3A_145 : i32
          %ne3A_253 = arith.cmpi ne, %add3A_155, %add3A_165 : i32
          %or3A_254 = arith.constant false
          %or3A_255 = arith.ori %or3A_254, %ne3A_253 : i1
          %not3A_256 = arith.constant true
          %not3A_257 = arith.xori %eq3A_151, %not3A_256 : i1
          %and3A_258 = arith.andi %or3A_255, %not3A_257 : i1
          %convert_element_type3A_259 = arith.extui %and3A_258 : i1 to i32
          %cond3A_260 = arith.constant 0 : i32
          %cond3A_261 = arith.cmpi ne, %convert_element_type3A_259, %cond3A_260 : i32
          scf.if %cond3A_261 {
          } else {
          }
          %and3A_262 = arith.constant false
          %and3A_263 = arith.andi %and3A_258, %and3A_262 : i1
          %ne3A_264 = arith.cmpi ne, %add3A_155, %add3A_165 : i32
          %or3A_265 = arith.constant false
          %or3A_266 = arith.ori %or3A_265, %ne3A_264 : i1
          %or3A_267 = arith.constant false
          %or3A_268 = arith.ori %or3A_266, %or3A_267 : i1
          %not3A_269 = arith.constant true
          %not3A_270 = arith.xori %eq3A_151, %not3A_269 : i1
          %and3A_271 = arith.andi %or3A_268, %not3A_270 : i1
          %convert_element_type3A_272 = arith.extui %and3A_271 : i1 to i32
          %cond3A_273 = arith.constant 0 : i32
          %cond3A_274 = arith.cmpi ne, %convert_element_type3A_272, %cond3A_273 : i32
          scf.if %cond3A_274 {
            "tpu.trace_start"() <{level = 10 : i32, message = "ep_wait_out"}> : () -> ()
            %rem3A_294 = arith.constant 2 : i32
            %rem3A_295 = arith.remui %while3A_146, %rem3A_294 : i32
            %mul3A_296 = arith.constant 128 : i32
            %mul3A_297 = arith.muli %mul3A_296, %add3A_165 : i32
            %dma_wait3A = arith.constant 0 : i32
            %dma_wait3A_298 = arith.constant 0 : i32
            %dma_wait3A_299 = tpu.memref_slice %run_scoped3A_18[%rem3A_295, %dma_wait3A, %dma_wait3A_298] : memref<2x128x256xf32, #tpu.memory_space<vmem>> -> memref<1x128x256xf32, #tpu.memory_space<vmem>>
            %dma_wait3A_300 = tpu.memref_squeeze %dma_wait3A_299 : memref<1x128x256xf32, #tpu.memory_space<vmem>> -> memref<128x256xf32, #tpu.memory_space<vmem>>
            %dma_wait3A_301 = arith.constant 0 : i32
            %dma_wait3A_302 = tpu.memref_slice %arg4[%mul3A_297, %dma_wait3A_301] : memref<320000x256xf32, #tpu.memory_space<hbm>> -> memref<128x256xf32, #tpu.memory_space<hbm>>
            %dma_wait3A_303 = tpu.memref_slice %run_scoped3A_19[%rem3A_295] : memref<2x!tpu.dma_semaphore, #tpu.memory_space<semaphore_mem>> -> memref<1x!tpu.dma_semaphore, #tpu.memory_space<semaphore_mem>>
            %dma_wait3A_304 = tpu.memref_squeeze %dma_wait3A_303 : memref<1x!tpu.dma_semaphore, #tpu.memory_space<semaphore_mem>> -> memref<!tpu.dma_semaphore, #tpu.memory_space<semaphore_mem>>
            %dma_wait3A_305 = arith.constant 0 : i32
            %dma_wait3A_306 = tpu.memref_slice %arg4[%mul3A_297, %dma_wait3A_305] : memref<320000x256xf32, #tpu.memory_space<hbm>> -> memref<128x256xf32, #tpu.memory_space<hbm>>
            %dma_wait3A_307 = arith.constant 0 : i32
            %dma_wait3A_308 = arith.constant 0 : i32
            %dma_wait3A_309 = tpu.memref_slice %run_scoped3A_18[%rem3A_295, %dma_wait3A_307, %dma_wait3A_308] : memref<2x128x256xf32, #tpu.memory_space<vmem>> -> memref<1x128x256xf32, #tpu.memory_space<vmem>>
            %dma_wait3A_310 = tpu.memref_squeeze %dma_wait3A_309 : memref<1x128x256xf32, #tpu.memory_space<vmem>> -> memref<128x256xf32, #tpu.memory_space<vmem>>
            tpu.wait_dma2 semaphore(%dma_wait3A_304 : memref<!tpu.dma_semaphore, #tpu.memory_space<semaphore_mem>>) src(%dma_wait3A_310 : memref<128x256xf32, #tpu.memory_space<vmem>>) dst(%dma_wait3A_306 : memref<128x256xf32, #tpu.memory_space<hbm>>)
            "tpu.trace_stop"() : () -> ()
          } else {
          }
          %and3A_275 = arith.constant true
          %and3A_276 = arith.andi %and3A_271, %and3A_275 : i1
          %add3A_277 = arith.constant 1 : i32
          %add3A_278 = arith.addi %while3A_146, %add3A_277 : i32
          %select_n3A_279 = arith.select %and3A_276, %add3A_278, %while3A_146 : i32
          %ne3A_280 = arith.cmpi ne, %add3A_155, %add3A_173 : i32
          %or3A_281 = arith.constant false
          %or3A_282 = arith.ori %or3A_281, %ne3A_280 : i1
          %or3A_283 = arith.ori %or3A_282, %eq3A_154 : i1
          %add3A_284 = arith.constant 1 : i32
          %add3A_285 = arith.addi %while3A_144, %add3A_284 : i32
          %select_n3A_286 = arith.select %or3A_283, %add3A_285, %while3A_144 : i32
          %add3A_287 = arith.constant 1 : i32
          %add3A_288 = arith.addi %while3A_147, %add3A_287 : i32
          %select_n3A_289 = arith.constant true
          %select_n3A_290 = arith.select %select_n3A_289, %add3A_288, %while3A_147 : i32
          %eq3A_291 = arith.cmpi eq, %select_n3A_290, %select_n3A : i32
          %select_n3A_292 = arith.constant 0 : i32
          %select_n3A_293 = arith.select %eq3A_291, %select_n3A_292, %select_n3A_290 : i32
          scf.yield %select_n3A_195, %select_n3A_286, %select_n3A_252, %select_n3A_279, %select_n3A_293 : i32, i32, i32, i32, i32
        }
        %sub3A_91 = arith.constant 1 : i32
        %sub3A_92 = arith.subi %while3A_90#4, %sub3A_91 : i32
        %select_n3A_93 = arith.constant true
        %select_n3A_94 = arith.select %select_n3A_93, %sub3A_92, %while3A_90#4 : i32
        %eq3A_95 = arith.constant -1 : i32
        %eq3A_96 = arith.cmpi eq, %select_n3A_94, %eq3A_95 : i32
        %sub3A_97 = arith.constant 1 : i32
        %sub3A_98 = arith.subi %select_n3A, %sub3A_97 : i32
        %select_n3A_99 = arith.select %eq3A_96, %sub3A_98, %select_n3A_94 : i32
        %sub3A_100 = arith.constant 1 : i32
        %sub3A_101 = arith.subi %mul3A_16, %sub3A_100 : i32
        %mul3A_102 = arith.constant 1 : i32
        %mul3A_103 = arith.muli %mul3A_102, %select_n3A : i32
        %eq3A_104 = arith.constant 0 : i32
        %eq3A_105 = arith.cmpi eq, %sub3A_101, %eq3A_104 : i32
        %sub3A_106 = arith.constant 1 : i32
        %sub3A_107 = arith.subi %mul3A_103, %sub3A_106 : i32
        %eq3A_108 = arith.cmpi eq, %sub3A_101, %sub3A_107 : i32
        %add3A_109 = arith.addi %select_n3A_99, %select_n3A_14 : i32
        %sub3A_110 = arith.constant 1 : i32
        %sub3A_111 = arith.subi %select_n3A_99, %sub3A_110 : i32
        %select_n3A_112 = arith.constant true
        %select_n3A_113 = arith.select %select_n3A_112, %sub3A_111, %select_n3A_99 : i32
        %eq3A_114 = arith.constant -1 : i32
        %eq3A_115 = arith.cmpi eq, %select_n3A_113, %eq3A_114 : i32
        %sub3A_116 = arith.constant 1 : i32
        %sub3A_117 = arith.subi %select_n3A, %sub3A_116 : i32
        %select_n3A_118 = arith.select %eq3A_115, %sub3A_117, %select_n3A_113 : i32
        %add3A_119 = arith.addi %select_n3A_118, %select_n3A_14 : i32
        %add3A_120 = arith.constant 1 : i32
        %add3A_121 = arith.addi %select_n3A_99, %add3A_120 : i32
        %select_n3A_122 = arith.constant true
        %select_n3A_123 = arith.select %select_n3A_122, %add3A_121, %select_n3A_99 : i32
        %eq3A_124 = arith.cmpi eq, %select_n3A_123, %select_n3A : i32
        %select_n3A_125 = arith.constant 0 : i32
        %select_n3A_126 = arith.select %eq3A_124, %select_n3A_125, %select_n3A_123 : i32
        %add3A_127 = arith.addi %select_n3A_126, %select_n3A_14 : i32
        %add3A_128 = arith.constant 1 : i32
        %add3A_129 = arith.addi %select_n3A_126, %add3A_128 : i32
        %select_n3A_130 = arith.constant true
        %select_n3A_131 = arith.select %select_n3A_130, %add3A_129, %select_n3A_126 : i32
        %eq3A_132 = arith.cmpi eq, %select_n3A_131, %select_n3A : i32
        %select_n3A_133 = arith.constant 0 : i32
        %select_n3A_134 = arith.select %eq3A_132, %select_n3A_133, %select_n3A_131 : i32
        %add3A_135 = arith.addi %select_n3A_134, %select_n3A_14 : i32
        %convert_element_type3A_136 = arith.extui %eq3A_108 : i1 to i32
        %cond3A_137 = arith.constant 0 : i32
        %cond3A_138 = arith.cmpi ne, %convert_element_type3A_136, %cond3A_137 : i32
        scf.if %cond3A_138 {
        } else {
        }
        %convert_element_type3A_139 = arith.extui %eq3A_108 : i1 to i32
        %cond3A_140 = arith.constant 0 : i32
        %cond3A_141 = arith.cmpi ne, %convert_element_type3A_139, %cond3A_140 : i32
        scf.if %cond3A_141 {
          "tpu.trace_start"() <{level = 10 : i32, message = "ep_finalize"}> : () -> ()
          %rem3A_142 = arith.constant 2 : i32
          %rem3A_143 = arith.remui %while3A_90#3, %rem3A_142 : i32
          %mul3A_144 = arith.constant 128 : i32
          %mul3A_145 = arith.muli %mul3A_144, %add3A_109 : i32
          %dma_wait3A = arith.constant 0 : i32
          %dma_wait3A_146 = arith.constant 0 : i32
          %dma_wait3A_147 = tpu.memref_slice %run_scoped3A_18[%rem3A_143, %dma_wait3A, %dma_wait3A_146] : memref<2x128x256xf32, #tpu.memory_space<vmem>> -> memref<1x128x256xf32, #tpu.memory_space<vmem>>
          %dma_wait3A_148 = tpu.memref_squeeze %dma_wait3A_147 : memref<1x128x256xf32, #tpu.memory_space<vmem>> -> memref<128x256xf32, #tpu.memory_space<vmem>>
          %dma_wait3A_149 = arith.constant 0 : i32
          %dma_wait3A_150 = tpu.memref_slice %arg4[%mul3A_145, %dma_wait3A_149] : memref<320000x256xf32, #tpu.memory_space<hbm>> -> memref<128x256xf32, #tpu.memory_space<hbm>>
          %dma_wait3A_151 = tpu.memref_slice %run_scoped3A_19[%rem3A_143] : memref<2x!tpu.dma_semaphore, #tpu.memory_space<semaphore_mem>> -> memref<1x!tpu.dma_semaphore, #tpu.memory_space<semaphore_mem>>
          %dma_wait3A_152 = tpu.memref_squeeze %dma_wait3A_151 : memref<1x!tpu.dma_semaphore, #tpu.memory_space<semaphore_mem>> -> memref<!tpu.dma_semaphore, #tpu.memory_space<semaphore_mem>>
          %dma_wait3A_153 = arith.constant 0 : i32
          %dma_wait3A_154 = tpu.memref_slice %arg4[%mul3A_145, %dma_wait3A_153] : memref<320000x256xf32, #tpu.memory_space<hbm>> -> memref<128x256xf32, #tpu.memory_space<hbm>>
          %dma_wait3A_155 = arith.constant 0 : i32
          %dma_wait3A_156 = arith.constant 0 : i32
          %dma_wait3A_157 = tpu.memref_slice %run_scoped3A_18[%rem3A_143, %dma_wait3A_155, %dma_wait3A_156] : memref<2x128x256xf32, #tpu.memory_space<vmem>> -> memref<1x128x256xf32, #tpu.memory_space<vmem>>
          %dma_wait3A_158 = tpu.memref_squeeze %dma_wait3A_157 : memref<1x128x256xf32, #tpu.memory_space<vmem>> -> memref<128x256xf32, #tpu.memory_space<vmem>>
          tpu.wait_dma2 semaphore(%dma_wait3A_152 : memref<!tpu.dma_semaphore, #tpu.memory_space<semaphore_mem>>) src(%dma_wait3A_158 : memref<128x256xf32, #tpu.memory_space<vmem>>) dst(%dma_wait3A_154 : memref<128x256xf32, #tpu.memory_space<hbm>>)
          "tpu.trace_stop"() : () -> ()
        } else {
        }
      } else {
      }
      tpu.yield
    }) : () -> ()
    return
  }
}

#map = affine_map<(d0, d1) -> (0, 0)>
module attributes {stable_mosaic.version = 14 : i64} {
  func.func @k(%arg0: i32, %arg1: i32, %arg2: memref<10000x256xf32, #tpu.memory_space<hbm>>, %arg3: memref<1x320000xi32, #tpu.memory_space<hbm>>, %arg4: memref<320000x256xf32, #tpu.memory_space<hbm>>) attributes {dimension_semantics = [#tpu.dimension_semantics<core_parallel>, #tpu.dimension_semantics<subcore_parallel>], iteration_bounds = array<i64: 2, 16>, scalar_prefetch = 0 : i64, scratch_operands = 0 : i64, tpu.core_type = #tpu.core_type<sc_vector_subcore>, window_params = [{transform_indices = #map}, {transform_indices = #map}, {transform_indices = #map}]} {
    %mul3A = arith.constant 1 : i32
    %mul3A_0 = arith.muli %arg1, %mul3A : i32
    %add3A = arith.constant 0 : i32
    %add3A_1 = arith.addi %add3A, %mul3A_0 : i32
    %mul3A_2 = arith.constant 16 : i32
    %mul3A_3 = arith.muli %arg0, %mul3A_2 : i32
    %add3A_4 = arith.addi %add3A_1, %mul3A_3 : i32
    %lt3A = arith.constant 4 : i32
    %lt3A_5 = arith.cmpi slt, %add3A_4, %lt3A : i32
    %jit3A = arith.constant 79 : i32
    %jit3A_6 = arith.constant 78 : i32
    %select_n3A = arith.select %lt3A_5, %jit3A, %jit3A_6 : i32
    %lt3A_7 = arith.constant 4 : i32
    %lt3A_8 = arith.cmpi slt, %add3A_4, %lt3A_7 : i32
    %mul3A_9 = arith.muli %add3A_4, %select_n3A : i32
    %mul3A_10 = arith.constant 78 : i32
    %mul3A_11 = arith.muli %add3A_4, %mul3A_10 : i32
    %add3A_12 = arith.constant 4 : i32
    %add3A_13 = arith.addi %mul3A_11, %add3A_12 : i32
    %select_n3A_14 = arith.select %lt3A_8, %mul3A_9, %add3A_13 : i32
    %mul3A_15 = arith.constant 1 : i32
    %mul3A_16 = arith.muli %mul3A_15, %select_n3A : i32
    "tpu.region"() ({
      %run_scoped3A = memref.alloca() : memref<2x1x128xi32, #tpu.memory_space<vmem>>
      %run_scoped3A_17 = tpu.sem_alloc : memref<2x!tpu.dma_semaphore, #tpu.memory_space<semaphore_mem>>
      %run_scoped3A_18 = memref.alloca() : memref<2x128x256xf32, #tpu.memory_space<vmem>>
      %run_scoped3A_19 = tpu.sem_alloc : memref<2x!tpu.dma_semaphore, #tpu.memory_space<semaphore_mem>>
      %gt3A = arith.constant 0 : i32
      %gt3A_20 = arith.cmpi sgt, %mul3A_16, %gt3A : i32
      %convert_element_type3A = arith.extui %gt3A_20 : i1 to i32
      %cond3A = arith.constant 0 : i32
      %cond3A_21 = arith.cmpi ne, %convert_element_type3A, %cond3A : i32
      scf.if %cond3A_21 {
        %mul3A_22 = arith.constant 1 : i32
        %mul3A_23 = arith.muli %mul3A_22, %select_n3A : i32
        %sub3A = arith.constant 1 : i32
        %sub3A_24 = arith.subi %mul3A_23, %sub3A : i32
        %eq3A = arith.constant 0 : i32
        %eq3A_25 = arith.cmpi eq, %sub3A_24, %eq3A : i32
        %add3A_26 = arith.constant 0 : i32
        %add3A_27 = arith.addi %add3A_26, %select_n3A_14 : i32
        %select_n3A_28 = arith.constant true
        %select_n3A_29 = arith.constant 0 : i32
        %select_n3A_30 = arith.constant -1 : i32
        %select_n3A_31 = arith.select %select_n3A_28, %select_n3A_30, %select_n3A_29 : i32
        %eq3A_32 = arith.constant -1 : i32
        %eq3A_33 = arith.cmpi eq, %select_n3A_31, %eq3A_32 : i32
        %sub3A_34 = arith.constant 1 : i32
        %sub3A_35 = arith.subi %select_n3A, %sub3A_34 : i32
        %select_n3A_36 = arith.select %eq3A_33, %sub3A_35, %select_n3A_31 : i32
        %add3A_37 = arith.addi %select_n3A_36, %select_n3A_14 : i32
        %select_n3A_38 = arith.constant true
        %select_n3A_39 = arith.constant 0 : i32
        %select_n3A_40 = arith.constant 1 : i32
        %select_n3A_41 = arith.select %select_n3A_38, %select_n3A_40, %select_n3A_39 : i32
        %eq3A_42 = arith.cmpi eq, %select_n3A_41, %select_n3A : i32
        %select_n3A_43 = arith.constant 0 : i32
        %select_n3A_44 = arith.select %eq3A_42, %select_n3A_43, %select_n3A_41 : i32
        %add3A_45 = arith.addi %select_n3A_44, %select_n3A_14 : i32
        %add3A_46 = arith.constant 1 : i32
        %add3A_47 = arith.addi %select_n3A_44, %add3A_46 : i32
        %select_n3A_48 = arith.constant true
        %select_n3A_49 = arith.select %select_n3A_48, %add3A_47, %select_n3A_44 : i32
        %eq3A_50 = arith.cmpi eq, %select_n3A_49, %select_n3A : i32
        %select_n3A_51 = arith.constant 0 : i32
        %select_n3A_52 = arith.select %eq3A_50, %select_n3A_51, %select_n3A_49 : i32
        %add3A_53 = arith.addi %select_n3A_52, %select_n3A_14 : i32
        "tpu.trace_start"() <{level = 10 : i32, message = "ep_initialize_0"}> : () -> ()
        %rem3A = arith.constant 0 : i32
        %rem3A_54 = arith.constant 2 : i32
        %rem3A_55 = arith.remui %rem3A, %rem3A_54 : i32
        %mul3A_56 = arith.constant 128 : i32
        %mul3A_57 = arith.muli %mul3A_56, %add3A_27 : i32
        %dma_start3A = arith.constant 0 : i32
        %dma_start3A_58 = arith.constant 0 : i32
        %dma_start3A_59 = tpu.memref_slice %run_scoped3A[%rem3A_55, %dma_start3A, %dma_start3A_58] : memref<2x1x128xi32, #tpu.memory_space<vmem>> -> memref<1x1x128xi32, #tpu.memory_space<vmem>>
        %dma_start3A_60 = tpu.memref_squeeze %dma_start3A_59 : memref<1x1x128xi32, #tpu.memory_space<vmem>> -> memref<1x128xi32, #tpu.memory_space<vmem>>
        %dma_start3A_61 = arith.constant 0 : i32
        %dma_start3A_62 = tpu.memref_slice %arg3[%dma_start3A_61, %mul3A_57] : memref<1x320000xi32, #tpu.memory_space<hbm>> -> memref<1x128xi32, #tpu.memory_space<hbm>>
        %dma_start3A_63 = tpu.memref_slice %run_scoped3A_17[%rem3A_55] : memref<2x!tpu.dma_semaphore, #tpu.memory_space<semaphore_mem>> -> memref<1x!tpu.dma_semaphore, #tpu.memory_space<semaphore_mem>>
        %dma_start3A_64 = tpu.memref_squeeze %dma_start3A_63 : memref<1x!tpu.dma_semaphore, #tpu.memory_space<semaphore_mem>> -> memref<!tpu.dma_semaphore, #tpu.memory_space<semaphore_mem>>
        %dma_start3A_65 = arith.constant 0 : i32
        %dma_start3A_66 = arith.constant 0 : i32
        %dma_start3A_67 = tpu.memref_slice %run_scoped3A[%rem3A_55, %dma_start3A_65, %dma_start3A_66] : memref<2x1x128xi32, #tpu.memory_space<vmem>> -> memref<1x1x128xi32, #tpu.memory_space<vmem>>
        %dma_start3A_68 = tpu.memref_squeeze %dma_start3A_67 : memref<1x1x128xi32, #tpu.memory_space<vmem>> -> memref<1x128xi32, #tpu.memory_space<vmem>>
        %dma_start3A_69 = arith.constant 0 : i32
        %dma_start3A_70 = tpu.memref_slice %arg3[%dma_start3A_69, %mul3A_57] : memref<1x320000xi32, #tpu.memory_space<hbm>> -> memref<1x128xi32, #tpu.memory_space<hbm>>
        tpu.enqueue_dma source(%dma_start3A_70 : memref<1x128xi32, #tpu.memory_space<hbm>>) target(%dma_start3A_68 : memref<1x128xi32, #tpu.memory_space<vmem>>) target_semaphore(%dma_start3A_64 : memref<!tpu.dma_semaphore, #tpu.memory_space<semaphore_mem>>)
        %add3A_71 = arith.constant 0 : i32
        %add3A_72 = arith.constant 1 : i32
        %add3A_73 = arith.addi %add3A_71, %add3A_72 : i32
        %select_n3A_74 = arith.constant true
        %select_n3A_75 = arith.constant 0 : i32
        %select_n3A_76 = arith.select %select_n3A_74, %add3A_73, %select_n3A_75 : i32
        %while3A = arith.constant 0 : i32
        %while3A_77 = arith.constant 0 : i32
        %while3A_78 = arith.constant 0 : i32
        %while3A_79 = arith.constant 0 : i32
        %while3A_80 = arith.constant 0 : i32
        "tpu.trace_stop"() : () -> ()
        %while3A_81 = arith.subi %mul3A_16, %while3A : i32
        %while3A_82 = arith.addi %while3A, %while3A_81 : i32
        %while3A_83 = arith.constant 1 : i32
        %while3A_84 = arith.divsi %while3A_81, %while3A_83 : i32
        %while3A_85 = arith.muli %while3A_84, %while3A_83 : i32
        %while3A_86 = arith.addi %while3A, %while3A_85 : i32
        %while3A_87 = arith.constant 1 : i32
        %while3A_88:5 = scf.for %while3A_142 = %while3A to %while3A_86 step %while3A_87 iter_args(%while3A_143 = %select_n3A_76, %while3A_144 = %while3A_77, %while3A_145 = %while3A_78, %while3A_146 = %while3A_79, %while3A_147 = %while3A_80) -> (i32, i32, i32, i32, i32)  : i32 {
          %mul3A_148 = arith.constant 1 : i32
          %mul3A_149 = arith.muli %mul3A_148, %select_n3A : i32
          %eq3A_150 = arith.constant 0 : i32
          %eq3A_151 = arith.cmpi eq, %while3A_142, %eq3A_150 : i32
          %sub3A_152 = arith.constant 1 : i32
          %sub3A_153 = arith.subi %mul3A_149, %sub3A_152 : i32
          %eq3A_154 = arith.cmpi eq, %while3A_142, %sub3A_153 : i32
          %add3A_155 = arith.addi %while3A_147, %select_n3A_14 : i32
          %sub3A_156 = arith.constant 1 : i32
          %sub3A_157 = arith.subi %while3A_147, %sub3A_156 : i32
          %select_n3A_158 = arith.constant true
          %select_n3A_159 = arith.select %select_n3A_158, %sub3A_157, %while3A_147 : i32
          %eq3A_160 = arith.constant -1 : i32
          %eq3A_161 = arith.cmpi eq, %select_n3A_159, %eq3A_160 : i32
          %sub3A_162 = arith.constant 1 : i32
          %sub3A_163 = arith.subi %select_n3A, %sub3A_162 : i32
          %select_n3A_164 = arith.select %eq3A_161, %sub3A_163, %select_n3A_159 : i32
          %add3A_165 = arith.addi %select_n3A_164, %select_n3A_14 : i32
          %add3A_166 = arith.constant 1 : i32
          %add3A_167 = arith.addi %while3A_147, %add3A_166 : i32
          %select_n3A_168 = arith.constant true
          %select_n3A_169 = arith.select %select_n3A_168, %add3A_167, %while3A_147 : i32
          %eq3A_170 = arith.cmpi eq, %select_n3A_169, %select_n3A : i32
          %select_n3A_171 = arith.constant 0 : i32
          %select_n3A_172 = arith.select %eq3A_170, %select_n3A_171, %select_n3A_169 : i32
          %add3A_173 = arith.addi %select_n3A_172, %select_n3A_14 : i32
          %add3A_174 = arith.constant 1 : i32
          %add3A_175 = arith.addi %select_n3A_172, %add3A_174 : i32
          %select_n3A_176 = arith.constant true
          %select_n3A_177 = arith.select %select_n3A_176, %add3A_175, %select_n3A_172 : i32
          %eq3A_178 = arith.cmpi eq, %select_n3A_177, %select_n3A : i32
          %select_n3A_179 = arith.constant 0 : i32
          %select_n3A_180 = arith.select %eq3A_178, %select_n3A_179, %select_n3A_177 : i32
          %add3A_181 = arith.addi %select_n3A_180, %select_n3A_14 : i32
          %ne3A = arith.cmpi ne, %add3A_155, %add3A_173 : i32
          %or3A = arith.constant false
          %or3A_182 = arith.ori %or3A, %ne3A : i1
          %sub3A_183 = arith.constant 2 : i32
          %sub3A_184 = arith.subi %mul3A_149, %sub3A_183 : i32
          %add3A_185 = arith.constant 1 : i32
          %add3A_186 = arith.addi %sub3A_184, %add3A_185 : i32
          %ge3A = arith.cmpi sge, %while3A_142, %add3A_186 : i32
          %not3A = arith.constant true
          %not3A_187 = arith.xori %ge3A, %not3A : i1
          %and3A = arith.andi %or3A_182, %not3A_187 : i1
          %convert_element_type3A_188 = arith.extui %and3A : i1 to i32
          %cond3A_189 = arith.constant 0 : i32
          %cond3A_190 = arith.cmpi ne, %convert_element_type3A_188, %cond3A_189 : i32
          scf.if %cond3A_190 {
            "tpu.trace_start"() <{level = 10 : i32, message = "ep_copy_in"}> : () -> ()
            %rem3A_294 = arith.constant 2 : i32
            %rem3A_295 = arith.remui %while3A_143, %rem3A_294 : i32
            %mul3A_296 = arith.constant 128 : i32
            %mul3A_297 = arith.muli %mul3A_296, %add3A_173 : i32
            %dma_start3A_298 = arith.constant 0 : i32
            %dma_start3A_299 = arith.constant 0 : i32
            %dma_start3A_300 = tpu.memref_slice %run_scoped3A[%rem3A_295, %dma_start3A_298, %dma_start3A_299] : memref<2x1x128xi32, #tpu.memory_space<vmem>> -> memref<1x1x128xi32, #tpu.memory_space<vmem>>
            %dma_start3A_301 = tpu.memref_squeeze %dma_start3A_300 : memref<1x1x128xi32, #tpu.memory_space<vmem>> -> memref<1x128xi32, #tpu.memory_space<vmem>>
            %dma_start3A_302 = arith.constant 0 : i32
            %dma_start3A_303 = tpu.memref_slice %arg3[%dma_start3A_302, %mul3A_297] : memref<1x320000xi32, #tpu.memory_space<hbm>> -> memref<1x128xi32, #tpu.memory_space<hbm>>
            %dma_start3A_304 = tpu.memref_slice %run_scoped3A_17[%rem3A_295] : memref<2x!tpu.dma_semaphore, #tpu.memory_space<semaphore_mem>> -> memref<1x!tpu.dma_semaphore, #tpu.memory_space<semaphore_mem>>
            %dma_start3A_305 = tpu.memref_squeeze %dma_start3A_304 : memref<1x!tpu.dma_semaphore, #tpu.memory_space<semaphore_mem>> -> memref<!tpu.dma_semaphore, #tpu.memory_space<semaphore_mem>>
            %dma_start3A_306 = arith.constant 0 : i32
            %dma_start3A_307 = arith.constant 0 : i32
            %dma_start3A_308 = tpu.memref_slice %run_scoped3A[%rem3A_295, %dma_start3A_306, %dma_start3A_307] : memref<2x1x128xi32, #tpu.memory_space<vmem>> -> memref<1x1x128xi32, #tpu.memory_space<vmem>>
            %dma_start3A_309 = tpu.memref_squeeze %dma_start3A_308 : memref<1x1x128xi32, #tpu.memory_space<vmem>> -> memref<1x128xi32, #tpu.memory_space<vmem>>
            %dma_start3A_310 = arith.constant 0 : i32
            %dma_start3A_311 = tpu.memref_slice %arg3[%dma_start3A_310, %mul3A_297] : memref<1x320000xi32, #tpu.memory_space<hbm>> -> memref<1x128xi32, #tpu.memory_space<hbm>>
            tpu.enqueue_dma source(%dma_start3A_311 : memref<1x128xi32, #tpu.memory_space<hbm>>) target(%dma_start3A_309 : memref<1x128xi32, #tpu.memory_space<vmem>>) target_semaphore(%dma_start3A_305 : memref<!tpu.dma_semaphore, #tpu.memory_space<semaphore_mem>>)
            "tpu.trace_stop"() : () -> ()
          } else {
          }
          %and3A_191 = arith.constant true
          %and3A_192 = arith.andi %and3A, %and3A_191 : i1
          %add3A_193 = arith.constant 1 : i32
          %add3A_194 = arith.addi %while3A_143, %add3A_193 : i32
          %select_n3A_195 = arith.select %and3A_192, %add3A_194, %while3A_143 : i32
          %ne3A_196 = arith.cmpi ne, %add3A_155, %add3A_173 : i32
          %or3A_197 = arith.constant false
          %or3A_198 = arith.ori %or3A_197, %ne3A_196 : i1
          %or3A_199 = arith.constant false
          %or3A_200 = arith.ori %or3A_198, %or3A_199 : i1
          %sub3A_201 = arith.constant 2 : i32
          %sub3A_202 = arith.subi %mul3A_149, %sub3A_201 : i32
          %add3A_203 = arith.constant 1 : i32
          %add3A_204 = arith.addi %sub3A_202, %add3A_203 : i32
          %ge3A_205 = arith.cmpi sge, %while3A_142, %add3A_204 : i32
          %not3A_206 = arith.constant true
          %not3A_207 = arith.xori %ge3A_205, %not3A_206 : i1
          %and3A_208 = arith.andi %or3A_200, %not3A_207 : i1
          %ne3A_209 = arith.cmpi ne, %add3A_155, %add3A_165 : i32
          %or3A_210 = arith.constant false
          %or3A_211 = arith.ori %or3A_210, %ne3A_209 : i1
          %or3A_212 = arith.ori %or3A_211, %eq3A_151 : i1
          %convert_element_type3A_213 = arith.extui %or3A_212 : i1 to i32
          %cond3A_214 = arith.constant 0 : i32
          %cond3A_215 = arith.cmpi ne, %convert_element_type3A_213, %cond3A_214 : i32
          scf.if %cond3A_215 {
            "tpu.trace_start"() <{level = 10 : i32, message = "ep_wait_in"}> : () -> ()
            %mul3A_294 = arith.constant 128 : i32
            %mul3A_295 = arith.muli %mul3A_294, %add3A_155 : i32
            %rem3A_296 = arith.constant 2 : i32
            %rem3A_297 = arith.remui %while3A_144, %rem3A_296 : i32
            %dma_wait3A = arith.constant 0 : i32
            %dma_wait3A_298 = arith.constant 0 : i32
            %dma_wait3A_299 = tpu.memref_slice %run_scoped3A[%rem3A_297, %dma_wait3A, %dma_wait3A_298] : memref<2x1x128xi32, #tpu.memory_space<vmem>> -> memref<1x1x128xi32, #tpu.memory_space<vmem>>
            %dma_wait3A_300 = tpu.memref_squeeze %dma_wait3A_299 : memref<1x1x128xi32, #tpu.memory_space<vmem>> -> memref<1x128xi32, #tpu.memory_space<vmem>>
            %dma_wait3A_301 = arith.constant 0 : i32
            %dma_wait3A_302 = tpu.memref_slice %arg3[%dma_wait3A_301, %mul3A_295] : memref<1x320000xi32, #tpu.memory_space<hbm>> -> memref<1x128xi32, #tpu.memory_space<hbm>>
            %dma_wait3A_303 = tpu.memref_slice %run_scoped3A_17[%rem3A_297] : memref<2x!tpu.dma_semaphore, #tpu.memory_space<semaphore_mem>> -> memref<1x!tpu.dma_semaphore, #tpu.memory_space<semaphore_mem>>
            %dma_wait3A_304 = tpu.memref_squeeze %dma_wait3A_303 : memref<1x!tpu.dma_semaphore, #tpu.memory_space<semaphore_mem>> -> memref<!tpu.dma_semaphore, #tpu.memory_space<semaphore_mem>>
            %dma_wait3A_305 = arith.constant 0 : i32
            %dma_wait3A_306 = arith.constant 0 : i32
            %dma_wait3A_307 = tpu.memref_slice %run_scoped3A[%rem3A_297, %dma_wait3A_305, %dma_wait3A_306] : memref<2x1x128xi32, #tpu.memory_space<vmem>> -> memref<1x1x128xi32, #tpu.memory_space<vmem>>
            %dma_wait3A_308 = tpu.memref_squeeze %dma_wait3A_307 : memref<1x1x128xi32, #tpu.memory_space<vmem>> -> memref<1x128xi32, #tpu.memory_space<vmem>>
            %dma_wait3A_309 = arith.constant 0 : i32
            %dma_wait3A_310 = tpu.memref_slice %arg3[%dma_wait3A_309, %mul3A_295] : memref<1x320000xi32, #tpu.memory_space<hbm>> -> memref<1x128xi32, #tpu.memory_space<hbm>>
            tpu.wait_dma2 semaphore(%dma_wait3A_304 : memref<!tpu.dma_semaphore, #tpu.memory_space<semaphore_mem>>) src(%dma_wait3A_310 : memref<1x128xi32, #tpu.memory_space<hbm>>) dst(%dma_wait3A_308 : memref<1x128xi32, #tpu.memory_space<vmem>>)
            "tpu.trace_stop"() : () -> ()
          } else {
          }
          %ne3A_216 = arith.cmpi ne, %add3A_155, %add3A_165 : i32
          %or3A_217 = arith.constant false
          %or3A_218 = arith.ori %or3A_217, %ne3A_216 : i1
          %or3A_219 = arith.constant false
          %or3A_220 = arith.ori %or3A_218, %or3A_219 : i1
          %or3A_221 = arith.ori %or3A_220, %eq3A_151 : i1
          %convert_element_type3A_222 = arith.extui %or3A_221 : i1 to i32
          %cond3A_223 = arith.constant 0 : i32
          %cond3A_224 = arith.cmpi ne, %convert_element_type3A_222, %cond3A_223 : i32
          scf.if %cond3A_224 {
          } else {
          }
          %rem3A_225 = arith.constant 2 : i32
          %rem3A_226 = arith.remui %while3A_144, %rem3A_225 : i32
          %rem3A_227 = arith.constant 2 : i32
          %rem3A_228 = arith.remui %while3A_145, %rem3A_227 : i32
          %run_scoped3A_229 = arith.constant 0 : i32
          "tpu.trace_start"() <{level = 10 : i32, message = "ep_run_kernel"}> : () -> ()
          "tpu.region"() ({
            %run_scoped3A_294 = tpu.sem_alloc : memref<!tpu.dma_semaphore, #tpu.memory_space<semaphore_mem>>
            %dma_start3A_295 = arith.constant 0 : i32
            %dma_start3A_296 = arith.constant 0 : i32
            %dma_start3A_297 = tpu.memref_slice %run_scoped3A_18[%rem3A_228, %dma_start3A_295, %dma_start3A_296] : memref<2x128x256xf32, #tpu.memory_space<vmem>> -> memref<1x128x256xf32, #tpu.memory_space<vmem>>
            %dma_start3A_298 = tpu.memref_squeeze %dma_start3A_297 : memref<1x128x256xf32, #tpu.memory_space<vmem>> -> memref<128x256xf32, #tpu.memory_space<vmem>>
            %dma_start3A_299 = arith.constant 0 : i32
            %dma_start3A_300 = arith.constant 0 : i32
            %dma_start3A_301 = tpu.memref_slice %run_scoped3A[%rem3A_226, %dma_start3A_299, %dma_start3A_300] : memref<2x1x128xi32, #tpu.memory_space<vmem>> -> memref<1x1x128xi32, #tpu.memory_space<vmem>>
            %dma_start3A_302 = tpu.memref_squeeze %dma_start3A_301 : memref<1x1x128xi32, #tpu.memory_space<vmem>> -> memref<1x128xi32, #tpu.memory_space<vmem>>
            %dma_start3A_303 = arith.constant 0 : i32
            %dma_start3A_304 = tpu.memref_slice %dma_start3A_302[%run_scoped3A_229, %dma_start3A_303] : memref<1x128xi32, #tpu.memory_space<vmem>> -> memref<1x128xi32, #tpu.memory_space<vmem>>
            %dma_start3A_305 = tpu.memref_squeeze %dma_start3A_304 : memref<1x128xi32, #tpu.memory_space<vmem>> -> memref<128xi32, #tpu.memory_space<vmem>>
            %dma_start3A_306 = arith.constant 0 : i32
            %dma_start3A_307 = arith.constant 0 : i32
            %dma_start3A_308 = tpu.memref_slice %arg2[%dma_start3A_306, %dma_start3A_307] : memref<10000x256xf32, #tpu.memory_space<hbm>> -> memref<10000x256xf32, #tpu.memory_space<hbm>>
            tpu.enqueue_indirect_dma source(%dma_start3A_308 : memref<10000x256xf32, #tpu.memory_space<hbm>>) target(%dma_start3A_298 : memref<128x256xf32, #tpu.memory_space<vmem>>) offsets(%dma_start3A_305 : memref<128xi32, #tpu.memory_space<vmem>>) semaphore(%run_scoped3A_294 : memref<!tpu.dma_semaphore, #tpu.memory_space<semaphore_mem>>)
            %dma_wait3A = arith.constant 0 : i32
            %dma_wait3A_309 = arith.constant 0 : i32
            %dma_wait3A_310 = tpu.memref_slice %run_scoped3A_18[%rem3A_228, %dma_wait3A, %dma_wait3A_309] : memref<2x128x256xf32, #tpu.memory_space<vmem>> -> memref<1x128x256xf32, #tpu.memory_space<vmem>>
            %dma_wait3A_311 = tpu.memref_squeeze %dma_wait3A_310 : memref<1x128x256xf32, #tpu.memory_space<vmem>> -> memref<128x256xf32, #tpu.memory_space<vmem>>
            %dma_wait3A_312 = arith.constant 0 : i32
            %dma_wait3A_313 = arith.constant 0 : i32
            %dma_wait3A_314 = tpu.memref_slice %run_scoped3A[%rem3A_226, %dma_wait3A_312, %dma_wait3A_313] : memref<2x1x128xi32, #tpu.memory_space<vmem>> -> memref<1x1x128xi32, #tpu.memory_space<vmem>>
            %dma_wait3A_315 = tpu.memref_squeeze %dma_wait3A_314 : memref<1x1x128xi32, #tpu.memory_space<vmem>> -> memref<1x128xi32, #tpu.memory_space<vmem>>
            %dma_wait3A_316 = arith.constant 0 : i32
            %dma_wait3A_317 = tpu.memref_slice %dma_wait3A_315[%run_scoped3A_229, %dma_wait3A_316] : memref<1x128xi32, #tpu.memory_space<vmem>> -> memref<1x128xi32, #tpu.memory_space<vmem>>
            %dma_wait3A_318 = tpu.memref_squeeze %dma_wait3A_317 : memref<1x128xi32, #tpu.memory_space<vmem>> -> memref<128xi32, #tpu.memory_space<vmem>>
            %dma_wait3A_319 = arith.constant 0 : i32
            %dma_wait3A_320 = arith.constant 0 : i32
            %dma_wait3A_321 = tpu.memref_slice %arg2[%dma_wait3A_319, %dma_wait3A_320] : memref<10000x256xf32, #tpu.memory_space<hbm>> -> memref<10000x256xf32, #tpu.memory_space<hbm>>
            tpu.wait_indirect_dma semaphore(%run_scoped3A_294 : memref<!tpu.dma_semaphore, #tpu.memory_space<semaphore_mem>>) src(%dma_wait3A_321 : memref<10000x256xf32, #tpu.memory_space<hbm>>) dst(%dma_wait3A_311 : memref<128x256xf32, #tpu.memory_space<vmem>>)
            tpu.yield
          }) : () -> ()
          "tpu.trace_stop"() : () -> ()
          %ne3A_230 = arith.cmpi ne, %add3A_155, %add3A_173 : i32
          %or3A_231 = arith.constant false
          %or3A_232 = arith.ori %or3A_231, %ne3A_230 : i1
          %or3A_233 = arith.ori %or3A_232, %eq3A_154 : i1
          %convert_element_type3A_234 = arith.extui %or3A_233 : i1 to i32
          %cond3A_235 = arith.constant 0 : i32
          %cond3A_236 = arith.cmpi ne, %convert_element_type3A_234, %cond3A_235 : i32
          scf.if %cond3A_236 {
          } else {
          }
          %and3A_237 = arith.constant false
          %and3A_238 = arith.andi %or3A_233, %and3A_237 : i1
          %ne3A_239 = arith.cmpi ne, %add3A_155, %add3A_173 : i32
          %or3A_240 = arith.constant false
          %or3A_241 = arith.ori %or3A_240, %ne3A_239 : i1
          %or3A_242 = arith.constant false
          %or3A_243 = arith.ori %or3A_241, %or3A_242 : i1
          %or3A_244 = arith.ori %or3A_243, %eq3A_154 : i1
          %convert_element_type3A_245 = arith.extui %or3A_244 : i1 to i32
          %cond3A_246 = arith.constant 0 : i32
          %cond3A_247 = arith.cmpi ne, %convert_element_type3A_245, %cond3A_246 : i32
          scf.if %cond3A_247 {
            "tpu.trace_start"() <{level = 10 : i32, message = "ep_copy_out"}> : () -> ()
            %rem3A_294 = arith.constant 2 : i32
            %rem3A_295 = arith.remui %while3A_145, %rem3A_294 : i32
            %mul3A_296 = arith.constant 128 : i32
            %mul3A_297 = arith.muli %mul3A_296, %add3A_155 : i32
            %dma_start3A_298 = arith.constant 0 : i32
            %dma_start3A_299 = arith.constant 0 : i32
            %dma_start3A_300 = tpu.memref_slice %run_scoped3A_18[%rem3A_295, %dma_start3A_298, %dma_start3A_299] : memref<2x128x256xf32, #tpu.memory_space<vmem>> -> memref<1x128x256xf32, #tpu.memory_space<vmem>>
            %dma_start3A_301 = tpu.memref_squeeze %dma_start3A_300 : memref<1x128x256xf32, #tpu.memory_space<vmem>> -> memref<128x256xf32, #tpu.memory_space<vmem>>
            %dma_start3A_302 = arith.constant 0 : i32
            %dma_start3A_303 = tpu.memref_slice %arg4[%mul3A_297, %dma_start3A_302] : memref<320000x256xf32, #tpu.memory_space<hbm>> -> memref<128x256xf32, #tpu.memory_space<hbm>>
            %dma_start3A_304 = tpu.memref_slice %run_scoped3A_19[%rem3A_295] : memref<2x!tpu.dma_semaphore, #tpu.memory_space<semaphore_mem>> -> memref<1x!tpu.dma_semaphore, #tpu.memory_space<semaphore_mem>>
            %dma_start3A_305 = tpu.memref_squeeze %dma_start3A_304 : memref<1x!tpu.dma_semaphore, #tpu.memory_space<semaphore_mem>> -> memref<!tpu.dma_semaphore, #tpu.memory_space<semaphore_mem>>
            %dma_start3A_306 = arith.constant 0 : i32
            %dma_start3A_307 = tpu.memref_slice %arg4[%mul3A_297, %dma_start3A_306] : memref<320000x256xf32, #tpu.memory_space<hbm>> -> memref<128x256xf32, #tpu.memory_space<hbm>>
            %dma_start3A_308 = arith.constant 0 : i32
            %dma_start3A_309 = arith.constant 0 : i32
            %dma_start3A_310 = tpu.memref_slice %run_scoped3A_18[%rem3A_295, %dma_start3A_308, %dma_start3A_309] : memref<2x128x256xf32, #tpu.memory_space<vmem>> -> memref<1x128x256xf32, #tpu.memory_space<vmem>>
            %dma_start3A_311 = tpu.memref_squeeze %dma_start3A_310 : memref<1x128x256xf32, #tpu.memory_space<vmem>> -> memref<128x256xf32, #tpu.memory_space<vmem>>
            tpu.enqueue_dma source(%dma_start3A_311 : memref<128x256xf32, #tpu.memory_space<vmem>>) target(%dma_start3A_307 : memref<128x256xf32, #tpu.memory_space<hbm>>) target_semaphore(%dma_start3A_305 : memref<!tpu.dma_semaphore, #tpu.memory_space<semaphore_mem>>)
            "tpu.trace_stop"() : () -> ()
          } else {
          }
          %and3A_248 = arith.constant true
          %and3A_249 = arith.andi %or3A_244, %and3A_248 : i1
          %add3A_250 = arith.constant 1 : i32
          %add3A_251 = arith.addi %while3A_145, %add3A_250 : i32
          %select_n3A_252 = arith.select %and3A_249, %add3A_251, %while3A_145 : i32
          %ne3A_253 = arith.cmpi ne, %add3A_155, %add3A_165 : i32
          %or3A_254 = arith.constant false
          %or3A_255 = arith.ori %or3A_254, %ne3A_253 : i1
          %not3A_256 = arith.constant true
          %not3A_257 = arith.xori %eq3A_151, %not3A_256 : i1
          %and3A_258 = arith.andi %or3A_255, %not3A_257 : i1
          %convert_element_type3A_259 = arith.extui %and3A_258 : i1 to i32
          %cond3A_260 = arith.constant 0 : i32
          %cond3A_261 = arith.cmpi ne, %convert_element_type3A_259, %cond3A_260 : i32
          scf.if %cond3A_261 {
          } else {
          }
          %and3A_262 = arith.constant false
          %and3A_263 = arith.andi %and3A_258, %and3A_262 : i1
          %ne3A_264 = arith.cmpi ne, %add3A_155, %add3A_165 : i32
          %or3A_265 = arith.constant false
          %or3A_266 = arith.ori %or3A_265, %ne3A_264 : i1
          %or3A_267 = arith.constant false
          %or3A_268 = arith.ori %or3A_266, %or3A_267 : i1
          %not3A_269 = arith.constant true
          %not3A_270 = arith.xori %eq3A_151, %not3A_269 : i1
          %and3A_271 = arith.andi %or3A_268, %not3A_270 : i1
          %convert_element_type3A_272 = arith.extui %and3A_271 : i1 to i32
          %cond3A_273 = arith.constant 0 : i32
          %cond3A_274 = arith.cmpi ne, %convert_element_type3A_272, %cond3A_273 : i32
          scf.if %cond3A_274 {
            "tpu.trace_start"() <{level = 10 : i32, message = "ep_wait_out"}> : () -> ()
            %rem3A_294 = arith.constant 2 : i32
            %rem3A_295 = arith.remui %while3A_146, %rem3A_294 : i32
            %mul3A_296 = arith.constant 128 : i32
            %mul3A_297 = arith.muli %mul3A_296, %add3A_165 : i32
            %dma_wait3A = arith.constant 0 : i32
            %dma_wait3A_298 = arith.constant 0 : i32
            %dma_wait3A_299 = tpu.memref_slice %run_scoped3A_18[%rem3A_295, %dma_wait3A, %dma_wait3A_298] : memref<2x128x256xf32, #tpu.memory_space<vmem>> -> memref<1x128x256xf32, #tpu.memory_space<vmem>>
            %dma_wait3A_300 = tpu.memref_squeeze %dma_wait3A_299 : memref<1x128x256xf32, #tpu.memory_space<vmem>> -> memref<128x256xf32, #tpu.memory_space<vmem>>
            %dma_wait3A_301 = arith.constant 0 : i32
            %dma_wait3A_302 = tpu.memref_slice %arg4[%mul3A_297, %dma_wait3A_301] : memref<320000x256xf32, #tpu.memory_space<hbm>> -> memref<128x256xf32, #tpu.memory_space<hbm>>
            %dma_wait3A_303 = tpu.memref_slice %run_scoped3A_19[%rem3A_295] : memref<2x!tpu.dma_semaphore, #tpu.memory_space<semaphore_mem>> -> memref<1x!tpu.dma_semaphore, #tpu.memory_space<semaphore_mem>>
            %dma_wait3A_304 = tpu.memref_squeeze %dma_wait3A_303 : memref<1x!tpu.dma_semaphore, #tpu.memory_space<semaphore_mem>> -> memref<!tpu.dma_semaphore, #tpu.memory_space<semaphore_mem>>
            %dma_wait3A_305 = arith.constant 0 : i32
            %dma_wait3A_306 = tpu.memref_slice %arg4[%mul3A_297, %dma_wait3A_305] : memref<320000x256xf32, #tpu.memory_space<hbm>> -> memref<128x256xf32, #tpu.memory_space<hbm>>
            %dma_wait3A_307 = arith.constant 0 : i32
            %dma_wait3A_308 = arith.constant 0 : i32
            %dma_wait3A_309 = tpu.memref_slice %run_scoped3A_18[%rem3A_295, %dma_wait3A_307, %dma_wait3A_308] : memref<2x128x256xf32, #tpu.memory_space<vmem>> -> memref<1x128x256xf32, #tpu.memory_space<vmem>>
            %dma_wait3A_310 = tpu.memref_squeeze %dma_wait3A_309 : memref<1x128x256xf32, #tpu.memory_space<vmem>> -> memref<128x256xf32, #tpu.memory_space<vmem>>
            tpu.wait_dma2 semaphore(%dma_wait3A_304 : memref<!tpu.dma_semaphore, #tpu.memory_space<semaphore_mem>>) src(%dma_wait3A_310 : memref<128x256xf32, #tpu.memory_space<vmem>>) dst(%dma_wait3A_306 : memref<128x256xf32, #tpu.memory_space<hbm>>)
            "tpu.trace_stop"() : () -> ()
          } else {
          }
          %and3A_275 = arith.constant true
          %and3A_276 = arith.andi %and3A_271, %and3A_275 : i1
          %add3A_277 = arith.constant 1 : i32
          %add3A_278 = arith.addi %while3A_146, %add3A_277 : i32
          %select_n3A_279 = arith.select %and3A_276, %add3A_278, %while3A_146 : i32
          %ne3A_280 = arith.cmpi ne, %add3A_155, %add3A_173 : i32
          %or3A_281 = arith.constant false
          %or3A_282 = arith.ori %or3A_281, %ne3A_280 : i1
          %or3A_283 = arith.ori %or3A_282, %eq3A_154 : i1
          %add3A_284 = arith.constant 1 : i32
          %add3A_285 = arith.addi %while3A_144, %add3A_284 : i32
          %select_n3A_286 = arith.select %or3A_283, %add3A_285, %while3A_144 : i32
          %add3A_287 = arith.constant 1 : i32
          %add3A_288 = arith.addi %while3A_147, %add3A_287 : i32
          %select_n3A_289 = arith.constant true
          %select_n3A_290 = arith.select %select_n3A_289, %add3A_288, %while3A_147 : i32
          %eq3A_291 = arith.cmpi eq, %select_n3A_290, %select_n3A : i32
          %select_n3A_292 = arith.constant 0 : i32
          %select_n3A_293 = arith.select %eq3A_291, %select_n3A_292, %select_n3A_290 : i32
          scf.yield %select_n3A_195, %select_n3A_286, %select_n3A_252, %select_n3A_279, %select_n3A_293 : i32, i32, i32, i32, i32
        }
        %while3A_89 = arith.constant 1 : i32
        %while3A_90:5 = scf.for %while3A_142 = %while3A_86 to %while3A_82 step %while3A_89 iter_args(%while3A_143 = %while3A_88#0, %while3A_144 = %while3A_88#1, %while3A_145 = %while3A_88#2, %while3A_146 = %while3A_88#3, %while3A_147 = %while3A_88#4) -> (i32, i32, i32, i32, i32)  : i32 {
          %mul3A_148 = arith.constant 1 : i32
          %mul3A_149 = arith.muli %mul3A_148, %select_n3A : i32
          %eq3A_150 = arith.constant 0 : i32
          %eq3A_151 = arith.cmpi eq, %while3A_142, %eq3A_150 : i32
          %sub3A_152 = arith.constant 1 : i32
          %sub3A_153 = arith.subi %mul3A_149, %sub3A_152 : i32
          %eq3A_154 = arith.cmpi eq, %while3A_142, %sub3A_153 : i32
          %add3A_155 = arith.addi %while3A_147, %select_n3A_14 : i32
          %sub3A_156 = arith.constant 1 : i32
          %sub3A_157 = arith.subi %while3A_147, %sub3A_156 : i32
          %select_n3A_158 = arith.constant true
          %select_n3A_159 = arith.select %select_n3A_158, %sub3A_157, %while3A_147 : i32
          %eq3A_160 = arith.constant -1 : i32
          %eq3A_161 = arith.cmpi eq, %select_n3A_159, %eq3A_160 : i32
          %sub3A_162 = arith.constant 1 : i32
          %sub3A_163 = arith.subi %select_n3A, %sub3A_162 : i32
          %select_n3A_164 = arith.select %eq3A_161, %sub3A_163, %select_n3A_159 : i32
          %add3A_165 = arith.addi %select_n3A_164, %select_n3A_14 : i32
          %add3A_166 = arith.constant 1 : i32
          %add3A_167 = arith.addi %while3A_147, %add3A_166 : i32
          %select_n3A_168 = arith.constant true
          %select_n3A_169 = arith.select %select_n3A_168, %add3A_167, %while3A_147 : i32
          %eq3A_170 = arith.cmpi eq, %select_n3A_169, %select_n3A : i32
          %select_n3A_171 = arith.constant 0 : i32
          %select_n3A_172 = arith.select %eq3A_170, %select_n3A_171, %select_n3A_169 : i32
          %add3A_173 = arith.addi %select_n3A_172, %select_n3A_14 : i32
          %add3A_174 = arith.constant 1 : i32
          %add3A_175 = arith.addi %select_n3A_172, %add3A_174 : i32
          %select_n3A_176 = arith.constant true
          %select_n3A_177 = arith.select %select_n3A_176, %add3A_175, %select_n3A_172 : i32
          %eq3A_178 = arith.cmpi eq, %select_n3A_177, %select_n3A : i32
          %select_n3A_179 = arith.constant 0 : i32
          %select_n3A_180 = arith.select %eq3A_178, %select_n3A_179, %select_n3A_177 : i32
          %add3A_181 = arith.addi %select_n3A_180, %select_n3A_14 : i32
          %ne3A = arith.cmpi ne, %add3A_155, %add3A_173 : i32
          %or3A = arith.constant false
          %or3A_182 = arith.ori %or3A, %ne3A : i1
          %sub3A_183 = arith.constant 2 : i32
          %sub3A_184 = arith.subi %mul3A_149, %sub3A_183 : i32
          %add3A_185 = arith.constant 1 : i32
          %add3A_186 = arith.addi %sub3A_184, %add3A_185 : i32
          %ge3A = arith.cmpi sge, %while3A_142, %add3A_186 : i32
          %not3A = arith.constant true
          %not3A_187 = arith.xori %ge3A, %not3A : i1
          %and3A = arith.andi %or3A_182, %not3A_187 : i1
          %convert_element_type3A_188 = arith.extui %and3A : i1 to i32
          %cond3A_189 = arith.constant 0 : i32
          %cond3A_190 = arith.cmpi ne, %convert_element_type3A_188, %cond3A_189 : i32
          scf.if %cond3A_190 {
            "tpu.trace_start"() <{level = 10 : i32, message = "ep_copy_in"}> : () -> ()
            %rem3A_294 = arith.constant 2 : i32
            %rem3A_295 = arith.remui %while3A_143, %rem3A_294 : i32
            %mul3A_296 = arith.constant 128 : i32
            %mul3A_297 = arith.muli %mul3A_296, %add3A_173 : i32
            %dma_start3A_298 = arith.constant 0 : i32
            %dma_start3A_299 = arith.constant 0 : i32
            %dma_start3A_300 = tpu.memref_slice %run_scoped3A[%rem3A_295, %dma_start3A_298, %dma_start3A_299] : memref<2x1x128xi32, #tpu.memory_space<vmem>> -> memref<1x1x128xi32, #tpu.memory_space<vmem>>
            %dma_start3A_301 = tpu.memref_squeeze %dma_start3A_300 : memref<1x1x128xi32, #tpu.memory_space<vmem>> -> memref<1x128xi32, #tpu.memory_space<vmem>>
            %dma_start3A_302 = arith.constant 0 : i32
            %dma_start3A_303 = tpu.memref_slice %arg3[%dma_start3A_302, %mul3A_297] : memref<1x320000xi32, #tpu.memory_space<hbm>> -> memref<1x128xi32, #tpu.memory_space<hbm>>
            %dma_start3A_304 = tpu.memref_slice %run_scoped3A_17[%rem3A_295] : memref<2x!tpu.dma_semaphore, #tpu.memory_space<semaphore_mem>> -> memref<1x!tpu.dma_semaphore, #tpu.memory_space<semaphore_mem>>
            %dma_start3A_305 = tpu.memref_squeeze %dma_start3A_304 : memref<1x!tpu.dma_semaphore, #tpu.memory_space<semaphore_mem>> -> memref<!tpu.dma_semaphore, #tpu.memory_space<semaphore_mem>>
            %dma_start3A_306 = arith.constant 0 : i32
            %dma_start3A_307 = arith.constant 0 : i32
            %dma_start3A_308 = tpu.memref_slice %run_scoped3A[%rem3A_295, %dma_start3A_306, %dma_start3A_307] : memref<2x1x128xi32, #tpu.memory_space<vmem>> -> memref<1x1x128xi32, #tpu.memory_space<vmem>>
            %dma_start3A_309 = tpu.memref_squeeze %dma_start3A_308 : memref<1x1x128xi32, #tpu.memory_space<vmem>> -> memref<1x128xi32, #tpu.memory_space<vmem>>
            %dma_start3A_310 = arith.constant 0 : i32
            %dma_start3A_311 = tpu.memref_slice %arg3[%dma_start3A_310, %mul3A_297] : memref<1x320000xi32, #tpu.memory_space<hbm>> -> memref<1x128xi32, #tpu.memory_space<hbm>>
            tpu.enqueue_dma source(%dma_start3A_311 : memref<1x128xi32, #tpu.memory_space<hbm>>) target(%dma_start3A_309 : memref<1x128xi32, #tpu.memory_space<vmem>>) target_semaphore(%dma_start3A_305 : memref<!tpu.dma_semaphore, #tpu.memory_space<semaphore_mem>>)
            "tpu.trace_stop"() : () -> ()
          } else {
          }
          %and3A_191 = arith.constant true
          %and3A_192 = arith.andi %and3A, %and3A_191 : i1
          %add3A_193 = arith.constant 1 : i32
          %add3A_194 = arith.addi %while3A_143, %add3A_193 : i32
          %select_n3A_195 = arith.select %and3A_192, %add3A_194, %while3A_143 : i32
          %ne3A_196 = arith.cmpi ne, %add3A_155, %add3A_173 : i32
          %or3A_197 = arith.constant false
          %or3A_198 = arith.ori %or3A_197, %ne3A_196 : i1
          %or3A_199 = arith.constant false
          %or3A_200 = arith.ori %or3A_198, %or3A_199 : i1
          %sub3A_201 = arith.constant 2 : i32
          %sub3A_202 = arith.subi %mul3A_149, %sub3A_201 : i32
          %add3A_203 = arith.constant 1 : i32
          %add3A_204 = arith.addi %sub3A_202, %add3A_203 : i32
          %ge3A_205 = arith.cmpi sge, %while3A_142, %add3A_204 : i32
          %not3A_206 = arith.constant true
          %not3A_207 = arith.xori %ge3A_205, %not3A_206 : i1
          %and3A_208 = arith.andi %or3A_200, %not3A_207 : i1
          %ne3A_209 = arith.cmpi ne, %add3A_155, %add3A_165 : i32
          %or3A_210 = arith.constant false
          %or3A_211 = arith.ori %or3A_210, %ne3A_209 : i1
          %or3A_212 = arith.ori %or3A_211, %eq3A_151 : i1
          %convert_element_type3A_213 = arith.extui %or3A_212 : i1 to i32
          %cond3A_214 = arith.constant 0 : i32
          %cond3A_215 = arith.cmpi ne, %convert_element_type3A_213, %cond3A_214 : i32
          scf.if %cond3A_215 {
            "tpu.trace_start"() <{level = 10 : i32, message = "ep_wait_in"}> : () -> ()
            %mul3A_294 = arith.constant 128 : i32
            %mul3A_295 = arith.muli %mul3A_294, %add3A_155 : i32
            %rem3A_296 = arith.constant 2 : i32
            %rem3A_297 = arith.remui %while3A_144, %rem3A_296 : i32
            %dma_wait3A = arith.constant 0 : i32
            %dma_wait3A_298 = arith.constant 0 : i32
            %dma_wait3A_299 = tpu.memref_slice %run_scoped3A[%rem3A_297, %dma_wait3A, %dma_wait3A_298] : memref<2x1x128xi32, #tpu.memory_space<vmem>> -> memref<1x1x128xi32, #tpu.memory_space<vmem>>
            %dma_wait3A_300 = tpu.memref_squeeze %dma_wait3A_299 : memref<1x1x128xi32, #tpu.memory_space<vmem>> -> memref<1x128xi32, #tpu.memory_space<vmem>>
            %dma_wait3A_301 = arith.constant 0 : i32
            %dma_wait3A_302 = tpu.memref_slice %arg3[%dma_wait3A_301, %mul3A_295] : memref<1x320000xi32, #tpu.memory_space<hbm>> -> memref<1x128xi32, #tpu.memory_space<hbm>>
            %dma_wait3A_303 = tpu.memref_slice %run_scoped3A_17[%rem3A_297] : memref<2x!tpu.dma_semaphore, #tpu.memory_space<semaphore_mem>> -> memref<1x!tpu.dma_semaphore, #tpu.memory_space<semaphore_mem>>
            %dma_wait3A_304 = tpu.memref_squeeze %dma_wait3A_303 : memref<1x!tpu.dma_semaphore, #tpu.memory_space<semaphore_mem>> -> memref<!tpu.dma_semaphore, #tpu.memory_space<semaphore_mem>>
            %dma_wait3A_305 = arith.constant 0 : i32
            %dma_wait3A_306 = arith.constant 0 : i32
            %dma_wait3A_307 = tpu.memref_slice %run_scoped3A[%rem3A_297, %dma_wait3A_305, %dma_wait3A_306] : memref<2x1x128xi32, #tpu.memory_space<vmem>> -> memref<1x1x128xi32, #tpu.memory_space<vmem>>
            %dma_wait3A_308 = tpu.memref_squeeze %dma_wait3A_307 : memref<1x1x128xi32, #tpu.memory_space<vmem>> -> memref<1x128xi32, #tpu.memory_space<vmem>>
            %dma_wait3A_309 = arith.constant 0 : i32
            %dma_wait3A_310 = tpu.memref_slice %arg3[%dma_wait3A_309, %mul3A_295] : memref<1x320000xi32, #tpu.memory_space<hbm>> -> memref<1x128xi32, #tpu.memory_space<hbm>>
            tpu.wait_dma2 semaphore(%dma_wait3A_304 : memref<!tpu.dma_semaphore, #tpu.memory_space<semaphore_mem>>) src(%dma_wait3A_310 : memref<1x128xi32, #tpu.memory_space<hbm>>) dst(%dma_wait3A_308 : memref<1x128xi32, #tpu.memory_space<vmem>>)
            "tpu.trace_stop"() : () -> ()
          } else {
          }
          %ne3A_216 = arith.cmpi ne, %add3A_155, %add3A_165 : i32
          %or3A_217 = arith.constant false
          %or3A_218 = arith.ori %or3A_217, %ne3A_216 : i1
          %or3A_219 = arith.constant false
          %or3A_220 = arith.ori %or3A_218, %or3A_219 : i1
          %or3A_221 = arith.ori %or3A_220, %eq3A_151 : i1
          %convert_element_type3A_222 = arith.extui %or3A_221 : i1 to i32
          %cond3A_223 = arith.constant 0 : i32
          %cond3A_224 = arith.cmpi ne, %convert_element_type3A_222, %cond3A_223 : i32
          scf.if %cond3A_224 {
          } else {
          }
          %rem3A_225 = arith.constant 2 : i32
          %rem3A_226 = arith.remui %while3A_144, %rem3A_225 : i32
          %rem3A_227 = arith.constant 2 : i32
          %rem3A_228 = arith.remui %while3A_145, %rem3A_227 : i32
          %run_scoped3A_229 = arith.constant 0 : i32
          "tpu.trace_start"() <{level = 10 : i32, message = "ep_run_kernel"}> : () -> ()
          "tpu.region"() ({
            %run_scoped3A_294 = tpu.sem_alloc : memref<!tpu.dma_semaphore, #tpu.memory_space<semaphore_mem>>
            %dma_start3A_295 = arith.constant 0 : i32
            %dma_start3A_296 = arith.constant 0 : i32
            %dma_start3A_297 = tpu.memref_slice %run_scoped3A_18[%rem3A_228, %dma_start3A_295, %dma_start3A_296] : memref<2x128x256xf32, #tpu.memory_space<vmem>> -> memref<1x128x256xf32, #tpu.memory_space<vmem>>
            %dma_start3A_298 = tpu.memref_squeeze %dma_start3A_297 : memref<1x128x256xf32, #tpu.memory_space<vmem>> -> memref<128x256xf32, #tpu.memory_space<vmem>>
            %dma_start3A_299 = arith.constant 0 : i32
            %dma_start3A_300 = arith.constant 0 : i32
            %dma_start3A_301 = tpu.memref_slice %run_scoped3A[%rem3A_226, %dma_start3A_299, %dma_start3A_300] : memref<2x1x128xi32, #tpu.memory_space<vmem>> -> memref<1x1x128xi32, #tpu.memory_space<vmem>>
            %dma_start3A_302 = tpu.memref_squeeze %dma_start3A_301 : memref<1x1x128xi32, #tpu.memory_space<vmem>> -> memref<1x128xi32, #tpu.memory_space<vmem>>
            %dma_start3A_303 = arith.constant 0 : i32
            %dma_start3A_304 = tpu.memref_slice %dma_start3A_302[%run_scoped3A_229, %dma_start3A_303] : memref<1x128xi32, #tpu.memory_space<vmem>> -> memref<1x128xi32, #tpu.memory_space<vmem>>
            %dma_start3A_305 = tpu.memref_squeeze %dma_start3A_304 : memref<1x128xi32, #tpu.memory_space<vmem>> -> memref<128xi32, #tpu.memory_space<vmem>>
            %dma_start3A_306 = arith.constant 0 : i32
            %dma_start3A_307 = arith.constant 0 : i32
            %dma_start3A_308 = tpu.memref_slice %arg2[%dma_start3A_306, %dma_start3A_307] : memref<10000x256xf32, #tpu.memory_space<hbm>> -> memref<10000x256xf32, #tpu.memory_space<hbm>>
            tpu.enqueue_indirect_dma source(%dma_start3A_308 : memref<10000x256xf32, #tpu.memory_space<hbm>>) target(%dma_start3A_298 : memref<128x256xf32, #tpu.memory_space<vmem>>) offsets(%dma_start3A_305 : memref<128xi32, #tpu.memory_space<vmem>>) semaphore(%run_scoped3A_294 : memref<!tpu.dma_semaphore, #tpu.memory_space<semaphore_mem>>)
            %dma_wait3A = arith.constant 0 : i32
            %dma_wait3A_309 = arith.constant 0 : i32
            %dma_wait3A_310 = tpu.memref_slice %run_scoped3A_18[%rem3A_228, %dma_wait3A, %dma_wait3A_309] : memref<2x128x256xf32, #tpu.memory_space<vmem>> -> memref<1x128x256xf32, #tpu.memory_space<vmem>>
            %dma_wait3A_311 = tpu.memref_squeeze %dma_wait3A_310 : memref<1x128x256xf32, #tpu.memory_space<vmem>> -> memref<128x256xf32, #tpu.memory_space<vmem>>
            %dma_wait3A_312 = arith.constant 0 : i32
            %dma_wait3A_313 = arith.constant 0 : i32
            %dma_wait3A_314 = tpu.memref_slice %run_scoped3A[%rem3A_226, %dma_wait3A_312, %dma_wait3A_313] : memref<2x1x128xi32, #tpu.memory_space<vmem>> -> memref<1x1x128xi32, #tpu.memory_space<vmem>>
            %dma_wait3A_315 = tpu.memref_squeeze %dma_wait3A_314 : memref<1x1x128xi32, #tpu.memory_space<vmem>> -> memref<1x128xi32, #tpu.memory_space<vmem>>
            %dma_wait3A_316 = arith.constant 0 : i32
            %dma_wait3A_317 = tpu.memref_slice %dma_wait3A_315[%run_scoped3A_229, %dma_wait3A_316] : memref<1x128xi32, #tpu.memory_space<vmem>> -> memref<1x128xi32, #tpu.memory_space<vmem>>
            %dma_wait3A_318 = tpu.memref_squeeze %dma_wait3A_317 : memref<1x128xi32, #tpu.memory_space<vmem>> -> memref<128xi32, #tpu.memory_space<vmem>>
            %dma_wait3A_319 = arith.constant 0 : i32
            %dma_wait3A_320 = arith.constant 0 : i32
            %dma_wait3A_321 = tpu.memref_slice %arg2[%dma_wait3A_319, %dma_wait3A_320] : memref<10000x256xf32, #tpu.memory_space<hbm>> -> memref<10000x256xf32, #tpu.memory_space<hbm>>
            tpu.wait_indirect_dma semaphore(%run_scoped3A_294 : memref<!tpu.dma_semaphore, #tpu.memory_space<semaphore_mem>>) src(%dma_wait3A_321 : memref<10000x256xf32, #tpu.memory_space<hbm>>) dst(%dma_wait3A_311 : memref<128x256xf32, #tpu.memory_space<vmem>>)
            tpu.yield
          }) : () -> ()
          "tpu.trace_stop"() : () -> ()
          %ne3A_230 = arith.cmpi ne, %add3A_155, %add3A_173 : i32
          %or3A_231 = arith.constant false
          %or3A_232 = arith.ori %or3A_231, %ne3A_230 : i1
          %or3A_233 = arith.ori %or3A_232, %eq3A_154 : i1
          %convert_element_type3A_234 = arith.extui %or3A_233 : i1 to i32
          %cond3A_235 = arith.constant 0 : i32
          %cond3A_236 = arith.cmpi ne, %convert_element_type3A_234, %cond3A_235 : i32
          scf.if %cond3A_236 {
          } else {
          }
          %and3A_237 = arith.constant false
          %and3A_238 = arith.andi %or3A_233, %and3A_237 : i1
          %ne3A_239 = arith.cmpi ne, %add3A_155, %add3A_173 : i32
          %or3A_240 = arith.constant false
          %or3A_241 = arith.ori %or3A_240, %ne3A_239 : i1
          %or3A_242 = arith.constant false
          %or3A_243 = arith.ori %or3A_241, %or3A_242 : i1
          %or3A_244 = arith.ori %or3A_243, %eq3A_154 : i1
          %convert_element_type3A_245 = arith.extui %or3A_244 : i1 to i32
          %cond3A_246 = arith.constant 0 : i32
          %cond3A_247 = arith.cmpi ne, %convert_element_type3A_245, %cond3A_246 : i32
          scf.if %cond3A_247 {
            "tpu.trace_start"() <{level = 10 : i32, message = "ep_copy_out"}> : () -> ()
            %rem3A_294 = arith.constant 2 : i32
            %rem3A_295 = arith.remui %while3A_145, %rem3A_294 : i32
            %mul3A_296 = arith.constant 128 : i32
            %mul3A_297 = arith.muli %mul3A_296, %add3A_155 : i32
            %dma_start3A_298 = arith.constant 0 : i32
            %dma_start3A_299 = arith.constant 0 : i32
            %dma_start3A_300 = tpu.memref_slice %run_scoped3A_18[%rem3A_295, %dma_start3A_298, %dma_start3A_299] : memref<2x128x256xf32, #tpu.memory_space<vmem>> -> memref<1x128x256xf32, #tpu.memory_space<vmem>>
            %dma_start3A_301 = tpu.memref_squeeze %dma_start3A_300 : memref<1x128x256xf32, #tpu.memory_space<vmem>> -> memref<128x256xf32, #tpu.memory_space<vmem>>
            %dma_start3A_302 = arith.constant 0 : i32
            %dma_start3A_303 = tpu.memref_slice %arg4[%mul3A_297, %dma_start3A_302] : memref<320000x256xf32, #tpu.memory_space<hbm>> -> memref<128x256xf32, #tpu.memory_space<hbm>>
            %dma_start3A_304 = tpu.memref_slice %run_scoped3A_19[%rem3A_295] : memref<2x!tpu.dma_semaphore, #tpu.memory_space<semaphore_mem>> -> memref<1x!tpu.dma_semaphore, #tpu.memory_space<semaphore_mem>>
            %dma_start3A_305 = tpu.memref_squeeze %dma_start3A_304 : memref<1x!tpu.dma_semaphore, #tpu.memory_space<semaphore_mem>> -> memref<!tpu.dma_semaphore, #tpu.memory_space<semaphore_mem>>
            %dma_start3A_306 = arith.constant 0 : i32
            %dma_start3A_307 = tpu.memref_slice %arg4[%mul3A_297, %dma_start3A_306] : memref<320000x256xf32, #tpu.memory_space<hbm>> -> memref<128x256xf32, #tpu.memory_space<hbm>>
            %dma_start3A_308 = arith.constant 0 : i32
            %dma_start3A_309 = arith.constant 0 : i32
            %dma_start3A_310 = tpu.memref_slice %run_scoped3A_18[%rem3A_295, %dma_start3A_308, %dma_start3A_309] : memref<2x128x256xf32, #tpu.memory_space<vmem>> -> memref<1x128x256xf32, #tpu.memory_space<vmem>>
            %dma_start3A_311 = tpu.memref_squeeze %dma_start3A_310 : memref<1x128x256xf32, #tpu.memory_space<vmem>> -> memref<128x256xf32, #tpu.memory_space<vmem>>
            tpu.enqueue_dma source(%dma_start3A_311 : memref<128x256xf32, #tpu.memory_space<vmem>>) target(%dma_start3A_307 : memref<128x256xf32, #tpu.memory_space<hbm>>) target_semaphore(%dma_start3A_305 : memref<!tpu.dma_semaphore, #tpu.memory_space<semaphore_mem>>)
            "tpu.trace_stop"() : () -> ()
          } else {
          }
          %and3A_248 = arith.constant true
          %and3A_249 = arith.andi %or3A_244, %and3A_248 : i1
          %add3A_250 = arith.constant 1 : i32
          %add3A_251 = arith.addi %while3A_145, %add3A_250 : i32
          %select_n3A_252 = arith.select %and3A_249, %add3A_251, %while3A_145 : i32
          %ne3A_253 = arith.cmpi ne, %add3A_155, %add3A_165 : i32
          %or3A_254 = arith.constant false
          %or3A_255 = arith.ori %or3A_254, %ne3A_253 : i1
          %not3A_256 = arith.constant true
          %not3A_257 = arith.xori %eq3A_151, %not3A_256 : i1
          %and3A_258 = arith.andi %or3A_255, %not3A_257 : i1
          %convert_element_type3A_259 = arith.extui %and3A_258 : i1 to i32
          %cond3A_260 = arith.constant 0 : i32
          %cond3A_261 = arith.cmpi ne, %convert_element_type3A_259, %cond3A_260 : i32
          scf.if %cond3A_261 {
          } else {
          }
          %and3A_262 = arith.constant false
          %and3A_263 = arith.andi %and3A_258, %and3A_262 : i1
          %ne3A_264 = arith.cmpi ne, %add3A_155, %add3A_165 : i32
          %or3A_265 = arith.constant false
          %or3A_266 = arith.ori %or3A_265, %ne3A_264 : i1
          %or3A_267 = arith.constant false
          %or3A_268 = arith.ori %or3A_266, %or3A_267 : i1
          %not3A_269 = arith.constant true
          %not3A_270 = arith.xori %eq3A_151, %not3A_269 : i1
          %and3A_271 = arith.andi %or3A_268, %not3A_270 : i1
          %convert_element_type3A_272 = arith.extui %and3A_271 : i1 to i32
          %cond3A_273 = arith.constant 0 : i32
          %cond3A_274 = arith.cmpi ne, %convert_element_type3A_272, %cond3A_273 : i32
          scf.if %cond3A_274 {
            "tpu.trace_start"() <{level = 10 : i32, message = "ep_wait_out"}> : () -> ()
            %rem3A_294 = arith.constant 2 : i32
            %rem3A_295 = arith.remui %while3A_146, %rem3A_294 : i32
            %mul3A_296 = arith.constant 128 : i32
            %mul3A_297 = arith.muli %mul3A_296, %add3A_165 : i32
            %dma_wait3A = arith.constant 0 : i32
            %dma_wait3A_298 = arith.constant 0 : i32
            %dma_wait3A_299 = tpu.memref_slice %run_scoped3A_18[%rem3A_295, %dma_wait3A, %dma_wait3A_298] : memref<2x128x256xf32, #tpu.memory_space<vmem>> -> memref<1x128x256xf32, #tpu.memory_space<vmem>>
            %dma_wait3A_300 = tpu.memref_squeeze %dma_wait3A_299 : memref<1x128x256xf32, #tpu.memory_space<vmem>> -> memref<128x256xf32, #tpu.memory_space<vmem>>
            %dma_wait3A_301 = arith.constant 0 : i32
            %dma_wait3A_302 = tpu.memref_slice %arg4[%mul3A_297, %dma_wait3A_301] : memref<320000x256xf32, #tpu.memory_space<hbm>> -> memref<128x256xf32, #tpu.memory_space<hbm>>
            %dma_wait3A_303 = tpu.memref_slice %run_scoped3A_19[%rem3A_295] : memref<2x!tpu.dma_semaphore, #tpu.memory_space<semaphore_mem>> -> memref<1x!tpu.dma_semaphore, #tpu.memory_space<semaphore_mem>>
            %dma_wait3A_304 = tpu.memref_squeeze %dma_wait3A_303 : memref<1x!tpu.dma_semaphore, #tpu.memory_space<semaphore_mem>> -> memref<!tpu.dma_semaphore, #tpu.memory_space<semaphore_mem>>
            %dma_wait3A_305 = arith.constant 0 : i32
            %dma_wait3A_306 = tpu.memref_slice %arg4[%mul3A_297, %dma_wait3A_305] : memref<320000x256xf32, #tpu.memory_space<hbm>> -> memref<128x256xf32, #tpu.memory_space<hbm>>
            %dma_wait3A_307 = arith.constant 0 : i32
            %dma_wait3A_308 = arith.constant 0 : i32
            %dma_wait3A_309 = tpu.memref_slice %run_scoped3A_18[%rem3A_295, %dma_wait3A_307, %dma_wait3A_308] : memref<2x128x256xf32, #tpu.memory_space<vmem>> -> memref<1x128x256xf32, #tpu.memory_space<vmem>>
            %dma_wait3A_310 = tpu.memref_squeeze %dma_wait3A_309 : memref<1x128x256xf32, #tpu.memory_space<vmem>> -> memref<128x256xf32, #tpu.memory_space<vmem>>
            tpu.wait_dma2 semaphore(%dma_wait3A_304 : memref<!tpu.dma_semaphore, #tpu.memory_space<semaphore_mem>>) src(%dma_wait3A_310 : memref<128x256xf32, #tpu.memory_space<vmem>>) dst(%dma_wait3A_306 : memref<128x256xf32, #tpu.memory_space<hbm>>)
            "tpu.trace_stop"() : () -> ()
          } else {
          }
          %and3A_275 = arith.constant true
          %and3A_276 = arith.andi %and3A_271, %and3A_275 : i1
          %add3A_277 = arith.constant 1 : i32
          %add3A_278 = arith.addi %while3A_146, %add3A_277 : i32
          %select_n3A_279 = arith.select %and3A_276, %add3A_278, %while3A_146 : i32
          %ne3A_280 = arith.cmpi ne, %add3A_155, %add3A_173 : i32
          %or3A_281 = arith.constant false
          %or3A_282 = arith.ori %or3A_281, %ne3A_280 : i1
          %or3A_283 = arith.ori %or3A_282, %eq3A_154 : i1
          %add3A_284 = arith.constant 1 : i32
          %add3A_285 = arith.addi %while3A_144, %add3A_284 : i32
          %select_n3A_286 = arith.select %or3A_283, %add3A_285, %while3A_144 : i32
          %add3A_287 = arith.constant 1 : i32
          %add3A_288 = arith.addi %while3A_147, %add3A_287 : i32
          %select_n3A_289 = arith.constant true
          %select_n3A_290 = arith.select %select_n3A_289, %add3A_288, %while3A_147 : i32
          %eq3A_291 = arith.cmpi eq, %select_n3A_290, %select_n3A : i32
          %select_n3A_292 = arith.constant 0 : i32
          %select_n3A_293 = arith.select %eq3A_291, %select_n3A_292, %select_n3A_290 : i32
          scf.yield %select_n3A_195, %select_n3A_286, %select_n3A_252, %select_n3A_279, %select_n3A_293 : i32, i32, i32, i32, i32
        }
        %sub3A_91 = arith.constant 1 : i32
        %sub3A_92 = arith.subi %while3A_90#4, %sub3A_91 : i32
        %select_n3A_93 = arith.constant true
        %select_n3A_94 = arith.select %select_n3A_93, %sub3A_92, %while3A_90#4 : i32
        %eq3A_95 = arith.constant -1 : i32
        %eq3A_96 = arith.cmpi eq, %select_n3A_94, %eq3A_95 : i32
        %sub3A_97 = arith.constant 1 : i32
        %sub3A_98 = arith.subi %select_n3A, %sub3A_97 : i32
        %select_n3A_99 = arith.select %eq3A_96, %sub3A_98, %select_n3A_94 : i32
        %sub3A_100 = arith.constant 1 : i32
        %sub3A_101 = arith.subi %mul3A_16, %sub3A_100 : i32
        %mul3A_102 = arith.constant 1 : i32
        %mul3A_103 = arith.muli %mul3A_102, %select_n3A : i32
        %eq3A_104 = arith.constant 0 : i32
        %eq3A_105 = arith.cmpi eq, %sub3A_101, %eq3A_104 : i32
        %sub3A_106 = arith.constant 1 : i32
        %sub3A_107 = arith.subi %mul3A_103, %sub3A_106 : i32
        %eq3A_108 = arith.cmpi eq, %sub3A_101, %sub3A_107 : i32
        %add3A_109 = arith.addi %select_n3A_99, %select_n3A_14 : i32
        %sub3A_110 = arith.constant 1 : i32
        %sub3A_111 = arith.subi %select_n3A_99, %sub3A_110 : i32
        %select_n3A_112 = arith.constant true
        %select_n3A_113 = arith.select %select_n3A_112, %sub3A_111, %select_n3A_99 : i32
        %eq3A_114 = arith.constant -1 : i32
        %eq3A_115 = arith.cmpi eq, %select_n3A_113, %eq3A_114 : i32
        %sub3A_116 = arith.constant 1 : i32
        %sub3A_117 = arith.subi %select_n3A, %sub3A_116 : i32
        %select_n3A_118 = arith.select %eq3A_115, %sub3A_117, %select_n3A_113 : i32
        %add3A_119 = arith.addi %select_n3A_118, %select_n3A_14 : i32
        %add3A_120 = arith.constant 1 : i32
        %add3A_121 = arith.addi %select_n3A_99, %add3A_120 : i32
        %select_n3A_122 = arith.constant true
        %select_n3A_123 = arith.select %select_n3A_122, %add3A_121, %select_n3A_99 : i32
        %eq3A_124 = arith.cmpi eq, %select_n3A_123, %select_n3A : i32
        %select_n3A_125 = arith.constant 0 : i32
        %select_n3A_126 = arith.select %eq3A_124, %select_n3A_125, %select_n3A_123 : i32
        %add3A_127 = arith.addi %select_n3A_126, %select_n3A_14 : i32
        %add3A_128 = arith.constant 1 : i32
        %add3A_129 = arith.addi %select_n3A_126, %add3A_128 : i32
        %select_n3A_130 = arith.constant true
        %select_n3A_131 = arith.select %select_n3A_130, %add3A_129, %select_n3A_126 : i32
        %eq3A_132 = arith.cmpi eq, %select_n3A_131, %select_n3A : i32
        %select_n3A_133 = arith.constant 0 : i32
        %select_n3A_134 = arith.select %eq3A_132, %select_n3A_133, %select_n3A_131 : i32
        %add3A_135 = arith.addi %select_n3A_134, %select_n3A_14 : i32
        %convert_element_type3A_136 = arith.extui %eq3A_108 : i1 to i32
        %cond3A_137 = arith.constant 0 : i32
        %cond3A_138 = arith.cmpi ne, %convert_element_type3A_136, %cond3A_137 : i32
        scf.if %cond3A_138 {
        } else {
        }
        %convert_element_type3A_139 = arith.extui %eq3A_108 : i1 to i32
        %cond3A_140 = arith.constant 0 : i32
        %cond3A_141 = arith.cmpi ne, %convert_element_type3A_139, %cond3A_140 : i32
        scf.if %cond3A_141 {
          "tpu.trace_start"() <{level = 10 : i32, message = "ep_finalize"}> : () -> ()
          %rem3A_142 = arith.constant 2 : i32
          %rem3A_143 = arith.remui %while3A_90#3, %rem3A_142 : i32
          %mul3A_144 = arith.constant 128 : i32
          %mul3A_145 = arith.muli %mul3A_144, %add3A_109 : i32
          %dma_wait3A = arith.constant 0 : i32
          %dma_wait3A_146 = arith.constant 0 : i32
          %dma_wait3A_147 = tpu.memref_slice %run_scoped3A_18[%rem3A_143, %dma_wait3A, %dma_wait3A_146] : memref<2x128x256xf32, #tpu.memory_space<vmem>> -> memref<1x128x256xf32, #tpu.memory_space<vmem>>
          %dma_wait3A_148 = tpu.memref_squeeze %dma_wait3A_147 : memref<1x128x256xf32, #tpu.memory_space<vmem>> -> memref<128x256xf32, #tpu.memory_space<vmem>>
          %dma_wait3A_149 = arith.constant 0 : i32
          %dma_wait3A_150 = tpu.memref_slice %arg4[%mul3A_145, %dma_wait3A_149] : memref<320000x256xf32, #tpu.memory_space<hbm>> -> memref<128x256xf32, #tpu.memory_space<hbm>>
          %dma_wait3A_151 = tpu.memref_slice %run_scoped3A_19[%rem3A_143] : memref<2x!tpu.dma_semaphore, #tpu.memory_space<semaphore_mem>> -> memref<1x!tpu.dma_semaphore, #tpu.memory_space<semaphore_mem>>
          %dma_wait3A_152 = tpu.memref_squeeze %dma_wait3A_151 : memref<1x!tpu.dma_semaphore, #tpu.memory_space<semaphore_mem>> -> memref<!tpu.dma_semaphore, #tpu.memory_space<semaphore_mem>>
          %dma_wait3A_153 = arith.constant 0 : i32
          %dma_wait3A_154 = tpu.memref_slice %arg4[%mul3A_145, %dma_wait3A_153] : memref<320000x256xf32, #tpu.memory_space<hbm>> -> memref<128x256xf32, #tpu.memory_space<hbm>>
          %dma_wait3A_155 = arith.constant 0 : i32
          %dma_wait3A_156 = arith.constant 0 : i32
          %dma_wait3A_157 = tpu.memref_slice %run_scoped3A_18[%rem3A_143, %dma_wait3A_155, %dma_wait3A_156] : memref<2x128x256xf32, #tpu.memory_space<vmem>> -> memref<1x128x256xf32, #tpu.memory_space<vmem>>
          %dma_wait3A_158 = tpu.memref_squeeze %dma_wait3A_157 : memref<1x128x256xf32, #tpu.memory_space<vmem>> -> memref<128x256xf32, #tpu.memory_space<vmem>>
          tpu.wait_dma2 semaphore(%dma_wait3A_152 : memref<!tpu.dma_semaphore, #tpu.memory_space<semaphore_mem>>) src(%dma_wait3A_158 : memref<128x256xf32, #tpu.memory_space<vmem>>) dst(%dma_wait3A_154 : memref<128x256xf32, #tpu.memory_space<hbm>>)
          "tpu.trace_stop"() : () -> ()
        } else {
        }
      } else {
      }
      tpu.yield
    }) : () -> ()
    return
  }
}

module attributes {stable_mosaic.version = 14 : i64} {
  func.func @_mlp_body(%arg0: i32, %arg1: memref<3200x256xf32, #tpu.memory_space<vmem>>, %arg2: memref<3200x256xf32, #tpu.memory_space<vmem>>, %arg3: memref<384x256xf32, #tpu.memory_space<vmem>>, %arg4: memref<1x256xf32, #tpu.memory_space<vmem>>, %arg5: memref<256x2xf32, #tpu.memory_space<vmem>>, %arg6: memref<1x2xf32, #tpu.memory_space<vmem>>, %arg7: memref<3200x128xf32, #tpu.memory_space<vmem>>) attributes {dimension_semantics = [#tpu.dimension_semantics<arbitrary>], iteration_bounds = array<i64: 50>, scalar_prefetch = 0 : i64, scratch_operands = 0 : i64, tpu.core_type = #tpu.core_type<tc>, window_params = [{transform_indices = @transform_0, window_bounds = array<i64: 3200, 256>}, {transform_indices = @transform_1, window_bounds = array<i64: 3200, 256>}, {pipeline_mode = #tpu.pipeline_mode<synchronous>, transform_indices = @transform_2, window_bounds = array<i64: 384, 256>}, {pipeline_mode = #tpu.pipeline_mode<synchronous>, transform_indices = @transform_3, window_bounds = array<i64: 1, 256>}, {pipeline_mode = #tpu.pipeline_mode<synchronous>, transform_indices = @transform_4, window_bounds = array<i64: 256, 2>}, {pipeline_mode = #tpu.pipeline_mode<synchronous>, transform_indices = @transform_5, window_bounds = array<i64: 1, 2>}, {transform_indices = @transform_6, window_bounds = array<i64: 3200, 128>}]} {
    %get3A = arith.constant 0 : index
    %get3A_0 = arith.constant 0 : index
    %get3A_1 = vector.load %arg1[%get3A, %get3A_0] : memref<3200x256xf32, #tpu.memory_space<vmem>>, vector<3200x128xf32>
    %get3A_2 = arith.constant 0 : index
    %get3A_3 = arith.constant 0 : index
    %get3A_4 = vector.load %arg2[%get3A_2, %get3A_3] : memref<3200x256xf32, #tpu.memory_space<vmem>>, vector<3200x128xf32>
    %get3A_5 = arith.constant 0 : index
    %get3A_6 = arith.constant 128 : index
    %get3A_7 = vector.load %arg1[%get3A_5, %get3A_6] : memref<3200x256xf32, #tpu.memory_space<vmem>>, vector<3200x3xf32>
    %get3A_8 = arith.constant 0 : index
    %get3A_9 = arith.constant 128 : index
    %get3A_10 = vector.load %arg2[%get3A_8, %get3A_9] : memref<3200x256xf32, #tpu.memory_space<vmem>>, vector<3200x3xf32>
    %sub3A = arith.subf %get3A_7, %get3A_10 : vector<3200x3xf32>
    %mul3A = arith.mulf %sub3A, %sub3A : vector<3200x3xf32>
    %reduce_sum3A = arith.constant dense<0.000000e+00> : vector<3200xf32>
    %reduce_sum3A_11 = vector.multi_reduction <add>, %mul3A, %reduce_sum3A [1] : vector<3200x3xf32> to vector<3200xf32>
    %broadcast_in_dim3A = vector.shape_cast %reduce_sum3A_11 : vector<3200xf32> to vector<3200x1xf32>
    %add3A = arith.constant 9.99999996E-13 : f32
    %add3A_12 = vector.broadcast %add3A : f32 to vector<3200x1xf32>
    %add3A_13 = arith.addf %broadcast_in_dim3A, %add3A_12 : vector<3200x1xf32>
    %sqrt3A = math.sqrt %add3A_13 : vector<3200x1xf32>
    %broadcast_in_dim3A_14 = arith.constant 0.000000e+00 : f32
    %broadcast_in_dim3A_15 = vector.broadcast %broadcast_in_dim3A_14 : f32 to vector<3200x127xf32>
    %concatenate3A = tpu.concatenate %get3A_1, %get3A_4, %sqrt3A, %broadcast_in_dim3A_15 in 1 : vector<3200x128xf32>, vector<3200x128xf32>, vector<3200x1xf32>, vector<3200x127xf32> -> vector<3200x384xf32>
    %get3A_16 = arith.constant 0 : index
    %get3A_17 = arith.constant 0 : index
    %get3A_18 = vector.load %arg3[%get3A_16, %get3A_17] : memref<384x256xf32, #tpu.memory_space<vmem>>, vector<384x256xf32>
    %dot_general3A = arith.constant dense<0.000000e+00> : vector<3200x256xf32>
    %dot_general3A_19 = tpu.matmul %concatenate3A, %get3A_18, %dot_general3A {dimension_numbers = #tpu.dot_dimension_numbers<[1], [0], [0], [1], [0, 0, 1, 1], [], []>, transpose_lhs_hint = false} : vector<3200x384xf32>, vector<384x256xf32>, vector<3200x256xf32> -> vector<3200x256xf32>
    %get3A_20 = arith.constant 0 : index
    %get3A_21 = arith.constant 0 : index
    %get3A_22 = vector.load %arg4[%get3A_20, %get3A_21] : memref<1x256xf32, #tpu.memory_space<vmem>>, vector<1x256xf32>
    %add3A_23 = vector.broadcast %get3A_22 : vector<1x256xf32> to vector<3200x256xf32>
    %add3A_24 = arith.addf %dot_general3A_19, %add3A_23 : vector<3200x256xf32>
    %logistic3A = arith.negf %add3A_24 : vector<3200x256xf32>
    %logistic3A_25 = math.exp %logistic3A : vector<3200x256xf32>
    %logistic3A_26 = arith.constant 1.000000e+00 : f32
    %logistic3A_27 = vector.broadcast %logistic3A_26 : f32 to vector<3200x256xf32>
    %logistic3A_28 = arith.addf %logistic3A_27, %logistic3A_25 : vector<3200x256xf32>
    %logistic3A_29 = arith.divf %logistic3A_27, %logistic3A_28 : vector<3200x256xf32>
    %mul3A_30 = arith.mulf %add3A_24, %logistic3A_29 : vector<3200x256xf32>
    %get3A_31 = arith.constant 0 : index
    %get3A_32 = arith.constant 0 : index
    %get3A_33 = vector.load %arg5[%get3A_31, %get3A_32] : memref<256x2xf32, #tpu.memory_space<vmem>>, vector<256x2xf32>
    %dot_general3A_34 = arith.constant dense<0.000000e+00> : vector<3200x2xf32>
    %dot_general3A_35 = tpu.matmul %mul3A_30, %get3A_33, %dot_general3A_34 {dimension_numbers = #tpu.dot_dimension_numbers<[1], [0], [0], [1], [0, 0, 1, 1], [], []>, transpose_lhs_hint = false} : vector<3200x256xf32>, vector<256x2xf32>, vector<3200x2xf32> -> vector<3200x2xf32>
    %get3A_36 = arith.constant 0 : index
    %get3A_37 = arith.constant 0 : index
    %get3A_38 = vector.load %arg6[%get3A_36, %get3A_37] : memref<1x2xf32, #tpu.memory_space<vmem>>, vector<1x2xf32>
    %add3A_39 = vector.broadcast %get3A_38 : vector<1x2xf32> to vector<3200x2xf32>
    %add3A_40 = arith.addf %dot_general3A_35, %add3A_39 : vector<3200x2xf32>
    %div3A = arith.constant 4.500000e+00 : f32
    %div3A_41 = vector.broadcast %div3A : f32 to vector<3200x1xf32>
    %div3A_42 = arith.divf %sqrt3A, %div3A_41 : vector<3200x1xf32>
    %jit3A = arith.constant 0.000000e+00 : f32
    %jit3A_43 = arith.constant 1.000000e+00 : f32
    %max3A = vector.broadcast %jit3A : f32 to vector<3200x1xf32>
    %max3A_44 = arith.maximumf %max3A, %div3A_42 : vector<3200x1xf32>
    %min3A = vector.broadcast %jit3A_43 : f32 to vector<3200x1xf32>
    %min3A_45 = arith.minimumf %min3A, %max3A_44 : vector<3200x1xf32>
    %pow3A = arith.constant 5.000000e+00 : f32
    %pow3A_46 = vector.broadcast %pow3A : f32 to vector<3200x1xf32>
    %pow3A_47 = math.powf %min3A_45, %pow3A_46 : vector<3200x1xf32>
    %mul3A_48 = arith.constant 2.100000e+01 : f32
    %mul3A_49 = vector.broadcast %mul3A_48 : f32 to vector<3200x1xf32>
    %mul3A_50 = arith.mulf %mul3A_49, %pow3A_47 : vector<3200x1xf32>
    %sub3A_51 = arith.constant 1.000000e+00 : f32
    %sub3A_52 = vector.broadcast %sub3A_51 : f32 to vector<3200x1xf32>
    %sub3A_53 = arith.subf %sub3A_52, %mul3A_50 : vector<3200x1xf32>
    %pow3A_54 = arith.constant 6.000000e+00 : f32
    %pow3A_55 = vector.broadcast %pow3A_54 : f32 to vector<3200x1xf32>
    %pow3A_56 = math.powf %min3A_45, %pow3A_55 : vector<3200x1xf32>
    %mul3A_57 = arith.constant 3.500000e+01 : f32
    %mul3A_58 = vector.broadcast %mul3A_57 : f32 to vector<3200x1xf32>
    %mul3A_59 = arith.mulf %mul3A_58, %pow3A_56 : vector<3200x1xf32>
    %add3A_60 = arith.addf %sub3A_53, %mul3A_59 : vector<3200x1xf32>
    %pow3A_61 = arith.constant 7.000000e+00 : f32
    %pow3A_62 = vector.broadcast %pow3A_61 : f32 to vector<3200x1xf32>
    %pow3A_63 = math.powf %min3A_45, %pow3A_62 : vector<3200x1xf32>
    %mul3A_64 = arith.constant 1.500000e+01 : f32
    %mul3A_65 = vector.broadcast %mul3A_64 : f32 to vector<3200x1xf32>
    %mul3A_66 = arith.mulf %mul3A_65, %pow3A_63 : vector<3200x1xf32>
    %sub3A_67 = arith.subf %add3A_60, %mul3A_66 : vector<3200x1xf32>
    %jit3A_68 = arith.constant 0.000000e+00 : f32
    %jit3A_69 = arith.constant 1.000000e+00 : f32
    %max3A_70 = vector.broadcast %jit3A_68 : f32 to vector<3200x1xf32>
    %max3A_71 = arith.maximumf %max3A_70, %sub3A_67 : vector<3200x1xf32>
    %min3A_72 = vector.broadcast %jit3A_69 : f32 to vector<3200x1xf32>
    %min3A_73 = arith.minimumf %min3A_72, %max3A_71 : vector<3200x1xf32>
    %add3A_74 = arith.constant 9.99999993E-9 : f32
    %add3A_75 = vector.broadcast %add3A_74 : f32 to vector<3200x1xf32>
    %add3A_76 = arith.addf %sqrt3A, %add3A_75 : vector<3200x1xf32>
    %div3A_77 = vector.broadcast %add3A_76 : vector<3200x1xf32> to vector<3200x3xf32>
    %div3A_78 = arith.divf %sub3A, %div3A_77 : vector<3200x3xf32>
    %mul3A_79 = vector.broadcast %min3A_73 : vector<3200x1xf32> to vector<3200x3xf32>
    %mul3A_80 = arith.mulf %div3A_78, %mul3A_79 : vector<3200x3xf32>
    %slice3A = vector.extract_strided_slice %add3A_40 {offsets = [0, 0], sizes = [3200, 1], strides = [1, 1]} : vector<3200x2xf32> to vector<3200x1xf32>
    %mul3A_81 = vector.broadcast %slice3A : vector<3200x1xf32> to vector<3200x3xf32>
    %mul3A_82 = arith.mulf %mul3A_80, %mul3A_81 : vector<3200x3xf32>
    %mul3A_83 = vector.broadcast %min3A_73 : vector<3200x1xf32> to vector<3200x3xf32>
    %mul3A_84 = arith.mulf %div3A_78, %mul3A_83 : vector<3200x3xf32>
    %slice3A_85 = vector.extract_strided_slice %add3A_40 {offsets = [0, 1], sizes = [3200, 1], strides = [1, 1]} : vector<3200x2xf32> to vector<3200x1xf32>
    %mul3A_86 = vector.broadcast %slice3A_85 : vector<3200x1xf32> to vector<3200x3xf32>
    %mul3A_87 = arith.mulf %mul3A_84, %mul3A_86 : vector<3200x3xf32>
    %broadcast_in_dim3A_88 = arith.constant 0.000000e+00 : f32
    %broadcast_in_dim3A_89 = vector.broadcast %broadcast_in_dim3A_88 : f32 to vector<3200x5xf32>
    %broadcast_in_dim3A_90 = arith.constant 0.000000e+00 : f32
    %broadcast_in_dim3A_91 = vector.broadcast %broadcast_in_dim3A_90 : f32 to vector<3200x117xf32>
    %concatenate3A_92 = tpu.concatenate %mul3A_82, %broadcast_in_dim3A_89, %mul3A_87, %broadcast_in_dim3A_91 in 1 : vector<3200x3xf32>, vector<3200x5xf32>, vector<3200x3xf32>, vector<3200x117xf32> -> vector<3200x128xf32>
    %swap3A = arith.constant 0 : index
    %swap3A_93 = arith.constant 0 : index
    %swap3A_94 = vector.load %arg7[%swap3A, %swap3A_93] : memref<3200x128xf32, #tpu.memory_space<vmem>>, vector<3200x128xf32>
    tpu.vector_store %arg7[%swap3A, %swap3A_93], %concatenate3A_92 {strides = array<i32>} : memref<3200x128xf32, #tpu.memory_space<vmem>>, vector<3200x128xf32>,
    return
  }
  func.func @transform_0(%arg0: i32) -> (i32, i32) {
    %c0_i32 = arith.constant 0 : i32
    %c0_i32_0 = arith.constant 0 : i32
    return %arg0, %c0_i32 : i32, i32
  }
  func.func @transform_1(%arg0: i32) -> (i32, i32) {
    %add3A = arith.constant 50 : i32
    %add3A_0 = arith.addi %arg0, %add3A : i32
    %c0_i32 = arith.constant 0 : i32
    %c0_i32_1 = arith.constant 0 : i32
    return %add3A_0, %c0_i32 : i32, i32
  }
  func.func @transform_2(%arg0: i32) -> (i32, i32) {
    %c0_i32 = arith.constant 0 : i32
    %c0_i32_0 = arith.constant 0 : i32
    %c0_i32_1 = arith.constant 0 : i32
    return %c0_i32, %c0_i32_0 : i32, i32
  }
  func.func @transform_3(%arg0: i32) -> (i32, i32) {
    %c0_i32 = arith.constant 0 : i32
    %c0_i32_0 = arith.constant 0 : i32
    %c0_i32_1 = arith.constant 0 : i32
    return %c0_i32, %c0_i32_0 : i32, i32
  }
  func.func @transform_4(%arg0: i32) -> (i32, i32) {
    %c0_i32 = arith.constant 0 : i32
    %c0_i32_0 = arith.constant 0 : i32
    %c0_i32_1 = arith.constant 0 : i32
    return %c0_i32, %c0_i32_0 : i32, i32
  }
  func.func @transform_5(%arg0: i32) -> (i32, i32) {
    %c0_i32 = arith.constant 0 : i32
    %c0_i32_0 = arith.constant 0 : i32
    %c0_i32_1 = arith.constant 0 : i32
    return %c0_i32, %c0_i32_0 : i32, i32
  }
  func.func @transform_6(%arg0: i32) -> (i32, i32) {
    %c0_i32 = arith.constant 0 : i32
    %c0_i32_0 = arith.constant 0 : i32
    return %arg0, %c0_i32 : i32, i32
  }
}

module attributes {stable_mosaic.version = 14 : i64} {
  func.func @_gram_body(%arg0: i32, %arg1: memref<1024x128xf32, #tpu.memory_space<vmem>>, %arg2: memref<1024x128xf32, #tpu.memory_space<vmem>>, %arg3: memref<1024x128xf32, #tpu.memory_space<vmem>>, %arg4: memref<1024x128xf32, #tpu.memory_space<vmem>>, %arg5: memref<1024x16xf32, #tpu.memory_space<vmem>>, %arg6: memref<1024x16xf32, #tpu.memory_space<vmem>>) attributes {dimension_semantics = [#tpu.dimension_semantics<arbitrary>], iteration_bounds = array<i64: 10>, scalar_prefetch = 0 : i64, scratch_operands = 0 : i64, tpu.core_type = #tpu.core_type<tc>, window_params = [{transform_indices = @transform_0, window_bounds = array<i64: 1024, 128>}, {transform_indices = @transform_1, window_bounds = array<i64: 1024, 128>}, {transform_indices = @transform_2, window_bounds = array<i64: 1024, 128>}, {transform_indices = @transform_3, window_bounds = array<i64: 1024, 128>}, {transform_indices = @transform_4, window_bounds = array<i64: 1024, 16>}, {transform_indices = @transform_5, window_bounds = array<i64: 1024, 16>}]} {
    %get3A = arith.constant 0 : index
    %get3A_0 = arith.constant 0 : index
    %get3A_1 = vector.load %arg1[%get3A, %get3A_0] : memref<1024x128xf32, #tpu.memory_space<vmem>>, vector<1024x128xf32>
    %get3A_2 = arith.constant 0 : index
    %get3A_3 = arith.constant 0 : index
    %get3A_4 = vector.load %arg2[%get3A_2, %get3A_3] : memref<1024x128xf32, #tpu.memory_space<vmem>>, vector<1024x128xf32>
    %add3A = arith.addf %get3A_1, %get3A_4 : vector<1024x128xf32>
    %get3A_5 = arith.constant 0 : index
    %get3A_6 = arith.constant 0 : index
    %get3A_7 = vector.load %arg3[%get3A_5, %get3A_6] : memref<1024x128xf32, #tpu.memory_space<vmem>>, vector<1024x128xf32>
    %add3A_8 = arith.addf %add3A, %get3A_7 : vector<1024x128xf32>
    %get3A_9 = arith.constant 0 : index
    %get3A_10 = arith.constant 0 : index
    %get3A_11 = vector.load %arg4[%get3A_9, %get3A_10] : memref<1024x128xf32, #tpu.memory_space<vmem>>, vector<1024x128xf32>
    %add3A_12 = arith.addf %add3A_8, %get3A_11 : vector<1024x128xf32>
    %slice3A = vector.extract_strided_slice %add3A_12 {offsets = [0, 0], sizes = [1024, 3], strides = [1, 1]} : vector<1024x128xf32> to vector<1024x3xf32>
    %slice3A_13 = vector.extract_strided_slice %add3A_12 {offsets = [0, 8], sizes = [1024, 3], strides = [1, 1]} : vector<1024x128xf32> to vector<1024x3xf32>
    %mul3A = arith.mulf %slice3A, %slice3A : vector<1024x3xf32>
    %reduce_sum3A = arith.constant dense<0.000000e+00> : vector<1024xf32>
    %reduce_sum3A_14 = vector.multi_reduction <add>, %mul3A, %reduce_sum3A [1] : vector<1024x3xf32> to vector<1024xf32>
    %broadcast_in_dim3A = vector.shape_cast %reduce_sum3A_14 : vector<1024xf32> to vector<1024x1xf32>
    %add3A_15 = arith.constant 9.99999996E-13 : f32
    %add3A_16 = vector.broadcast %add3A_15 : f32 to vector<1024x1xf32>
    %add3A_17 = arith.addf %broadcast_in_dim3A, %add3A_16 : vector<1024x1xf32>
    %sqrt3A = math.sqrt %add3A_17 : vector<1024x1xf32>
    %gt3A = arith.constant 9.99999997E-7 : f32
    %gt3A_18 = vector.broadcast %gt3A : f32 to vector<1024x1xf32>
    %gt3A_19 = arith.cmpf ogt, %sqrt3A, %gt3A_18 : vector<1024x1xf32>
    %add3A_20 = arith.constant 9.99999997E-7 : f32
    %add3A_21 = vector.broadcast %add3A_20 : f32 to vector<1024x1xf32>
    %add3A_22 = arith.addf %sqrt3A, %add3A_21 : vector<1024x1xf32>
    %div3A = vector.broadcast %add3A_22 : vector<1024x1xf32> to vector<1024x3xf32>
    %div3A_23 = arith.divf %slice3A, %div3A : vector<1024x3xf32>
    %get3A_24 = arith.constant 0 : index
    %get3A_25 = arith.constant 0 : index
    %get3A_26 = vector.load %arg5[%get3A_24, %get3A_25] : memref<1024x16xf32, #tpu.memory_space<vmem>>, vector<1024x3xf32>
    %mul3A_27 = arith.mulf %get3A_26, %get3A_26 : vector<1024x3xf32>
    %reduce_sum3A_28 = arith.constant dense<0.000000e+00> : vector<1024xf32>
    %reduce_sum3A_29 = vector.multi_reduction <add>, %mul3A_27, %reduce_sum3A_28 [1] : vector<1024x3xf32> to vector<1024xf32>
    %broadcast_in_dim3A_30 = vector.shape_cast %reduce_sum3A_29 : vector<1024xf32> to vector<1024x1xf32>
    %add3A_31 = arith.constant 9.99999996E-13 : f32
    %add3A_32 = vector.broadcast %add3A_31 : f32 to vector<1024x1xf32>
    %add3A_33 = arith.addf %broadcast_in_dim3A_30, %add3A_32 : vector<1024x1xf32>
    %sqrt3A_34 = math.sqrt %add3A_33 : vector<1024x1xf32>
    %div3A_35 = vector.broadcast %sqrt3A_34 : vector<1024x1xf32> to vector<1024x3xf32>
    %div3A_36 = arith.divf %get3A_26, %div3A_35 : vector<1024x3xf32>
    %broadcast_in_dim3A_37 = vector.shape_cast %gt3A_19 : vector<1024x1xi1> to vector<1024x1xi1>
    %broadcast_in_dim3A_38 = vector.broadcast %broadcast_in_dim3A_37 : vector<1024x1xi1> to vector<1024x3xi1>
    %select_n3A = arith.select %broadcast_in_dim3A_38, %div3A_23, %div3A_36 : vector<1024x3xi1>, vector<1024x3xf32>
    %mul3A_39 = arith.mulf %select_n3A, %slice3A_13 : vector<1024x3xf32>
    %reduce_sum3A_40 = arith.constant dense<0.000000e+00> : vector<1024xf32>
    %reduce_sum3A_41 = vector.multi_reduction <add>, %mul3A_39, %reduce_sum3A_40 [1] : vector<1024x3xf32> to vector<1024xf32>
    %broadcast_in_dim3A_42 = vector.shape_cast %reduce_sum3A_41 : vector<1024xf32> to vector<1024x1xf32>
    %mul3A_43 = vector.broadcast %broadcast_in_dim3A_42 : vector<1024x1xf32> to vector<1024x3xf32>
    %mul3A_44 = arith.mulf %mul3A_43, %select_n3A : vector<1024x3xf32>
    %sub3A = arith.subf %slice3A_13, %mul3A_44 : vector<1024x3xf32>
    %mul3A_45 = arith.mulf %sub3A, %sub3A : vector<1024x3xf32>
    %reduce_sum3A_46 = arith.constant dense<0.000000e+00> : vector<1024xf32>
    %reduce_sum3A_47 = vector.multi_reduction <add>, %mul3A_45, %reduce_sum3A_46 [1] : vector<1024x3xf32> to vector<1024xf32>
    %broadcast_in_dim3A_48 = vector.shape_cast %reduce_sum3A_47 : vector<1024xf32> to vector<1024x1xf32>
    %add3A_49 = arith.constant 9.99999996E-13 : f32
    %add3A_50 = vector.broadcast %add3A_49 : f32 to vector<1024x1xf32>
    %add3A_51 = arith.addf %broadcast_in_dim3A_48, %add3A_50 : vector<1024x1xf32>
    %sqrt3A_52 = math.sqrt %add3A_51 : vector<1024x1xf32>
    %gt3A_53 = arith.constant 9.99999997E-7 : f32
    %gt3A_54 = vector.broadcast %gt3A_53 : f32 to vector<1024x1xf32>
    %gt3A_55 = arith.cmpf ogt, %sqrt3A_52, %gt3A_54 : vector<1024x1xf32>
    %broadcast_in_dim3A_56 = arith.constant 0.000000e+00 : f32
    %broadcast_in_dim3A_57 = vector.broadcast %broadcast_in_dim3A_56 : f32 to vector<1024x1xf32>
    %broadcast_in_dim3A_58 = arith.constant 1.000000e+00 : f32
    %broadcast_in_dim3A_59 = vector.broadcast %broadcast_in_dim3A_58 : f32 to vector<1024x1xf32>
    %slice3A_60 = vector.extract_strided_slice %select_n3A {offsets = [0, 1], sizes = [1024, 1], strides = [1, 1]} : vector<1024x3xf32> to vector<1024x1xf32>
    %neg3A = arith.constant 0.000000e+00 : f32
    %neg3A_61 = vector.broadcast %neg3A : f32 to vector<1024x1xf32>
    %neg3A_62 = arith.subf %neg3A_61, %slice3A_60 : vector<1024x1xf32>
    %slice3A_63 = vector.extract_strided_slice %select_n3A {offsets = [0, 0], sizes = [1024, 1], strides = [1, 1]} : vector<1024x3xf32> to vector<1024x1xf32>
    %concatenate3A = tpu.concatenate %neg3A_62, %slice3A_63, %broadcast_in_dim3A_57 in 1 : vector<1024x1xf32>, vector<1024x1xf32>, vector<1024x1xf32> -> vector<1024x3xf32>
    %mul3A_64 = arith.mulf %concatenate3A, %concatenate3A : vector<1024x3xf32>
    %reduce_sum3A_65 = arith.constant dense<0.000000e+00> : vector<1024xf32>
    %reduce_sum3A_66 = vector.multi_reduction <add>, %mul3A_64, %reduce_sum3A_65 [1] : vector<1024x3xf32> to vector<1024xf32>
    %broadcast_in_dim3A_67 = vector.shape_cast %reduce_sum3A_66 : vector<1024xf32> to vector<1024x1xf32>
    %add3A_68 = arith.constant 9.99999996E-13 : f32
    %add3A_69 = vector.broadcast %add3A_68 : f32 to vector<1024x1xf32>
    %add3A_70 = arith.addf %broadcast_in_dim3A_67, %add3A_69 : vector<1024x1xf32>
    %sqrt3A_71 = math.sqrt %add3A_70 : vector<1024x1xf32>
    %gt3A_72 = arith.constant 9.99999997E-7 : f32
    %gt3A_73 = vector.broadcast %gt3A_72 : f32 to vector<1024x1xf32>
    %gt3A_74 = arith.cmpf ogt, %sqrt3A_71, %gt3A_73 : vector<1024x1xf32>
    %concatenate3A_75 = tpu.concatenate %broadcast_in_dim3A_57, %broadcast_in_dim3A_57, %broadcast_in_dim3A_59 in 1 : vector<1024x1xf32>, vector<1024x1xf32>, vector<1024x1xf32> -> vector<1024x3xf32>
    %add3A_76 = arith.constant 9.99999997E-7 : f32
    %add3A_77 = vector.broadcast %add3A_76 : f32 to vector<1024x1xf32>
    %add3A_78 = arith.addf %sqrt3A_71, %add3A_77 : vector<1024x1xf32>
    %div3A_79 = vector.broadcast %add3A_78 : vector<1024x1xf32> to vector<1024x3xf32>
    %div3A_80 = arith.divf %concatenate3A, %div3A_79 : vector<1024x3xf32>
    %broadcast_in_dim3A_81 = vector.shape_cast %gt3A_74 : vector<1024x1xi1> to vector<1024x1xi1>
    %broadcast_in_dim3A_82 = vector.broadcast %broadcast_in_dim3A_81 : vector<1024x1xi1> to vector<1024x3xi1>
    %select_n3A_83 = arith.select %broadcast_in_dim3A_82, %div3A_80, %concatenate3A_75 : vector<1024x3xi1>, vector<1024x3xf32>
    %add3A_84 = arith.constant 9.99999997E-7 : f32
    %add3A_85 = vector.broadcast %add3A_84 : f32 to vector<1024x1xf32>
    %add3A_86 = arith.addf %sqrt3A_52, %add3A_85 : vector<1024x1xf32>
    %div3A_87 = vector.broadcast %add3A_86 : vector<1024x1xf32> to vector<1024x3xf32>
    %div3A_88 = arith.divf %sub3A, %div3A_87 : vector<1024x3xf32>
    %broadcast_in_dim3A_89 = vector.shape_cast %gt3A_55 : vector<1024x1xi1> to vector<1024x1xi1>
    %broadcast_in_dim3A_90 = vector.broadcast %broadcast_in_dim3A_89 : vector<1024x1xi1> to vector<1024x3xi1>
    %select_n3A_91 = arith.select %broadcast_in_dim3A_90, %div3A_88, %select_n3A_83 : vector<1024x3xi1>, vector<1024x3xf32>
    %slice3A_92 = vector.extract_strided_slice %select_n3A {offsets = [0, 1], sizes = [1024, 1], strides = [1, 1]} : vector<1024x3xf32> to vector<1024x1xf32>
    %slice3A_93 = vector.extract_strided_slice %select_n3A_91 {offsets = [0, 2], sizes = [1024, 1], strides = [1, 1]} : vector<1024x3xf32> to vector<1024x1xf32>
    %mul3A_94 = arith.mulf %slice3A_92, %slice3A_93 : vector<1024x1xf32>
    %slice3A_95 = vector.extract_strided_slice %select_n3A {offsets = [0, 2], sizes = [1024, 1], strides = [1, 1]} : vector<1024x3xf32> to vector<1024x1xf32>
    %slice3A_96 = vector.extract_strided_slice %select_n3A_91 {offsets = [0, 1], sizes = [1024, 1], strides = [1, 1]} : vector<1024x3xf32> to vector<1024x1xf32>
    %mul3A_97 = arith.mulf %slice3A_95, %slice3A_96 : vector<1024x1xf32>
    %sub3A_98 = arith.subf %mul3A_94, %mul3A_97 : vector<1024x1xf32>
    %slice3A_99 = vector.extract_strided_slice %select_n3A {offsets = [0, 2], sizes = [1024, 1], strides = [1, 1]} : vector<1024x3xf32> to vector<1024x1xf32>
    %slice3A_100 = vector.extract_strided_slice %select_n3A_91 {offsets = [0, 0], sizes = [1024, 1], strides = [1, 1]} : vector<1024x3xf32> to vector<1024x1xf32>
    %mul3A_101 = arith.mulf %slice3A_99, %slice3A_100 : vector<1024x1xf32>
    %slice3A_102 = vector.extract_strided_slice %select_n3A {offsets = [0, 0], sizes = [1024, 1], strides = [1, 1]} : vector<1024x3xf32> to vector<1024x1xf32>
    %slice3A_103 = vector.extract_strided_slice %select_n3A_91 {offsets = [0, 2], sizes = [1024, 1], strides = [1, 1]} : vector<1024x3xf32> to vector<1024x1xf32>
    %mul3A_104 = arith.mulf %slice3A_102, %slice3A_103 : vector<1024x1xf32>
    %sub3A_105 = arith.subf %mul3A_101, %mul3A_104 : vector<1024x1xf32>
    %slice3A_106 = vector.extract_strided_slice %select_n3A {offsets = [0, 0], sizes = [1024, 1], strides = [1, 1]} : vector<1024x3xf32> to vector<1024x1xf32>
    %slice3A_107 = vector.extract_strided_slice %select_n3A_91 {offsets = [0, 1], sizes = [1024, 1], strides = [1, 1]} : vector<1024x3xf32> to vector<1024x1xf32>
    %mul3A_108 = arith.mulf %slice3A_106, %slice3A_107 : vector<1024x1xf32>
    %slice3A_109 = vector.extract_strided_slice %select_n3A {offsets = [0, 1], sizes = [1024, 1], strides = [1, 1]} : vector<1024x3xf32> to vector<1024x1xf32>
    %slice3A_110 = vector.extract_strided_slice %select_n3A_91 {offsets = [0, 0], sizes = [1024, 1], strides = [1, 1]} : vector<1024x3xf32> to vector<1024x1xf32>
    %mul3A_111 = arith.mulf %slice3A_109, %slice3A_110 : vector<1024x1xf32>
    %sub3A_112 = arith.subf %mul3A_108, %mul3A_111 : vector<1024x1xf32>
    %concatenate3A_113 = tpu.concatenate %sub3A_98, %sub3A_105, %sub3A_112 in 1 : vector<1024x1xf32>, vector<1024x1xf32>, vector<1024x1xf32> -> vector<1024x3xf32>
    %mul3A_114 = arith.mulf %concatenate3A_113, %concatenate3A_113 : vector<1024x3xf32>
    %reduce_sum3A_115 = arith.constant dense<0.000000e+00> : vector<1024xf32>
    %reduce_sum3A_116 = vector.multi_reduction <add>, %mul3A_114, %reduce_sum3A_115 [1] : vector<1024x3xf32> to vector<1024xf32>
    %broadcast_in_dim3A_117 = vector.shape_cast %reduce_sum3A_116 : vector<1024xf32> to vector<1024x1xf32>
    %add3A_118 = arith.constant 9.99999996E-13 : f32
    %add3A_119 = vector.broadcast %add3A_118 : f32 to vector<1024x1xf32>
    %add3A_120 = arith.addf %broadcast_in_dim3A_117, %add3A_119 : vector<1024x1xf32>
    %sqrt3A_121 = math.sqrt %add3A_120 : vector<1024x1xf32>
    %add3A_122 = arith.constant 9.99999997E-7 : f32
    %add3A_123 = vector.broadcast %add3A_122 : f32 to vector<1024x1xf32>
    %add3A_124 = arith.addf %sqrt3A_121, %add3A_123 : vector<1024x1xf32>
    %div3A_125 = vector.broadcast %add3A_124 : vector<1024x1xf32> to vector<1024x3xf32>
    %div3A_126 = arith.divf %concatenate3A_113, %div3A_125 : vector<1024x3xf32>
    %broadcast_in_dim3A_127 = arith.constant 0.000000e+00 : f32
    %broadcast_in_dim3A_128 = vector.broadcast %broadcast_in_dim3A_127 : f32 to vector<1024x7xf32>
    %concatenate3A_129 = tpu.concatenate %select_n3A, %select_n3A_91, %div3A_126, %broadcast_in_dim3A_128 in 1 : vector<1024x3xf32>, vector<1024x3xf32>, vector<1024x3xf32>, vector<1024x7xf32> -> vector<1024x16xf32>
    %swap3A = arith.constant 0 : index
    %swap3A_130 = arith.constant 0 : index
    %swap3A_131 = vector.load %arg6[%swap3A, %swap3A_130] : memref<1024x16xf32, #tpu.memory_space<vmem>>, vector<1024x16xf32>
    tpu.vector_store %arg6[%swap3A, %swap3A_130], %concatenate3A_129 {strides = array<i32>} : memref<1024x16xf32, #tpu.memory_space<vmem>>, vector<1024x16xf32>,
    return
  }
  func.func @transform_0(%arg0: i32) -> (i32, i32) {
    %c0_i32 = arith.constant 0 : i32
    %c0_i32_0 = arith.constant 0 : i32
    return %arg0, %c0_i32 : i32, i32
  }
  func.func @transform_1(%arg0: i32) -> (i32, i32) {
    %c0_i32 = arith.constant 0 : i32
    %c0_i32_0 = arith.constant 0 : i32
    return %arg0, %c0_i32 : i32, i32
  }
  func.func @transform_2(%arg0: i32) -> (i32, i32) {
    %c0_i32 = arith.constant 0 : i32
    %c0_i32_0 = arith.constant 0 : i32
    return %arg0, %c0_i32 : i32, i32
  }
  func.func @transform_3(%arg0: i32) -> (i32, i32) {
    %c0_i32 = arith.constant 0 : i32
    %c0_i32_0 = arith.constant 0 : i32
    return %arg0, %c0_i32 : i32, i32
  }
  func.func @transform_4(%arg0: i32) -> (i32, i32) {
    %c0_i32 = arith.constant 0 : i32
    %c0_i32_0 = arith.constant 0 : i32
    return %arg0, %c0_i32 : i32, i32
  }
  func.func @transform_5(%arg0: i32) -> (i32, i32) {
    %c0_i32 = arith.constant 0 : i32
    %c0_i32_0 = arith.constant 0 : i32
    return %arg0, %c0_i32 : i32, i32
  }
}

</mosaic_0001>

<sc_bundles>
// kernel: kernel.12.cloned.1.call-start
scs
__scs_entry_jumppad:
0x0: {  	(pc) =	sbr.rel $0x88, $3  }
0x1: {  	(tag) =	ssettag $0x0;
	lr =	simm.s32 $0x1  }
0x2: {  	[smem:$0x3F96] =	sst lr;
	_ =	strace $0xD0000000  }
0x3: {  	_ = 	snop  }
0x4: {  	_ = 	snop  }
0x5: {  	_ = 	snop  }
0x6: {  	_ = 	snop  }
0x7: {  	_ = 	snop  }
__scs_overlays_trampoline_lowered:
0x8: {  	[smem:$0x3FA5] =	sst s0  }
0x9: {  	[smem:$0x3FA6] =	sst s1  }
0xa: {  	[smem:$0x3FA7] =	sst s2  }
0xb: {  	[smem:$0x3FA8] =	sst s3  }
0xc: {  	[smem:$0x3FA9] =	sst s4  }
0xd: {  	[smem:$0x3FAA] =	sst s5  }
0xe: {  	[smem:$0x3FAB] =	sst s6  }
0xf: {  	[smem:$0x3FAC] =	sst s7  }
0x10: {  	[smem:$0x3FAD] =	sst s8  }
0x11: {  	[smem:$0x3FAE] =	sst s9;
	s0 =	simm.s32 @!p0 $0x0  }
0x12: {  	s1 =	sld [smem:$0x3F94];
	s0 =	simm.s32 @p0 $0x1  }
0x13: {  	[smem:$0x3FAF] =	sst s0;
	s0 =	simm.s32 @!p1 $0x0  }
0x14: {  	s2 =	sld [smem:$0x3F93];
	s0 =	simm.s32 @p1 $0x1  }
0x15: {  	[smem:$0x3FB0] =	sst s0;
	s0 =	simm.s32 @!p2 $0x0  }
0x16: {  	s3 =	sld [smem:$0x3FDB];
	s0 =	simm.s32 @p2 $0x1  }
0x17: {  	s4 =	simm.s32 $0x1BF5;
	[smem:$0x3FB2] =	sst s0  }
0x18: {  	s0 =	sld [smem:$0x3F95];
	_ =	swait.ge [sflag:s4], $0x0  }
0x19: {  	s7 =	sld [smem:$0x3F96]  }
0x1a: {  	s8 =	sadd.s32 $0xFFFFE003, lr  }
0x1b: {  	s9 =	sadd.s32 $0xFFFFFEF7, lr;
	s5 =	simm.s32 $0xFFFFFFFF;
	p2 =	slt.u32 s8, $0xFFFFF086  }
0x1c: {  	p1 =	slt.u32 s9, $0xF7A;
	s5 =	simm.s32 @!p2 $0x0  }
0x1d: {  	s5 =	simm.s32 @p1 $0x1;
	p0 =	seq.s32 s7, s2  }
0x1e: {  	s7 =	smul.u32 @!p0 $0xF7A, s2;
	p2 =	seq.s32 @!p0 s5, $0x0  }
0x1f: {  	s9 =	smul.u32 $0xF7A, s1;
	s8 =	simm.s32 @!p0 $0x1BF5;
	p2 =	por !p2, p0  }
0x20: {  	[sflag:s8] =	ssyncset.s32 @!p0 $0xFFFFF086;
	s6 =	sadd.s32 @!p0 s3, s7;
	s7 =	simm.s32 @!p0 $0x108  }
0x21: {  	s3 =	sadd.s32 s3, s9;
	s6 =	sadd.s32 @!p0 $0x88, s6;
	s7 =	simm.s32 @p2 $0x1082  }
0x22: {  	[simem:s7], [sflag:s8] =	dma.local @!p0 [hbm:s6], $0xF7A  }
0x23: {  	s9 =	sor.u32 $0xD0000000, s2;
	s6 =	simm.s32 $0x108;
	_ =	swait.ge @!p0 [sflag:s8], $0x0  }
0x24: {  	s3 =	sadd.s32 $0x88, s3;
	s6 =	simm.s32 @!p1 $0x1082;
	[sflag:s4] =	ssyncset.s32 $0xFFFFF086  }
0x25: {  	[simem:s6], [sflag:s4] =	dma.local [hbm:s3], $0xF7A  }
0x26: {  	[smem:$0x3F96] =	sst s1;
	(tag) =	ssettag s2;
	_ =	strace s9  }
0x27: {  	s1 =	sld [smem:$0x3FA6]  }
0x28: {  	s2 =	sld [smem:$0x3FA7]  }
0x29: {  	s4 =	sld [smem:$0x3FA9]  }
0x2a: {  	p0 =	seq.s32 s5, $0x0;
	s5 =	sld [smem:$0x3FAA]  }
0x2b: {  	s6 =	sld [smem:$0x3FAB]  }
0x2c: {  	s7 =	sld [smem:$0x3FAC]  }
0x2d: {  	s3 =	simm.s32 $0x108;
	s8 =	sld [smem:$0x3FAD]  }
0x2e: {  	s3 =	simm.s32 @!p0 $0x1082;
	s9 =	sld [smem:$0x3FAE]  }
0x2f: {  	lr =	sadd.s32 s0, s3;
	s0 =	sld [smem:$0x3FA5]  }
0x30: {  	s3 =	sld [smem:$0x3FA8]  }
0x31: {  	[smem:$0x3FB1] =	sst s10  }
0x32: {  	s10 =	sld [smem:$0x3FAF];
	_ =	sdelay $0x3  }
0x33: {  	p0 =	seq.s32 s10, $0x1;
	s10 =	sld [smem:$0x3FB1];
	_ =	sdelay $0x3  }
0x34: {  	[smem:$0x3FB1] =	sst s10  }
0x35: {  	s10 =	sld [smem:$0x3FB0];
	_ =	sdelay $0x3  }
0x36: {  	p1 =	seq.s32 s10, $0x1;
	s10 =	sld [smem:$0x3FB1];
	_ =	sdelay $0x3  }
0x37: {  	[smem:$0x3FB1] =	sst s10  }
0x38: {  	s10 =	sld [smem:$0x3FB2]  }
0x39: {  	_ = 	snop;
	(pc) =	sbr.ind lr, $3  }
0x3a: {  	_ = 	snop  }
0x3b: {  	_ = 	snop  }
0x3c: {  	p2 =	seq.s32 s10, $0x1;
	s10 =	sld [smem:$0x3FB1]  }
0x3d: {  	_ =	shalt  }
0x3e: {  	_ =	shalt  }
0x3f: {  	_ =	shalt  }
0x40: {  	_ =	shalt  }
0x41: {  	_ =	shalt  }
0x42: {  	_ =	shalt  }
0x43: {  	_ =	shalt  }
0x44: {  	_ =	shalt  }
0x45: {  	_ =	shalt  }
0x46: {  	_ =	shalt  }
0x47: {  	_ =	shalt  }
0x48: {  	_ =	shalt  }
0x49: {  	_ =	shalt  }
0x4a: {  	_ =	shalt  }
0x4b: {  	_ =	shalt  }
0x4c: {  	_ =	shalt  }
0x4d: {  	_ =	shalt  }
0x4e: {  	_ =	shalt  }
0x4f: {  	_ =	shalt  }
0x50: {  	_ =	shalt  }
0x51: {  	_ =	shalt  }
0x52: {  	_ =	shalt  }
0x53: {  	_ =	shalt  }
0x54: {  	_ =	shalt  }
0x55: {  	_ =	shalt  }
0x56: {  	_ =	shalt  }
0x57: {  	_ =	shalt  }
0x58: {  	_ =	shalt  }
0x59: {  	_ =	shalt  }
0x5a: {  	_ =	shalt  }
0x5b: {  	_ =	shalt  }
0x5c: {  	_ =	shalt  }
0x5d: {  	_ =	shalt  }
0x5e: {  	_ =	shalt  }
0x5f: {  	_ =	shalt  }
0x60: {  	_ =	shalt  }
0x61: {  	_ =	shalt  }
0x62: {  	_ =	shalt  }
0x63: {  	_ =	shalt  }
0x64: {  	_ =	shalt  }
0x65: {  	_ =	shalt  }
0x66: {  	_ =	shalt  }
0x67: {  	_ =	shalt  }
0x68: {  	_ =	shalt  }
0x69: {  	_ =	shalt  }
0x6a: {  	_ =	shalt  }
0x6b: {  	_ =	shalt  }
0x6c: {  	_ =	shalt  }
0x6d: {  	_ =	shalt  }
0x6e: {  	_ =	shalt  }
0x6f: {  	_ =	shalt  }
0x70: {  	_ =	shalt  }
0x71: {  	_ =	shalt  }
0x72: {  	_ =	shalt  }
0x73: {  	_ =	shalt  }
0x74: {  	_ =	shalt  }
0x75: {  	_ =	shalt  }
0x76: {  	_ =	shalt  }
0x77: {  	_ =	shalt  }
0x78: {  	_ =	shalt  }
0x79: {  	_ =	shalt  }
0x7a: {  	_ =	shalt  }
0x7b: {  	_ =	shalt  }
0x7c: {  	_ =	shalt  }
0x7d: {  	_ =	shalt  }
0x7e: {  	_ =	shalt  }
0x7f: {  	_ =	shalt  }
0x80: {  	_ =	shalt  }
0x81: {  	_ =	shalt  }
0x82: {  	_ =	shalt  }
0x83: {  	_ =	shalt  }
0x84: {  	_ =	shalt  }
0x85: {  	_ =	shalt  }
0x86: {  	_ =	shalt  }
0x87: {  	_ =	shalt  }
.Lfunc_end0:
.L_simem_size_0:
called_computation.1_lowered:
.L_overlay_start_0:
0x88: {  	s2 =	sld [smem:$0x3FD9]  }
0x89: {  	s3 =	sld [smem:$0x3FFE];
	_ =	sdelay $0x1  }
0x8a: {  	s1 =	srdreg.scid  }
0x8b: {  	s0 =	sand.u32 $0x1, s1  }
0x8c: {  	s17 =	sshll.u32 s0, $0xA;
	s2 =	sadd.s32 s3, s2  }
0x8d: {  	s2 =	sadd.s32 s2, s17  }
0x8e: {  	[smem:$0x3FBD] =	sst s2  }
0x8f: {  	_ = 	snop  }
0x90: {  	(tm) =	ssettm $0x1  }
0x91: {  	s18 =	sld [smem:$0x3FFB];
	_ =	sdelay $0x3  }
0x92: {  	_ =	strace s18  }
0x93: {  	s2 =	sld [smem:$0x3FFC];
	_ =	sdelay $0x3  }
0x94: {  	_ =	strace s2  }
0x95: {  	s2 =	sld [smem:$0x3FFD];
	_ =	sdelay $0x3  }
0x96: {  	_ =	strace s2  }
0x97: {  	_ =	strace $0x8FFFFFFF  }
0x98: {  	s19 =	sld [smem:$0x3FDB];
	_ =	sdelay $0x1  }
0x99: {  	s20 =	simm.s32 $_scs_section_size  }
0x9a: {  	s4 =	simm.s32 $_size__tile_overlayer_lowered;
	s5 =	simm.s32 $_tile_overlayer_lowered  }
0x9b: {  	s6 =	simm.s32 $0x1BFF;
	s21 =	sshll.u32 s5, $0x1;
	s3 =	sadd.s32 s20, s19  }
0x9c: {  	s22 =	simm.s32 $0x0;
	s4 =	sshll.u32 s4, $0x1;
	s5 =	sadd.s32 s21, s3  }
0x9d: {  	[timem:s22], [sflag:s6] =	dma.local [hbm:s5], s4  }
0x9e: {  	_ =	swait.ge [sflag:s6], s4  }
0x9f: {  	s4 =	ssub.s32 $0x0, s4;
	[sflag:s6] =	ssyncset.done $0x0  }
0xa0: {  	[sflag:s6] =	ssyncadd.s32 s4;
	_ =	sdelay $0x1  }
0xa1: {  	s23 =	simm.s32 $0x1B8B  }
0xa2: {  	_ =	swait.ge [sflag:s23], $0x1  }
0xa3: {  	[sflag:s23] =	ssyncset.done $0x0  }
0xa4: {  	[sflag:s23] =	ssyncadd.s32 $0xFFFFFFFF  }
0xa5: {  	s4 =	sld [smem:$0x0]  }
0xa6: {  	s5 =	sand.u32 $0xFFFFFFFE, s1  }
0xa7: {  	p0 =	sne.s32 s1, s5  }
0xa8: {  	s5 =	sshll.u32 @p0 s5, $0xE  }
0xa9: {  	s5 =	sadd.s32 @p0 $0x11B8D, s5;
	s6 =	sshll.u32 @p0 s4, $0x11  }
0xaa: {  	s5 =	sor.u32 @p0 s6, s5  }
0xab: {  	[sflag:s5] =	ssyncadd.remote.s32 @p0 $0x1;
	_ =	sdelay $0x1  }
0xac: {  	s5 =	simm.s32 @p0 $0x1B8D  }
0xad: {  	_ =	swait.eq @p0 [sflag:s5], $0x1  }
0xae: {  	[sflag:s5] =	ssyncadd.s32 @p0 $0xFFFFFFFF  }
0xaf: {  	s6 =	sshll.u32 @!p0 s1, $0xE  }
0xb0: {  	s6 =	sor.u32 @!p0 $0x4000, s6;
	s5 =	simm.s32 @!p0 $0x1B8D  }
0xb1: {  	s4 =	sshll.u32 @!p0 s4, $0x11;
	s6 =	sadd.s32 @!p0 $0x11B8D, s6;
	_ =	swait.eq @!p0 [sflag:s5], $0x1  }
0xb2: {  	s4 =	sor.u32 @!p0 s4, s6;
	[sflag:s5] =	ssyncadd.s32 @!p0 $0xFFFFFFFF  }
0xb3: {  	s25 =	simm.s32 $0x1B8E;
	s24 =	sld [smem:$0x3FFE];
	[sflag:s4] =	ssyncadd.remote.s32 @!p0 $0x1  }
0xb4: {  	s26 =	simm.s32 $execute0_lowered;
	[smem:$0x3FD2] =	sst s25  }
0xb5: {  	s5 =	sshll.u32 s26, $0x1;
	_ =	strace $0x8000005D;
	[dreg:$0x1] =	wrdreg $0xFFFFFFFF  }
0xb6: {  	s28 =	simm.s32 $_size_execute0_lowered;
	s3 =	sadd.s32 s3, s5;
	[dreg:$0x0] =	wrdreg $0x0  }
0xb7: {  	s5 =	sshll.u32 s28, $0x1;
	[dreg:$0x2] =	wrdreg s3  }
0xb8: {  	[dreg:$0x3] =	wrdreg s5  }
0xb9: {  	[dreg:$0x4] =	wrdreg $0xC0  }
0xba: {  	_ =	task [dreg:s22], $0x5FFFF  }
0xbb: {  	[dreg:$0x1] =	wrdreg $0xFFFFFFFF  }
0xbc: {  	[dreg:$0x0] =	wrdreg $0x60  }
0xbd: {  	[dreg:$0x2] =	wrdreg s24  }
0xbe: {  	[dreg:$0x3] =	wrdreg $0x14800  }
0xbf: {  	[dreg:$0x4] =	wrdreg $0x9  }
0xc0: {  	_ =	task.clear_ibuf [dreg:s22], $0x5FFFF;
	_ =	strace $0x9000005D  }
0xc1: {  	s29 =	simm.s32 $0x9;
	_ =	strace $0x8000005F  }
0xc2: {  	_ =	swait.ge [sflag:s29], $0x1  }
0xc3: {  	[sflag:s29] =	ssyncadd.s32 $0xFFFFFFFF  }
0xc4: {  	_ =	strace $0x9000005F  }
0xc5: {  	_ =	sfence  }
0xc6: {  	s30 =	sld [smem:$0x0];
	_ =	sdelay $0x2  }
0xc7: {  	s31 =	sshll.u32 s1, $0xD;
	s1 =	sshrl.u32 s1, $0x2  }
0xc8: {  	s4 =	sand.u32 $0x4000, s31;
	s1 =	sadd.s32 s1, s30  }
0xc9: {  	s0 =	sor.u32 s4, s0;
	s1 =	sshll.u32 s1, $0x11  }
0xca: {  	s0 =	sor.u32 s1, s0  }
0xcb: {  	s0 =	sadd.s32 $0x8F2B, s0  }
0xcc: {  	[sflag:s0] =	ssyncadd.remote.s32 $0x1  }
0xcd: {  	_ =	sfence.sel $0xFFFF  }
0xce: {  	[dreg:$0x0] =	wrdreg $0xFFFFFFFF;
	(pc) =	sbr.abs _section_cstart, $3  }
0xcf: {  	[dreg:$0x1] =	wrdreg $0xFFFFFFFF  }
0xd0: {  	_ =	task.clear_ibuf [dreg:s22], $0x2FFFF;
	_ =	strace $0x9FFFFFFF  }
0xd1: {  	(tm) =	ssettm $0x7FFFFFFF  }
tec
execute0_lowered:
.L_overlay_start_1:
0x0: {  	(tag) =	ssettag $0x1  }
0x1: {  	s3 =	rddreg [dreg:$0x0]  }
0x2: {  	s0 =	srdreg.scid;
	s12 =	stileid.u32  }
0x3: {  	s1 =	rddreg [dreg:$0x1];
	s2 =	simm.s32 $0x0;
	s7 =	smul.u32 $0x14000, s12  }
0x4: {  	s11 =	simm.s32 $0x28;
	s14 =	simm.s32 $0x0;
	s9 =	smul.u32 $0x50000, s12  }
0x5: {  	s4 =	sand.u32 $0x1, s0;
	s0 =	rddreg [dreg:$0x2];
	s10 =	smul.u32 $0x13880, s12  }
0x6: {  	[smem:$0x7FF] =	sst s2;
	s29 =	sshll.u32 s12, $0xB;
	s5 =	smul.u32 $0x138800, s4  }
0x7: {  	p0 =	sne.s32 s12, $0x0;
	s12 =	sshll.u32 s12, $0x6;
	s6 =	smul.u32 $0x140000, s4  }
0x8: {  	_ =	strace $0x8000005E;
	s23 =	sshll.u32 s4, $0xF;
	s4 =	ssub.s32 $0x2, s4  }
0x9: {  	s12 =	sor.u32 $0x1C01, s12;
	s24 =	sadd.s32 s23, s3;
	s26 =	sshrl.u32 s4, $0x1  }
0xa: {  	s28 =	sshrl.u32 s9, $0x2;
	s9 =	simm.s32 $0x1;
	s8 =	sadd.s32 s5, s3  }
0xb: {  	s6 =	sadd.s32 s7, s6;
	s13 =	sadd.s32 s28, s1;
	s30 =	sadd.s32 s29, s24  }
0xc: {  	s25 =	sshrl.u32 s6, $0x3;
	s6 =	ssub.s32 s4, s26;
	s31 =	sadd.s32 s10, s8  }
0xd: {  	s8 =	sshrl.u32 @!p0 s1, $0x3;
	s10 =	simm.s32 $0x80;
	s13 =	sshrl.u32 s13, $0x3  }
0xe: {  	s5 =	sadd.s32 s25, s3;
	s3 =	sadd.s32 $0x64000, s3;
	s7 =	sadd.s32 $0xDC000, s31  }
0xf: {  	s4 =	sadd.s32 $0x12200, s5;
	s5 =	smax.u32 s6, $0x1;
	s6 =	sadd.s32 $0x2200, s30  }
.LBB2_1:
0x10: {  	s15 =	simm.s32 @!p0 $0x1C01  }
0x11: {  	[spmem:s8], [sflag:s15] =	dma.local @!p0 [hbm:s3], $0x28000  }
0x12: {  	s15 =	simm.s32 @!p0 $0x1  }
0x13: {  	_ =	swait.ge @!p0 [sflag:s15], $0x28000  }
0x14: {  	[sflag:s15] =	ssyncset.done @!p0 $0x0  }
0x15: {  	[sflag:s15] =	ssyncadd.s32 @!p0 $0xFFFD8000  }
0x16: {  	s31 =	sadd.s32 $0x0, s6;
	[bflag:$0x0] =	sbarrier.arrive $0xFFFF  }
0x17: {  	[tilespmem:s2], [sflag:$0x1] =	stream.linear.gather [hbm4b:s31+s2], $0x80, $0x38;
	[tilespmem:$0x15480] =	vst v63  }
0x18: {  	_ =	swait.ge [sflag:s9], $0x80  }
0x19: {  	[sflag:s9] =	ssyncset.done $0x0  }
0x1a: {  	[sflag:s9] =	ssyncadd.s32 $0xFFFFFF80  }
0x1b: {  	[tilespmem:s10], [sflag:$0x1] =	stream.linear.gather [hbm4b:s7+s2], $0x1400, $0x38;
	[tilespmem:$0x15480] =	vst v63  }
0x1c: {  	_ =	swait.ge [sflag:s9], $0x1400  }
0x1d: {  	[sflag:s9] =	ssyncset.done $0x0  }
0x1e: {  	[sflag:s9] =	ssyncadd.s32 $0xFFFFEC00  }
0x1f: {  	[spmem:s1] =	stream.indirect.scatter.add.f32 [tilespmem:s10], [sflag:$0x1], $0x80, s2, s11, $0xb8;
	[tilespmem:$0x15480] =	vst v63  }
0x20: {  	s16 =	simm.s32 $0x10;
	_ =	swait.ge [sflag:s9], $0x1400  }
0x21: {  	s17 =	simm.s32 $0x20;
	s15 =	sadd.s32 $0x280, s7;
	[sflag:s9] =	ssyncset.done $0x0  }
.LBB2_2:
0x22: {  	s18 =	sadd.s32 s16, s6  }
0x23: {  	[sflag:s9] =	ssyncadd.s32 $0xFFFFEC00;
	s16 =	smov.u32 s17;
	s19 =	sadd.s32 $0x10, s17  }
0x24: {  	[tilespmem:s2], [sflag:$0x1] =	stream.linear.gather [hbm4b:s18+s2], $0x80, $0x38;
	[tilespmem:$0x15480] =	vst v63  }
0x25: {  	p1 =	sne.s32 s17, $0x7C0;
	_ =	swait.ge [sflag:s9], $0x80  }
0x26: {  	[sflag:s9] =	ssyncset.done $0x0  }
0x27: {  	[sflag:s9] =	ssyncadd.s32 $0xFFFFFF80  }
0x28: {  	[tilespmem:s10], [sflag:$0x1] =	stream.linear.gather [hbm4b:s15+s2], $0x1400, $0x38;
	[tilespmem:$0x15480] =	vst v63  }
0x29: {  	_ =	swait.ge [sflag:s9], $0x1400  }
.Ltmp0:
0x2a: {  	[sflag:s9] =	ssyncset.done $0x0;
	(pc) =	sbr.rel @p1 .LBB2_2-.Ltmp0, $4  }
0x2b: {  	[sflag:s9] =	ssyncadd.s32 $0xFFFFEC00  }
0x2c: {  	[spmem:s1] =	stream.indirect.scatter.add.f32 [tilespmem:s10], [sflag:$0x1], $0x80, s2, s11, $0xb8;
	[tilespmem:$0x15480] =	vst v63  }
0x2d: {  	_ =	swait.ge [sflag:s9], $0x1400  }
0x2e: {  	s17 =	smov.u32 s19;
	s15 =	sadd.s32 $0x280, s15;
	[sflag:s9] =	ssyncset.done $0x0  }
0x2f: {  	s16 =	sadd.s32 s16, s6;
	[sflag:s9] =	ssyncadd.s32 $0xFFFFEC00  }
0x30: {  	[tilespmem:s2], [sflag:$0x1] =	stream.linear.gather [hbm4b:s16+s2], $0x80, $0x38;
	[tilespmem:$0x15480] =	vst v63  }
0x31: {  	_ =	swait.ge [sflag:s9], $0x80  }
0x32: {  	[sflag:s9] =	ssyncset.done $0x0  }
0x33: {  	[sflag:s9] =	ssyncadd.s32 $0xFFFFFF80  }
0x34: {  	[tilespmem:s10], [sflag:$0x1] =	stream.linear.gather [hbm4b:s15+s2], $0x1400, $0x38;
	[tilespmem:$0x15480] =	vst v63  }
0x35: {  	_ =	swait.ge [sflag:s9], $0x1400  }
0x36: {  	[sflag:s9] =	ssyncset.done $0x0  }
0x37: {  	[sflag:s9] =	ssyncadd.s32 $0xFFFFEC00  }
0x38: {  	[spmem:s1] =	stream.indirect.scatter.add.f32 [tilespmem:s10], [sflag:$0x1], $0x80, s2, s11, $0xb8;
	[tilespmem:$0x15480] =	vst v63  }
0x39: {  	_ =	swait.ge [sflag:s9], $0x1400  }
0x3a: {  	s14 =	sadd.s32 $0x1, s14;
	[sflag:s9] =	ssyncset.done $0x0  }
0x3b: {  	p1 =	sne.s32 s14, s5;
	[sflag:s9] =	ssyncadd.s32 $0xFFFFEC00  }
.Ltmp1:
0x3c: {  	[bflag:$0x0] =	sbarrier.arrive $0xFFFF;
	(pc) =	sbr.rel @p1 .LBB2_1-.Ltmp1, $4  }
0x3d: {  	[hbm:s4], [sflag:s12] =	dma.local [spmem:s13], $0x2800  }
0x3e: {  	_ =	swait.ge [sflag:s9], $0x2800  }
0x3f: {  	[sflag:s9] =	ssyncset.done $0x0  }
0x40: {  	[sflag:s9] =	ssyncadd.s32 $0xFFFFD800  }
0x41: {  	_ =	sfence.sel $0x180000  }
0x42: {  	[bflag:$0x0] =	sbarrier.arrive $0xFFFF  }
0x43: {  	_ =	strace $0x9000005E  }
0x44: {  	s0 =	sadd.s32 @!p0 $0x100000, s0;
	[bflag:$0x2] =	sbarrier.arrive $0xFFFF  }
0x45: {  	[sflag:s0] =	ssyncadd.tile.s32 @!p0 $0x1;
	_ =	shalt  }
.Lfunc_end2:
_tile_overlayer_lowered:
.L_overlay_start_2:
0x46: {  	(tag) =	ssettag $0x2  }
0x47: {  	s0 =	rddreg [dreg:$0x0];
	s2 =	stileid.u32  }
0x48: {  	s1 =	rddreg [dreg:$0x1];
	p0 =	sne.s32 s2, $0x0  }
0x49: {  	s3 =	rddreg [dreg:$0x2];
	[bflag:$0x3] =	sbarrier.arrive $0xFFFF;
	s2 =	simm.s32 @!p0 $0x1C01  }
0x4a: {  	[timem:s3], [sflag:s2] =	dma.local @!p0 [hbm:s0], s1  }
0x4b: {  	s0 =	simm.s32 @!p0 $0x1  }
0x4c: {  	_ =	swait.ge @!p0 [sflag:s0], s1  }
0x4d: {  	s1 =	ssub.s32 @!p0 $0x0, s1;
	[sflag:s0] =	ssyncset.done @!p0 $0x0  }
0x4e: {  	[sflag:s0] =	ssyncadd.s32 @!p0 s1  }
0x4f: {  	[bflag:$0x3] =	sbarrier.arrive $0xFFFF  }
0x50: {  	_ =	shalt  }

// kernel: kernel.15.cloned.1.call-start
scs
__scs_entry_jumppad:
0x0: {  	(pc) =	sbr.rel $0x88, $3  }
0x1: {  	(tag) =	ssettag $0x0;
	lr =	simm.s32 $0x1  }
0x2: {  	[smem:$0x3F96] =	sst lr;
	_ =	strace $0xD0000000  }
0x3: {  	_ = 	snop  }
0x4: {  	_ = 	snop  }
0x5: {  	_ = 	snop  }
0x6: {  	_ = 	snop  }
0x7: {  	_ = 	snop  }
__scs_overlays_trampoline_lowered:
0x8: {  	[smem:$0x3FA5] =	sst s0  }
0x9: {  	[smem:$0x3FA6] =	sst s1  }
0xa: {  	[smem:$0x3FA7] =	sst s2  }
0xb: {  	[smem:$0x3FA8] =	sst s3  }
0xc: {  	[smem:$0x3FA9] =	sst s4  }
0xd: {  	[smem:$0x3FAA] =	sst s5  }
0xe: {  	[smem:$0x3FAB] =	sst s6  }
0xf: {  	[smem:$0x3FAC] =	sst s7  }
0x10: {  	[smem:$0x3FAD] =	sst s8  }
0x11: {  	[smem:$0x3FAE] =	sst s9;
	s0 =	simm.s32 @!p0 $0x0  }
0x12: {  	s1 =	sld [smem:$0x3F94];
	s0 =	simm.s32 @p0 $0x1  }
0x13: {  	[smem:$0x3FAF] =	sst s0;
	s0 =	simm.s32 @!p1 $0x0  }
0x14: {  	s2 =	sld [smem:$0x3F93];
	s0 =	simm.s32 @p1 $0x1  }
0x15: {  	[smem:$0x3FB0] =	sst s0;
	s0 =	simm.s32 @!p2 $0x0  }
0x16: {  	s3 =	sld [smem:$0x3FDB];
	s0 =	simm.s32 @p2 $0x1  }
0x17: {  	s4 =	simm.s32 $0x1BF5;
	[smem:$0x3FB2] =	sst s0  }
0x18: {  	s0 =	sld [smem:$0x3F95];
	_ =	swait.ge [sflag:s4], $0x0  }
0x19: {  	s7 =	sld [smem:$0x3F96]  }
0x1a: {  	s8 =	sadd.s32 $0xFFFFE003, lr  }
0x1b: {  	s9 =	sadd.s32 $0xFFFFFEF7, lr;
	s5 =	simm.s32 $0xFFFFFFFF;
	p2 =	slt.u32 s8, $0xFFFFF086  }
0x1c: {  	p1 =	slt.u32 s9, $0xF7A;
	s5 =	simm.s32 @!p2 $0x0  }
0x1d: {  	s5 =	simm.s32 @p1 $0x1;
	p0 =	seq.s32 s7, s2  }
0x1e: {  	s7 =	smul.u32 @!p0 $0xF7A, s2;
	p2 =	seq.s32 @!p0 s5, $0x0  }
0x1f: {  	s9 =	smul.u32 $0xF7A, s1;
	s8 =	simm.s32 @!p0 $0x1BF5;
	p2 =	por !p2, p0  }
0x20: {  	[sflag:s8] =	ssyncset.s32 @!p0 $0xFFFFF086;
	s6 =	sadd.s32 @!p0 s3, s7;
	s7 =	simm.s32 @!p0 $0x108  }
0x21: {  	s3 =	sadd.s32 s3, s9;
	s6 =	sadd.s32 @!p0 $0x88, s6;
	s7 =	simm.s32 @p2 $0x1082  }
0x22: {  	[simem:s7], [sflag:s8] =	dma.local @!p0 [hbm:s6], $0xF7A  }
0x23: {  	s9 =	sor.u32 $0xD0000000, s2;
	s6 =	simm.s32 $0x108;
	_ =	swait.ge @!p0 [sflag:s8], $0x0  }
0x24: {  	s3 =	sadd.s32 $0x88, s3;
	s6 =	simm.s32 @!p1 $0x1082;
	[sflag:s4] =	ssyncset.s32 $0xFFFFF086  }
0x25: {  	[simem:s6], [sflag:s4] =	dma.local [hbm:s3], $0xF7A  }
0x26: {  	[smem:$0x3F96] =	sst s1;
	(tag) =	ssettag s2;
	_ =	strace s9  }
0x27: {  	s1 =	sld [smem:$0x3FA6]  }
0x28: {  	s2 =	sld [smem:$0x3FA7]  }
0x29: {  	s4 =	sld [smem:$0x3FA9]  }
0x2a: {  	p0 =	seq.s32 s5, $0x0;
	s5 =	sld [smem:$0x3FAA]  }
0x2b: {  	s6 =	sld [smem:$0x3FAB]  }
0x2c: {  	s7 =	sld [smem:$0x3FAC]  }
0x2d: {  	s3 =	simm.s32 $0x108;
	s8 =	sld [smem:$0x3FAD]  }
0x2e: {  	s3 =	simm.s32 @!p0 $0x1082;
	s9 =	sld [smem:$0x3FAE]  }
0x2f: {  	lr =	sadd.s32 s0, s3;
	s0 =	sld [smem:$0x3FA5]  }
0x30: {  	s3 =	sld [smem:$0x3FA8]  }
0x31: {  	[smem:$0x3FB1] =	sst s10  }
0x32: {  	s10 =	sld [smem:$0x3FAF];
	_ =	sdelay $0x3  }
0x33: {  	p0 =	seq.s32 s10, $0x1;
	s10 =	sld [smem:$0x3FB1];
	_ =	sdelay $0x3  }
0x34: {  	[smem:$0x3FB1] =	sst s10  }
0x35: {  	s10 =	sld [smem:$0x3FB0];
	_ =	sdelay $0x3  }
0x36: {  	p1 =	seq.s32 s10, $0x1;
	s10 =	sld [smem:$0x3FB1];
	_ =	sdelay $0x3  }
0x37: {  	[smem:$0x3FB1] =	sst s10  }
0x38: {  	s10 =	sld [smem:$0x3FB2]  }
0x39: {  	_ = 	snop;
	(pc) =	sbr.ind lr, $3  }
0x3a: {  	_ = 	snop  }
0x3b: {  	_ = 	snop  }
0x3c: {  	p2 =	seq.s32 s10, $0x1;
	s10 =	sld [smem:$0x3FB1]  }
0x3d: {  	_ =	shalt  }
0x3e: {  	_ =	shalt  }
0x3f: {  	_ =	shalt  }
0x40: {  	_ =	shalt  }
0x41: {  	_ =	shalt  }
0x42: {  	_ =	shalt  }
0x43: {  	_ =	shalt  }
0x44: {  	_ =	shalt  }
0x45: {  	_ =	shalt  }
0x46: {  	_ =	shalt  }
0x47: {  	_ =	shalt  }
0x48: {  	_ =	shalt  }
0x49: {  	_ =	shalt  }
0x4a: {  	_ =	shalt  }
0x4b: {  	_ =	shalt  }
0x4c: {  	_ =	shalt  }
0x4d: {  	_ =	shalt  }
0x4e: {  	_ =	shalt  }
0x4f: {  	_ =	shalt  }
0x50: {  	_ =	shalt  }
0x51: {  	_ =	shalt  }
0x52: {  	_ =	shalt  }
0x53: {  	_ =	shalt  }
0x54: {  	_ =	shalt  }
0x55: {  	_ =	shalt  }
0x56: {  	_ =	shalt  }
0x57: {  	_ =	shalt  }
0x58: {  	_ =	shalt  }
0x59: {  	_ =	shalt  }
0x5a: {  	_ =	shalt  }
0x5b: {  	_ =	shalt  }
0x5c: {  	_ =	shalt  }
0x5d: {  	_ =	shalt  }
0x5e: {  	_ =	shalt  }
0x5f: {  	_ =	shalt  }
0x60: {  	_ =	shalt  }
0x61: {  	_ =	shalt  }
0x62: {  	_ =	shalt  }
0x63: {  	_ =	shalt  }
0x64: {  	_ =	shalt  }
0x65: {  	_ =	shalt  }
0x66: {  	_ =	shalt  }
0x67: {  	_ =	shalt  }
0x68: {  	_ =	shalt  }
0x69: {  	_ =	shalt  }
0x6a: {  	_ =	shalt  }
0x6b: {  	_ =	shalt  }
0x6c: {  	_ =	shalt  }
0x6d: {  	_ =	shalt  }
0x6e: {  	_ =	shalt  }
0x6f: {  	_ =	shalt  }
0x70: {  	_ =	shalt  }
0x71: {  	_ =	shalt  }
0x72: {  	_ =	shalt  }
0x73: {  	_ =	shalt  }
0x74: {  	_ =	shalt  }
0x75: {  	_ =	shalt  }
0x76: {  	_ =	shalt  }
0x77: {  	_ =	shalt  }
0x78: {  	_ =	shalt  }
0x79: {  	_ =	shalt  }
0x7a: {  	_ =	shalt  }
0x7b: {  	_ =	shalt  }
0x7c: {  	_ =	shalt  }
0x7d: {  	_ =	shalt  }
0x7e: {  	_ =	shalt  }
0x7f: {  	_ =	shalt  }
0x80: {  	_ =	shalt  }
0x81: {  	_ =	shalt  }
0x82: {  	_ =	shalt  }
0x83: {  	_ =	shalt  }
0x84: {  	_ =	shalt  }
0x85: {  	_ =	shalt  }
0x86: {  	_ =	shalt  }
0x87: {  	_ =	shalt  }
.Lfunc_end0:
.L_simem_size_0:
called_computation.2_lowered:
.L_overlay_start_0:
0x88: {  	s2 =	sld [smem:$0x3FD9]  }
0x89: {  	s3 =	sld [smem:$0x3FFE];
	_ =	sdelay $0x1  }
0x8a: {  	s1 =	srdreg.scid  }
0x8b: {  	s0 =	sand.u32 $0x1, s1  }
0x8c: {  	s16 =	sshll.u32 s0, $0xA;
	s2 =	sadd.s32 s3, s2  }
0x8d: {  	s2 =	sadd.s32 s2, s16  }
0x8e: {  	[smem:$0x3FBD] =	sst s2  }
0x8f: {  	_ = 	snop  }
0x90: {  	(tm) =	ssettm $0x1  }
0x91: {  	s17 =	sld [smem:$0x3FFB];
	_ =	sdelay $0x3  }
0x92: {  	_ =	strace s17  }
0x93: {  	s2 =	sld [smem:$0x3FFC];
	_ =	sdelay $0x3  }
0x94: {  	_ =	strace s2  }
0x95: {  	s2 =	sld [smem:$0x3FFD];
	_ =	sdelay $0x3  }
0x96: {  	_ =	strace s2  }
0x97: {  	_ =	strace $0x8FFFFFFF  }
0x98: {  	s18 =	sld [smem:$0x3FDB];
	_ =	sdelay $0x1  }
0x99: {  	s19 =	simm.s32 $_scs_section_size  }
0x9a: {  	s4 =	simm.s32 $_size__tile_overlayer_lowered;
	s5 =	simm.s32 $_tile_overlayer_lowered  }
0x9b: {  	s22 =	simm.s32 $0x1BFF;
	s21 =	sshll.u32 s5, $0x1;
	s2 =	sadd.s32 s19, s18  }
0x9c: {  	s6 =	simm.s32 $0x0;
	s20 =	sshll.u32 s4, $0x1;
	s4 =	sadd.s32 s21, s2  }
0x9d: {  	[timem:s6], [sflag:s22] =	dma.local [hbm:s4], s20  }
0x9e: {  	_ =	swait.ge [sflag:s22], s20  }
0x9f: {  	s3 =	ssub.s32 $0x0, s20;
	[sflag:s22] =	ssyncset.done $0x0  }
0xa0: {  	[sflag:s22] =	ssyncadd.s32 s3;
	_ =	sdelay $0x1  }
0xa1: {  	s23 =	simm.s32 $0x1B8B  }
0xa2: {  	_ =	swait.ge [sflag:s23], $0x1  }
0xa3: {  	[sflag:s23] =	ssyncset.done $0x0  }
0xa4: {  	s25 =	simm.s32 $0x1B8E;
	s24 =	sld [smem:$0x3FFE];
	[sflag:s23] =	ssyncadd.s32 $0xFFFFFFFF  }
0xa5: {  	s26 =	simm.s32 $execute0_lowered;
	[smem:$0x3FD2] =	sst s25  }
0xa6: {  	s4 =	sshll.u32 s26, $0x1;
	_ =	strace $0x80000046;
	[dreg:$0x1] =	wrdreg $0xFFFFFFFF  }
0xa7: {  	s28 =	simm.s32 $_size_execute0_lowered;
	s2 =	sadd.s32 s2, s4;
	[dreg:$0x0] =	wrdreg $0x0  }
0xa8: {  	s4 =	sshll.u32 s28, $0x1;
	[dreg:$0x2] =	wrdreg s2  }
0xa9: {  	[dreg:$0x3] =	wrdreg s4  }
0xaa: {  	[dreg:$0x4] =	wrdreg $0xC0  }
0xab: {  	_ =	task [dreg:s6], $0x5FFFF  }
0xac: {  	[dreg:$0x1] =	wrdreg $0xFFFFFFFF  }
0xad: {  	[dreg:$0x0] =	wrdreg $0x60  }
0xae: {  	[dreg:$0x2] =	wrdreg s24  }
0xaf: {  	[dreg:$0x3] =	wrdreg $0xA  }
0xb0: {  	_ =	task.clear_ibuf [dreg:s6], $0x4FFFF;
	_ =	strace $0x90000046  }
0xb1: {  	s29 =	simm.s32 $0xA;
	_ =	strace $0x8000004F  }
0xb2: {  	_ =	swait.ge [sflag:s29], $0x1  }
0xb3: {  	[sflag:s29] =	ssyncadd.s32 $0xFFFFFFFF  }
0xb4: {  	_ =	strace $0x9000004F  }
0xb5: {  	_ =	sfence  }
0xb6: {  	s30 =	sld [smem:$0x0];
	_ =	sdelay $0x2  }
0xb7: {  	s31 =	sshll.u32 s1, $0xD;
	s1 =	sshrl.u32 s1, $0x2  }
0xb8: {  	s3 =	sand.u32 $0x4000, s31;
	s1 =	sadd.s32 s1, s30  }
0xb9: {  	s0 =	sor.u32 s3, s0;
	s1 =	sshll.u32 s1, $0x11  }
0xba: {  	s0 =	sor.u32 s1, s0  }
0xbb: {  	s0 =	sadd.s32 $0x8F2B, s0  }
0xbc: {  	[sflag:s0] =	ssyncadd.remote.s32 $0x1  }
0xbd: {  	_ =	sfence.sel $0xFFFF  }
0xbe: {  	[dreg:$0x0] =	wrdreg $0xFFFFFFFF;
	(pc) =	sbr.abs _section_cstart, $3  }
0xbf: {  	[dreg:$0x1] =	wrdreg $0xFFFFFFFF  }
0xc0: {  	_ =	task.clear_ibuf [dreg:s6], $0x2FFFF;
	_ =	strace $0x9FFFFFFF  }
0xc1: {  	(tm) =	ssettm $0x7FFFFFFF  }
tec
execute0_lowered:
.L_overlay_start_1:
0x0: {  	(tag) =	ssettag $0x1  }
0x1: {  	s0 =	srdreg.scid  }
0x2: {  	s5 =	rddreg [dreg:$0x0];
	s1 =	stileid.u32;
	s6 =	sand.u32 $0x1, s0  }
0x3: {  	s2 =	simm.s32 $0x0;
	s10 =	simm.s32 $0x5;
	s3 =	sshll.u32 s6, $0x4  }
0x4: {  	s11 =	simm.s32 $0x0;
	s0 =	rddreg [dreg:$0x1];
	s4 =	sor.u32 s1, s3  }
0x5: {  	[smem:$0x7FF] =	sst s2;
	s9 =	sadd.s32 $0x64000, s5;
	s7 =	smul.u32 $0x4E, s4  }
0x6: {  	_ =	strace $0x80000047;
	[dreg:$0x2] =	wrdreg s9;
	s8 =	smul.u32 $0x4F, s4  }
0x7: {  	s30 =	ssub.s32 $0x2, s6;
	p0 =	slt.u32 s4, $0x4;
	s4 =	sadd.s32 $0x4, s7  }
0x8: {  	s6 =	simm.s32 $0x4F;
	s3 =	sadd.s32 $0x15E00, s5;
	s4 =	smov.u32 @p0 s8  }
0x9: {  	v2 =	vlaneseq.u32;
	s5 =	sadd.s32 $0xC000, s5;
	s31 =	sshrl.u32 s30, $0x1;
	s8 =	sshll.u32 s4, $0x4  }
0xa: {  	vm0 =	vmmov $0xffff;
	v1 =	vshrl.u32 v2, $0x3;
	s9 =	ssub.s32 s30, s31;
	s6 =	simm.s32 @!p0 $0x4E;
	s8 =	sand.u32 $0x1FFFFFF0, s8  }
0xb: {  	v0 =	vand.u32 $0x7, v2;
	v2 =	vor.u32 $0x8, v2;
	v1 =	vmul.u32 $0x8, v1;
	s9 =	smax.u32 s9, $0x1;
	s7 =	sadd.s32 s5, s8;
	s8 =	sadd.s32 $0xFFFFFFFF, s6  }
.LBB2_1:
0xc: {  	_ =	strace $0x80000048;
	s13 =	simm.s32 $0x0  }
0xd: {  	s12 =	simm.s32 $0x0;
	s14 =	simm.s32 $0x0;
	s15 =	simm.s32 $0x0  }
0xe: {  	[tilespmem:s2], [sflag:$0x1] =	stream.linear.gather [hbm4b:s7+s2], $0x80, $0x200038;
	[tilespmem:$0x10100] =	vst v63  }
0xf: {  	s16 =	simm.s32 $0x1;
	s17 =	simm.s32 $0x0;
	_ =	strace $0x90000048  }
.LBB2_2:
0x10: {  	s18 =	smov.u32 s13;
	s13 =	sadd.s32 $0x1, s13  }
0x11: {  	p0 =	seq.s32 s13, s6  }
0x12: {  	s13 =	simm.s32 @p0 $0x0  }
0x13: {  	p6 =	slt.u32 s17, s8;
	p1 =	sne.s32 s18, s13  }
0x14: {  	p0 =	por !p6, !p1  }
0x15: {  	p0 =	por !p0, !p0  }
0x16: {  	s19 =	sadd.s32 @p0 s4, s13  }
0x17: {  	s20 =	sand.u32 @p0 $0x1, s16;
	s19 =	sshll.u32 @p0 s19, $0x4  }
0x18: {  	_ =	strace @p0 $0x80000049;
	s22 =	simm.s32 @p0 $0x0;
	s19 =	sand.u32 @p0 $0x1FFFFFF0, s19  }
0x19: {  	s21 =	sshll.u32 @p0 s20, $0x7;
	s20 =	sadd.s32 @p0 $0x1, s20;
	s19 =	sadd.s32 @p0 s5, s19  }
0x1a: {  	[tilespmem:s21], [sflag:s20] =	stream.linear.gather @p0 [hbm4b:s19+s22], $0x80, $0x200038;
	[tilespmem:$0x10100] =	vst v63  }
0x1b: {  	s23 =	sand.u32 $0x1, s15;
	_ =	strace @p0 $0x90000049  }
0x1c: {  	s19 =	sadd.s32 $0x1, s23;
	_ =	strace $0x8000004A  }
0x1d: {  	_ =	swait.ge [sflag:s19], $0x80  }
0x1e: {  	[sflag:s19] =	ssyncset.done $0x0  }
0x1f: {  	[sflag:s19] =	ssyncadd.s32 $0xFFFFFF80  }
0x20: {  	s24 =	sshll.u32 s15, $0x7;
	_ =	strace $0x9000004A  }
0x21: {  	s22 =	sand.u32 $0x80, s24;
	_ =	strace $0x8000004B  }
0x22: {  	v3 =	vld [tilespmem:s22+$0x0];
	_ =	sdelay $0x4  }
0x23: {  	v4 =	vshll.u32 v3, $0x1  }
0x24: {  	v3 =	vand.u32 $0x7, v3;
	v4 =	vand.u32 $0xFFFFFFF0, v4  }
0x25: {  	v3 =	vor.u32 v3, v4  }
0x26: {  	v4 =	vperm.xlane v3, v0;
	_ =	sdelay $0x1  }
0x27: {  	v3 =	vperm.xlane v3, v2;
	v4 =	vadd.s32 v1, v4;
	_ =	sdelay $0x1  }
0x28: {  	s19 =	sand.u32 $0x1, s14;
	v3 =	vadd.s32 v1, v3  }
0x29: {  	s21 =	sshll.u32 s19, $0xF  }
0x2a: {  	s20 =	sor.u32 $0x100, s21  }
0x2b: {  	[tilespmem:s20], [sflag:$0x5] =	stream.indirect_vreg.gather [hbm4b:s3+s2], $0x80, v4, vm0, $0x2000b8;
	[tilespmem:$0x10100] =	vst v63  }
0x2c: {  	s23 =	sor.u32 $0x900, s21  }
0x2d: {  	[tilespmem:s23], [sflag:$0x5] =	stream.indirect_vreg.gather [hbm4b:s3+s2], $0x80, v3, vm0, $0x2000b8;
	[tilespmem:$0x10100] =	vst v63  }
0x2e: {  	v3 =	vld [tilespmem:s22+$0x10];
	_ =	sdelay $0x4  }
0x2f: {  	v57 =	vshll.u32 v3, $0x1  }
0x30: {  	v3 =	vand.u32 $0x7, v3;
	v4 =	vand.u32 $0xFFFFFFF0, v57  }
0x31: {  	v3 =	vor.u32 v3, v4  }
0x32: {  	v4 =	vperm.xlane v3, v0;
	_ =	sdelay $0x1  }
0x33: {  	v3 =	vperm.xlane v3, v2;
	v4 =	vadd.s32 v1, v4;
	_ =	sdelay $0x1  }
0x34: {  	v3 =	vadd.s32 v1, v3;
	_ =	sdelay $0x1  }
0x35: {  	s25 =	sor.u32 $0x1100, s21  }
0x36: {  	[tilespmem:s25], [sflag:$0x5] =	stream.indirect_vreg.gather [hbm4b:s3+s2], $0x80, v4, vm0, $0x2000b8;
	[tilespmem:$0x10100] =	vst v63  }
0x37: {  	s26 =	sor.u32 $0x1900, s21  }
0x38: {  	[tilespmem:s26], [sflag:$0x5] =	stream.indirect_vreg.gather [hbm4b:s3+s2], $0x80, v3, vm0, $0x2000b8;
	[tilespmem:$0x10100] =	vst v63  }
0x39: {  	v3 =	vld [tilespmem:s22+$0x20];
	_ =	sdelay $0x4  }
0x3a: {  	v58 =	vshll.u32 v3, $0x1  }
0x3b: {  	v3 =	vand.u32 $0x7, v3;
	v4 =	vand.u32 $0xFFFFFFF0, v58  }
0x3c: {  	v3 =	vor.u32 v3, v4  }
0x3d: {  	v4 =	vperm.xlane v3, v0;
	_ =	sdelay $0x1  }
0x3e: {  	v3 =	vperm.xlane v3, v2;
	v4 =	vadd.s32 v1, v4;
	_ =	sdelay $0x1  }
0x3f: {  	v3 =	vadd.s32 v1, v3;
	_ =	sdelay $0x1  }
0x40: {  	s28 =	sor.u32 $0x2100, s21  }
0x41: {  	[tilespmem:s28], [sflag:$0x5] =	stream.indirect_vreg.gather [hbm4b:s3+s2], $0x80, v4, vm0, $0x2000b8;
	[tilespmem:$0x10100] =	vst v63  }
0x42: {  	s29 =	sor.u32 $0x2900, s21  }
0x43: {  	[tilespmem:s29], [sflag:$0x5] =	stream.indirect_vreg.gather [hbm4b:s3+s2], $0x80, v3, vm0, $0x2000b8;
	[tilespmem:$0x10100] =	vst v63  }
0x44: {  	v3 =	vld [tilespmem:s22+$0x30];
	_ =	sdelay $0x4  }
0x45: {  	v59 =	vshll.u32 v3, $0x1  }
0x46: {  	v3 =	vand.u32 $0x7, v3;
	v4 =	vand.u32 $0xFFFFFFF0, v59  }
0x47: {  	v3 =	vor.u32 v3, v4  }
0x48: {  	v4 =	vperm.xlane v3, v0;
	_ =	sdelay $0x1  }
0x49: {  	v3 =	vperm.xlane v3, v2;
	v4 =	vadd.s32 v1, v4;
	_ =	sdelay $0x1  }
0x4a: {  	v3 =	vadd.s32 v1, v3;
	_ =	sdelay $0x1  }
0x4b: {  	s30 =	sor.u32 $0x3100, s21  }
0x4c: {  	[tilespmem:s30], [sflag:$0x5] =	stream.indirect_vreg.gather [hbm4b:s3+s2], $0x80, v4, vm0, $0x2000b8;
	[tilespmem:$0x10100] =	vst v63  }
0x4d: {  	s31 =	sor.u32 $0x3900, s21  }
0x4e: {  	[tilespmem:s31], [sflag:$0x5] =	stream.indirect_vreg.gather [hbm4b:s3+s2], $0x80, v3, vm0, $0x2000b8;
	[tilespmem:$0x10100] =	vst v63  }
0x4f: {  	v3 =	vld [tilespmem:s22+$0x40];
	_ =	sdelay $0x4  }
0x50: {  	v60 =	vshll.u32 v3, $0x1  }
0x51: {  	v3 =	vand.u32 $0x7, v3;
	v4 =	vand.u32 $0xFFFFFFF0, v60  }
0x52: {  	v3 =	vor.u32 v3, v4  }
0x53: {  	v4 =	vperm.xlane v3, v0;
	_ =	sdelay $0x1  }
0x54: {  	v3 =	vperm.xlane v3, v2;
	v4 =	vadd.s32 v1, v4;
	_ =	sdelay $0x1  }
0x55: {  	v3 =	vadd.s32 v1, v3;
	_ =	sdelay $0x1  }
0x56: {  	s24 =	sor.u32 $0x4100, s21  }
0x57: {  	[tilespmem:s24], [sflag:$0x5] =	stream.indirect_vreg.gather [hbm4b:s3+s2], $0x80, v4, vm0, $0x2000b8;
	[tilespmem:$0x10100] =	vst v63  }
0x58: {  	s25 =	sor.u32 $0x4900, s21  }
0x59: {  	[tilespmem:s25], [sflag:$0x5] =	stream.indirect_vreg.gather [hbm4b:s3+s2], $0x80, v3, vm0, $0x2000b8;
	[tilespmem:$0x10100] =	vst v63  }
0x5a: {  	v3 =	vld [tilespmem:s22+$0x50];
	_ =	sdelay $0x4  }
0x5b: {  	v61 =	vshll.u32 v3, $0x1  }
0x5c: {  	v3 =	vand.u32 $0x7, v3;
	v4 =	vand.u32 $0xFFFFFFF0, v61  }
0x5d: {  	v3 =	vor.u32 v3, v4  }
0x5e: {  	v4 =	vperm.xlane v3, v0;
	_ =	sdelay $0x1  }
0x5f: {  	v3 =	vperm.xlane v3, v2;
	v4 =	vadd.s32 v1, v4;
	_ =	sdelay $0x1  }
0x60: {  	v3 =	vadd.s32 v1, v3;
	_ =	sdelay $0x1  }
0x61: {  	s26 =	sor.u32 $0x5100, s21  }
0x62: {  	[tilespmem:s26], [sflag:$0x5] =	stream.indirect_vreg.gather [hbm4b:s3+s2], $0x80, v4, vm0, $0x2000b8;
	[tilespmem:$0x10100] =	vst v63  }
0x63: {  	s28 =	sor.u32 $0x5900, s21  }
0x64: {  	[tilespmem:s28], [sflag:$0x5] =	stream.indirect_vreg.gather [hbm4b:s3+s2], $0x80, v3, vm0, $0x2000b8;
	[tilespmem:$0x10100] =	vst v63  }
0x65: {  	v3 =	vld [tilespmem:s22+$0x60];
	_ =	sdelay $0x4  }
0x66: {  	v62 =	vshll.u32 v3, $0x1  }
0x67: {  	v3 =	vand.u32 $0x7, v3;
	v4 =	vand.u32 $0xFFFFFFF0, v62  }
0x68: {  	v3 =	vor.u32 v3, v4  }
0x69: {  	v4 =	vperm.xlane v3, v0;
	_ =	sdelay $0x1  }
0x6a: {  	v3 =	vperm.xlane v3, v2;
	v4 =	vadd.s32 v1, v4;
	_ =	sdelay $0x1  }
0x6b: {  	v3 =	vadd.s32 v1, v3;
	_ =	sdelay $0x1  }
0x6c: {  	s29 =	sor.u32 $0x6100, s21  }
0x6d: {  	[tilespmem:s29], [sflag:$0x5] =	stream.indirect_vreg.gather [hbm4b:s3+s2], $0x80, v4, vm0, $0x2000b8;
	[tilespmem:$0x10100] =	vst v63  }
0x6e: {  	s30 =	sor.u32 $0x6900, s21  }
0x6f: {  	[tilespmem:s30], [sflag:$0x5] =	stream.indirect_vreg.gather [hbm4b:s3+s2], $0x80, v3, vm0, $0x2000b8;
	[tilespmem:$0x10100] =	vst v63  }
0x70: {  	v3 =	vld [tilespmem:s22+$0x70];
	_ =	sdelay $0x4  }
0x71: {  	v63 =	vshll.u32 v3, $0x1  }
0x72: {  	v3 =	vand.u32 $0x7, v3;
	v4 =	vand.u32 $0xFFFFFFF0, v63  }
0x73: {  	v3 =	vor.u32 v3, v4  }
0x74: {  	v4 =	vperm.xlane v3, v0;
	_ =	sdelay $0x1  }
0x75: {  	v3 =	vperm.xlane v3, v2;
	v4 =	vadd.s32 v1, v4;
	_ =	sdelay $0x1  }
0x76: {  	v3 =	vadd.s32 v1, v3;
	_ =	sdelay $0x1  }
0x77: {  	s31 =	sor.u32 $0x7100, s21  }
0x78: {  	[tilespmem:s31], [sflag:$0x5] =	stream.indirect_vreg.gather [hbm4b:s3+s2], $0x80, v4, vm0, $0x2000b8;
	[tilespmem:$0x10100] =	vst v63  }
0x79: {  	s21 =	sor.u32 $0x7900, s21  }
0x7a: {  	[tilespmem:s21], [sflag:$0x5] =	stream.indirect_vreg.gather [hbm4b:s3+s2], $0x80, v3, vm0, $0x2000b8;
	[tilespmem:$0x10100] =	vst v63  }
0x7b: {  	_ =	swait.ge [sflag:s10], $0x8000  }
0x7c: {  	p2 =	seq.s32 s8, s17;
	[sflag:s10] =	ssyncset.done $0x0  }
0x7d: {  	s18 =	sadd.s32 s4, s18;
	p1 =	por p2, p1;
	[sflag:s10] =	ssyncadd.s32 $0xFFFF8000  }
0x7e: {  	s18 =	sshll.u32 @p1 s18, $0xC;
	_ =	strace $0x9000004B  }
0x7f: {  	s18 =	sand.u32 @p1 $0x1FFFF000, s18;
	s22 =	simm.s32 $0x1;
	_ =	strace @p1 $0x8000004C  }
0x80: {  	s19 =	sadd.s32 @p1 $0x3, s19;
	s22 =	simm.s32 @!p0 $0x0;
	s21 =	rddreg [dreg:$0x2]  }
0x81: {  	p0 =	seq.s32 s17, $0x0;
	s18 =	sadd.s32 @p1 s21, s18;
	s21 =	simm.s32 @p1 $0x0  }
0x82: {  	[hbm4b:s18+s21] =	stream.linear.scatter @p1 [tilespmem:s20], [sflag:s19], $0x8000, $0x200038;
	[tilespmem:$0x10100] =	vst v63  }
0x83: {  	s18 =	simm.s32 $0x1;
	s20 =	simm.s32 $0x1;
	_ =	strace @p1 $0x9000004C  }
0x84: {  	s18 =	simm.s32 @!p1 $0x0;
	p1 =	sne.s32 s17, $0x0;
	s17 =	sadd.s32 $0x1, s17  }
0x85: {  	s19 =	sand.u32 @!p0 $0x1, s12;
	s20 =	simm.s32 @!p1 $0x0;
	p1 =	sne.s32 s6, s17  }
.Ltmp0:
0x86: {  	s19 =	sadd.s32 @!p0 $0x3, s19;
	_ =	strace @!p0 $0x8000004D;
	(pc) =	sbr.rel @p1 .LBB2_2-.Ltmp0, $4  }
0x87: {  	_ =	swait.ge @!p0 [sflag:s19], $0x8000  }
0x88: {  	[sflag:s19] =	ssyncset.done @!p0 $0x0  }
0x89: {  	s16 =	sadd.s32 s22, s16;
	s14 =	sadd.s32 s18, s14;
	[sflag:s19] =	ssyncadd.s32 @!p0 $0xFFFF8000  }
0x8a: {  	s15 =	sadd.s32 s18, s15;
	s12 =	sadd.s32 s20, s12;
	_ =	strace @!p0 $0x9000004D  }
0x8b: {  	s11 =	sadd.s32 $0x1, s11  }
0x8c: {  	s12 =	sand.u32 $0x1, s12;
	p0 =	sne.s32 s11, s9  }
.Ltmp1:
0x8d: {  	_ =	strace $0x8000004E;
	s12 =	sadd.s32 $0x3, s12;
	(pc) =	sbr.rel @p0 .LBB2_1-.Ltmp1, $4  }
0x8e: {  	_ =	swait.ge [sflag:s12], $0x8000  }
0x8f: {  	[sflag:s12] =	ssyncset.done $0x0  }
0x90: {  	[sflag:s12] =	ssyncadd.s32 $0xFFFF8000  }
0x91: {  	_ =	strace $0x9000004E  }
0x92: {  	_ =	sfence.sel $0x180000  }
0x93: {  	[bflag:$0x0] =	sbarrier.arrive $0xFFFF  }
0x94: {  	p0 =	sne.s32 s1, $0x0;
	_ =	strace $0x90000047  }
0x95: {  	s0 =	sadd.s32 @!p0 $0x100000, s0;
	[bflag:$0x2] =	sbarrier.arrive $0xFFFF  }
0x96: {  	[sflag:s0] =	ssyncadd.tile.s32 @!p0 $0x1;
	_ =	shalt  }
.Lfunc_end2:
_tile_overlayer_lowered:
.L_overlay_start_2:
0x97: {  	(tag) =	ssettag $0x2  }
0x98: {  	s0 =	rddreg [dreg:$0x0];
	s2 =	stileid.u32  }
0x99: {  	s1 =	rddreg [dreg:$0x1];
	p0 =	sne.s32 s2, $0x0  }
0x9a: {  	s3 =	rddreg [dreg:$0x2];
	[bflag:$0x3] =	sbarrier.arrive $0xFFFF;
	s2 =	simm.s32 @!p0 $0x1C01  }
0x9b: {  	[timem:s3], [sflag:s2] =	dma.local @!p0 [hbm:s0], s1  }
0x9c: {  	s0 =	simm.s32 @!p0 $0x1  }
0x9d: {  	_ =	swait.ge @!p0 [sflag:s0], s1  }
0x9e: {  	s1 =	ssub.s32 @!p0 $0x0, s1;
	[sflag:s0] =	ssyncset.done @!p0 $0x0  }
0x9f: {  	[sflag:s0] =	ssyncadd.s32 @!p0 s1  }
0xa0: {  	[bflag:$0x3] =	sbarrier.arrive $0xFFFF  }
0xa1: {  	_ =	shalt  }

// kernel: kernel.18.cloned.1.call-start
scs
__scs_entry_jumppad:
0x0: {  	(pc) =	sbr.rel $0x88, $3  }
0x1: {  	(tag) =	ssettag $0x0;
	lr =	simm.s32 $0x1  }
0x2: {  	[smem:$0x3F96] =	sst lr;
	_ =	strace $0xD0000000  }
0x3: {  	_ = 	snop  }
0x4: {  	_ = 	snop  }
0x5: {  	_ = 	snop  }
0x6: {  	_ = 	snop  }
0x7: {  	_ = 	snop  }
__scs_overlays_trampoline_lowered:
0x8: {  	[smem:$0x3FA5] =	sst s0  }
0x9: {  	[smem:$0x3FA6] =	sst s1  }
0xa: {  	[smem:$0x3FA7] =	sst s2  }
0xb: {  	[smem:$0x3FA8] =	sst s3  }
0xc: {  	[smem:$0x3FA9] =	sst s4  }
0xd: {  	[smem:$0x3FAA] =	sst s5  }
0xe: {  	[smem:$0x3FAB] =	sst s6  }
0xf: {  	[smem:$0x3FAC] =	sst s7  }
0x10: {  	[smem:$0x3FAD] =	sst s8  }
0x11: {  	[smem:$0x3FAE] =	sst s9;
	s0 =	simm.s32 @!p0 $0x0  }
0x12: {  	s1 =	sld [smem:$0x3F94];
	s0 =	simm.s32 @p0 $0x1  }
0x13: {  	[smem:$0x3FAF] =	sst s0;
	s0 =	simm.s32 @!p1 $0x0  }
0x14: {  	s2 =	sld [smem:$0x3F93];
	s0 =	simm.s32 @p1 $0x1  }
0x15: {  	[smem:$0x3FB0] =	sst s0;
	s0 =	simm.s32 @!p2 $0x0  }
0x16: {  	s3 =	sld [smem:$0x3FDB];
	s0 =	simm.s32 @p2 $0x1  }
0x17: {  	s4 =	simm.s32 $0x1BF5;
	[smem:$0x3FB2] =	sst s0  }
0x18: {  	s0 =	sld [smem:$0x3F95];
	_ =	swait.ge [sflag:s4], $0x0  }
0x19: {  	s7 =	sld [smem:$0x3F96]  }
0x1a: {  	s8 =	sadd.s32 $0xFFFFE003, lr  }
0x1b: {  	s9 =	sadd.s32 $0xFFFFFEF7, lr;
	s5 =	simm.s32 $0xFFFFFFFF;
	p2 =	slt.u32 s8, $0xFFFFF086  }
0x1c: {  	p1 =	slt.u32 s9, $0xF7A;
	s5 =	simm.s32 @!p2 $0x0  }
0x1d: {  	s5 =	simm.s32 @p1 $0x1;
	p0 =	seq.s32 s7, s2  }
0x1e: {  	s7 =	smul.u32 @!p0 $0xF7A, s2;
	p2 =	seq.s32 @!p0 s5, $0x0  }
0x1f: {  	s9 =	smul.u32 $0xF7A, s1;
	s8 =	simm.s32 @!p0 $0x1BF5;
	p2 =	por !p2, p0  }
0x20: {  	[sflag:s8] =	ssyncset.s32 @!p0 $0xFFFFF086;
	s6 =	sadd.s32 @!p0 s3, s7;
	s7 =	simm.s32 @!p0 $0x108  }
0x21: {  	s3 =	sadd.s32 s3, s9;
	s6 =	sadd.s32 @!p0 $0x88, s6;
	s7 =	simm.s32 @p2 $0x1082  }
0x22: {  	[simem:s7], [sflag:s8] =	dma.local @!p0 [hbm:s6], $0xF7A  }
0x23: {  	s9 =	sor.u32 $0xD0000000, s2;
	s6 =	simm.s32 $0x108;
	_ =	swait.ge @!p0 [sflag:s8], $0x0  }
0x24: {  	s3 =	sadd.s32 $0x88, s3;
	s6 =	simm.s32 @!p1 $0x1082;
	[sflag:s4] =	ssyncset.s32 $0xFFFFF086  }
0x25: {  	[simem:s6], [sflag:s4] =	dma.local [hbm:s3], $0xF7A  }
0x26: {  	[smem:$0x3F96] =	sst s1;
	(tag) =	ssettag s2;
	_ =	strace s9  }
0x27: {  	s1 =	sld [smem:$0x3FA6]  }
0x28: {  	s2 =	sld [smem:$0x3FA7]  }
0x29: {  	s4 =	sld [smem:$0x3FA9]  }
0x2a: {  	p0 =	seq.s32 s5, $0x0;
	s5 =	sld [smem:$0x3FAA]  }
0x2b: {  	s6 =	sld [smem:$0x3FAB]  }
0x2c: {  	s7 =	sld [smem:$0x3FAC]  }
0x2d: {  	s3 =	simm.s32 $0x108;
	s8 =	sld [smem:$0x3FAD]  }
0x2e: {  	s3 =	simm.s32 @!p0 $0x1082;
	s9 =	sld [smem:$0x3FAE]  }
0x2f: {  	lr =	sadd.s32 s0, s3;
	s0 =	sld [smem:$0x3FA5]  }
0x30: {  	s3 =	sld [smem:$0x3FA8]  }
0x31: {  	[smem:$0x3FB1] =	sst s10  }
0x32: {  	s10 =	sld [smem:$0x3FAF];
	_ =	sdelay $0x3  }
0x33: {  	p0 =	seq.s32 s10, $0x1;
	s10 =	sld [smem:$0x3FB1];
	_ =	sdelay $0x3  }
0x34: {  	[smem:$0x3FB1] =	sst s10  }
0x35: {  	s10 =	sld [smem:$0x3FB0];
	_ =	sdelay $0x3  }
0x36: {  	p1 =	seq.s32 s10, $0x1;
	s10 =	sld [smem:$0x3FB1];
	_ =	sdelay $0x3  }
0x37: {  	[smem:$0x3FB1] =	sst s10  }
0x38: {  	s10 =	sld [smem:$0x3FB2]  }
0x39: {  	_ = 	snop;
	(pc) =	sbr.ind lr, $3  }
0x3a: {  	_ = 	snop  }
0x3b: {  	_ = 	snop  }
0x3c: {  	p2 =	seq.s32 s10, $0x1;
	s10 =	sld [smem:$0x3FB1]  }
0x3d: {  	_ =	shalt  }
0x3e: {  	_ =	shalt  }
0x3f: {  	_ =	shalt  }
0x40: {  	_ =	shalt  }
0x41: {  	_ =	shalt  }
0x42: {  	_ =	shalt  }
0x43: {  	_ =	shalt  }
0x44: {  	_ =	shalt  }
0x45: {  	_ =	shalt  }
0x46: {  	_ =	shalt  }
0x47: {  	_ =	shalt  }
0x48: {  	_ =	shalt  }
0x49: {  	_ =	shalt  }
0x4a: {  	_ =	shalt  }
0x4b: {  	_ =	shalt  }
0x4c: {  	_ =	shalt  }
0x4d: {  	_ =	shalt  }
0x4e: {  	_ =	shalt  }
0x4f: {  	_ =	shalt  }
0x50: {  	_ =	shalt  }
0x51: {  	_ =	shalt  }
0x52: {  	_ =	shalt  }
0x53: {  	_ =	shalt  }
0x54: {  	_ =	shalt  }
0x55: {  	_ =	shalt  }
0x56: {  	_ =	shalt  }
0x57: {  	_ =	shalt  }
0x58: {  	_ =	shalt  }
0x59: {  	_ =	shalt  }
0x5a: {  	_ =	shalt  }
0x5b: {  	_ =	shalt  }
0x5c: {  	_ =	shalt  }
0x5d: {  	_ =	shalt  }
0x5e: {  	_ =	shalt  }
0x5f: {  	_ =	shalt  }
0x60: {  	_ =	shalt  }
0x61: {  	_ =	shalt  }
0x62: {  	_ =	shalt  }
0x63: {  	_ =	shalt  }
0x64: {  	_ =	shalt  }
0x65: {  	_ =	shalt  }
0x66: {  	_ =	shalt  }
0x67: {  	_ =	shalt  }
0x68: {  	_ =	shalt  }
0x69: {  	_ =	shalt  }
0x6a: {  	_ =	shalt  }
0x6b: {  	_ =	shalt  }
0x6c: {  	_ =	shalt  }
0x6d: {  	_ =	shalt  }
0x6e: {  	_ =	shalt  }
0x6f: {  	_ =	shalt  }
0x70: {  	_ =	shalt  }
0x71: {  	_ =	shalt  }
0x72: {  	_ =	shalt  }
0x73: {  	_ =	shalt  }
0x74: {  	_ =	shalt  }
0x75: {  	_ =	shalt  }
0x76: {  	_ =	shalt  }
0x77: {  	_ =	shalt  }
0x78: {  	_ =	shalt  }
0x79: {  	_ =	shalt  }
0x7a: {  	_ =	shalt  }
0x7b: {  	_ =	shalt  }
0x7c: {  	_ =	shalt  }
0x7d: {  	_ =	shalt  }
0x7e: {  	_ =	shalt  }
0x7f: {  	_ =	shalt  }
0x80: {  	_ =	shalt  }
0x81: {  	_ =	shalt  }
0x82: {  	_ =	shalt  }
0x83: {  	_ =	shalt  }
0x84: {  	_ =	shalt  }
0x85: {  	_ =	shalt  }
0x86: {  	_ =	shalt  }
0x87: {  	_ =	shalt  }
.Lfunc_end0:
.L_simem_size_0:
called_computation.3_lowered:
.L_overlay_start_0:
0x88: {  	s2 =	sld [smem:$0x3FD9]  }
0x89: {  	s3 =	sld [smem:$0x3FFE];
	_ =	sdelay $0x1  }
0x8a: {  	s1 =	srdreg.scid  }
0x8b: {  	s0 =	sand.u32 $0x1, s1  }
0x8c: {  	s17 =	sshll.u32 s0, $0xA;
	s2 =	sadd.s32 s3, s2  }
0x8d: {  	s2 =	sadd.s32 s2, s17  }
0x8e: {  	[smem:$0x3FBD] =	sst s2  }
0x8f: {  	_ = 	snop  }
0x90: {  	(tm) =	ssettm $0x1  }
0x91: {  	s18 =	sld [smem:$0x3FFB];
	_ =	sdelay $0x3  }
0x92: {  	_ =	strace s18  }
0x93: {  	s2 =	sld [smem:$0x3FFC];
	_ =	sdelay $0x3  }
0x94: {  	_ =	strace s2  }
0x95: {  	s2 =	sld [smem:$0x3FFD];
	_ =	sdelay $0x3  }
0x96: {  	_ =	strace s2  }
0x97: {  	_ =	strace $0x8FFFFFFF  }
0x98: {  	s19 =	sld [smem:$0x3FDB];
	_ =	sdelay $0x1  }
0x99: {  	s20 =	simm.s32 $_scs_section_size  }
0x9a: {  	s4 =	simm.s32 $_size__tile_overlayer_lowered;
	s5 =	simm.s32 $_tile_overlayer_lowered  }
0x9b: {  	s6 =	simm.s32 $0x1BFF;
	s21 =	sshll.u32 s5, $0x1;
	s3 =	sadd.s32 s20, s19  }
0x9c: {  	s22 =	simm.s32 $0x0;
	s4 =	sshll.u32 s4, $0x1;
	s5 =	sadd.s32 s21, s3  }
0x9d: {  	[timem:s22], [sflag:s6] =	dma.local [hbm:s5], s4  }
0x9e: {  	_ =	swait.ge [sflag:s6], s4  }
0x9f: {  	s4 =	ssub.s32 $0x0, s4;
	[sflag:s6] =	ssyncset.done $0x0  }
0xa0: {  	[sflag:s6] =	ssyncadd.s32 s4;
	_ =	sdelay $0x1  }
0xa1: {  	s23 =	simm.s32 $0x1B8B  }
0xa2: {  	_ =	swait.ge [sflag:s23], $0x1  }
0xa3: {  	[sflag:s23] =	ssyncset.done $0x0  }
0xa4: {  	[sflag:s23] =	ssyncadd.s32 $0xFFFFFFFF  }
0xa5: {  	s4 =	sld [smem:$0x0]  }
0xa6: {  	s5 =	sand.u32 $0xFFFFFFFE, s1  }
0xa7: {  	p0 =	sne.s32 s1, s5  }
0xa8: {  	s5 =	sshll.u32 @p0 s5, $0xE  }
0xa9: {  	s5 =	sadd.s32 @p0 $0x11B8D, s5;
	s6 =	sshll.u32 @p0 s4, $0x11  }
0xaa: {  	s5 =	sor.u32 @p0 s6, s5  }
0xab: {  	[sflag:s5] =	ssyncadd.remote.s32 @p0 $0x1;
	_ =	sdelay $0x1  }
0xac: {  	s5 =	simm.s32 @p0 $0x1B8D  }
0xad: {  	_ =	swait.eq @p0 [sflag:s5], $0x1  }
0xae: {  	[sflag:s5] =	ssyncadd.s32 @p0 $0xFFFFFFFF  }
0xaf: {  	s6 =	sshll.u32 @!p0 s1, $0xE  }
0xb0: {  	s6 =	sor.u32 @!p0 $0x4000, s6;
	s5 =	simm.s32 @!p0 $0x1B8D  }
0xb1: {  	s4 =	sshll.u32 @!p0 s4, $0x11;
	s6 =	sadd.s32 @!p0 $0x11B8D, s6;
	_ =	swait.eq @!p0 [sflag:s5], $0x1  }
0xb2: {  	s4 =	sor.u32 @!p0 s4, s6;
	[sflag:s5] =	ssyncadd.s32 @!p0 $0xFFFFFFFF  }
0xb3: {  	s25 =	simm.s32 $0x1B8E;
	s24 =	sld [smem:$0x3FFE];
	[sflag:s4] =	ssyncadd.remote.s32 @!p0 $0x1  }
0xb4: {  	s26 =	simm.s32 $execute0_lowered;
	[smem:$0x3FD2] =	sst s25  }
0xb5: {  	s5 =	sshll.u32 s26, $0x1;
	_ =	strace $0x8000005A;
	[dreg:$0x1] =	wrdreg $0xFFFFFFFF  }
0xb6: {  	s28 =	simm.s32 $_size_execute0_lowered;
	s3 =	sadd.s32 s3, s5;
	[dreg:$0x0] =	wrdreg $0x0  }
0xb7: {  	s5 =	sshll.u32 s28, $0x1;
	[dreg:$0x2] =	wrdreg s3  }
0xb8: {  	[dreg:$0x3] =	wrdreg s5  }
0xb9: {  	[dreg:$0x4] =	wrdreg $0xC0  }
0xba: {  	_ =	task [dreg:s22], $0x5FFFF  }
0xbb: {  	[dreg:$0x1] =	wrdreg $0xFFFFFFFF  }
0xbc: {  	[dreg:$0x0] =	wrdreg $0x60  }
0xbd: {  	[dreg:$0x2] =	wrdreg s24  }
0xbe: {  	[dreg:$0x3] =	wrdreg $0x14800  }
0xbf: {  	[dreg:$0x4] =	wrdreg $0xA  }
0xc0: {  	_ =	task.clear_ibuf [dreg:s22], $0x5FFFF;
	_ =	strace $0x9000005A  }
0xc1: {  	s29 =	simm.s32 $0xA;
	_ =	strace $0x8000005C  }
0xc2: {  	_ =	swait.ge [sflag:s29], $0x1  }
0xc3: {  	[sflag:s29] =	ssyncadd.s32 $0xFFFFFFFF  }
0xc4: {  	_ =	strace $0x9000005C  }
0xc5: {  	_ =	sfence  }
0xc6: {  	s30 =	sld [smem:$0x0];
	_ =	sdelay $0x2  }
0xc7: {  	s31 =	sshll.u32 s1, $0xD;
	s1 =	sshrl.u32 s1, $0x2  }
0xc8: {  	s4 =	sand.u32 $0x4000, s31;
	s1 =	sadd.s32 s1, s30  }
0xc9: {  	s0 =	sor.u32 s4, s0;
	s1 =	sshll.u32 s1, $0x11  }
0xca: {  	s0 =	sor.u32 s1, s0  }
0xcb: {  	s0 =	sadd.s32 $0x8F2B, s0  }
0xcc: {  	[sflag:s0] =	ssyncadd.remote.s32 $0x1  }
0xcd: {  	_ =	sfence.sel $0xFFFF  }
0xce: {  	[dreg:$0x0] =	wrdreg $0xFFFFFFFF;
	(pc) =	sbr.abs _section_cstart, $3  }
0xcf: {  	[dreg:$0x1] =	wrdreg $0xFFFFFFFF  }
0xd0: {  	_ =	task.clear_ibuf [dreg:s22], $0x2FFFF;
	_ =	strace $0x9FFFFFFF  }
0xd1: {  	(tm) =	ssettm $0x7FFFFFFF  }
tec
execute0_lowered:
.L_overlay_start_1:
0x0: {  	(tag) =	ssettag $0x1  }
0x1: {  	s3 =	rddreg [dreg:$0x0]  }
0x2: {  	s0 =	srdreg.scid;
	s12 =	stileid.u32  }
0x3: {  	s1 =	rddreg [dreg:$0x1];
	s2 =	simm.s32 $0x0;
	s7 =	smul.u32 $0x14000, s12  }
0x4: {  	s11 =	simm.s32 $0x28;
	s14 =	simm.s32 $0x0;
	s9 =	smul.u32 $0x50000, s12  }
0x5: {  	s4 =	sand.u32 $0x1, s0;
	s0 =	rddreg [dreg:$0x2];
	s10 =	smul.u32 $0x13880, s12  }
0x6: {  	[smem:$0x7FF] =	sst s2;
	s29 =	sshll.u32 s12, $0xB;
	s5 =	smul.u32 $0x138800, s4  }
0x7: {  	p0 =	sne.s32 s12, $0x0;
	s12 =	sshll.u32 s12, $0x6;
	s6 =	smul.u32 $0x140000, s4  }
0x8: {  	_ =	strace $0x8000005B;
	s23 =	sshll.u32 s4, $0xF;
	s4 =	ssub.s32 $0x2, s4  }
0x9: {  	s12 =	sor.u32 $0x1C01, s12;
	s24 =	sadd.s32 s23, s3;
	s26 =	sshrl.u32 s4, $0x1  }
0xa: {  	s28 =	sshrl.u32 s9, $0x2;
	s9 =	simm.s32 $0x1;
	s8 =	sadd.s32 s5, s3  }
0xb: {  	s6 =	sadd.s32 s7, s6;
	s13 =	sadd.s32 s28, s1;
	s30 =	sadd.s32 s29, s24  }
0xc: {  	s25 =	sshrl.u32 s6, $0x3;
	s6 =	ssub.s32 s4, s26;
	s31 =	sadd.s32 s10, s8  }
0xd: {  	s8 =	sshrl.u32 @!p0 s1, $0x3;
	s10 =	simm.s32 $0x80;
	s13 =	sshrl.u32 s13, $0x3  }
0xe: {  	s5 =	sadd.s32 s25, s3;
	s3 =	sadd.s32 $0x64000, s3;
	s7 =	sadd.s32 $0x140AE00, s31  }
0xf: {  	s4 =	sadd.s32 $0x8C000, s5;
	s5 =	smax.u32 s6, $0x1;
	s6 =	sadd.s32 $0x13FAE00, s30  }
.LBB2_1:
0x10: {  	s15 =	simm.s32 @!p0 $0x1C01  }
0x11: {  	[spmem:s8], [sflag:s15] =	dma.local @!p0 [hbm:s3], $0x28000  }
0x12: {  	s15 =	simm.s32 @!p0 $0x1  }
0x13: {  	_ =	swait.ge @!p0 [sflag:s15], $0x28000  }
0x14: {  	[sflag:s15] =	ssyncset.done @!p0 $0x0  }
0x15: {  	[sflag:s15] =	ssyncadd.s32 @!p0 $0xFFFD8000  }
0x16: {  	s31 =	sadd.s32 $0x0, s6;
	[bflag:$0x0] =	sbarrier.arrive $0xFFFF  }
0x17: {  	[tilespmem:s2], [sflag:$0x1] =	stream.linear.gather [hbm4b:s31+s2], $0x80, $0x38;
	[tilespmem:$0x15480] =	vst v63  }
0x18: {  	_ =	swait.ge [sflag:s9], $0x80  }
0x19: {  	[sflag:s9] =	ssyncset.done $0x0  }
0x1a: {  	[sflag:s9] =	ssyncadd.s32 $0xFFFFFF80  }
0x1b: {  	[tilespmem:s10], [sflag:$0x1] =	stream.linear.gather [hbm4b:s7+s2], $0x1400, $0x38;
	[tilespmem:$0x15480] =	vst v63  }
0x1c: {  	_ =	swait.ge [sflag:s9], $0x1400  }
0x1d: {  	[sflag:s9] =	ssyncset.done $0x0  }
0x1e: {  	[sflag:s9] =	ssyncadd.s32 $0xFFFFEC00  }
0x1f: {  	[spmem:s1] =	stream.indirect.scatter.add.f32 [tilespmem:s10], [sflag:$0x1], $0x80, s2, s11, $0xb8;
	[tilespmem:$0x15480] =	vst v63  }
0x20: {  	s16 =	simm.s32 $0x10;
	_ =	swait.ge [sflag:s9], $0x1400  }
0x21: {  	s17 =	simm.s32 $0x20;
	s15 =	sadd.s32 $0x280, s7;
	[sflag:s9] =	ssyncset.done $0x0  }
.LBB2_2:
0x22: {  	s18 =	sadd.s32 s16, s6  }
0x23: {  	[sflag:s9] =	ssyncadd.s32 $0xFFFFEC00;
	s16 =	smov.u32 s17;
	s19 =	sadd.s32 $0x10, s17  }
0x24: {  	[tilespmem:s2], [sflag:$0x1] =	stream.linear.gather [hbm4b:s18+s2], $0x80, $0x38;
	[tilespmem:$0x15480] =	vst v63  }
0x25: {  	p1 =	sne.s32 s17, $0x7C0;
	_ =	swait.ge [sflag:s9], $0x80  }
0x26: {  	[sflag:s9] =	ssyncset.done $0x0  }
0x27: {  	[sflag:s9] =	ssyncadd.s32 $0xFFFFFF80  }
0x28: {  	[tilespmem:s10], [sflag:$0x1] =	stream.linear.gather [hbm4b:s15+s2], $0x1400, $0x38;
	[tilespmem:$0x15480] =	vst v63  }
0x29: {  	_ =	swait.ge [sflag:s9], $0x1400  }
.Ltmp0:
0x2a: {  	[sflag:s9] =	ssyncset.done $0x0;
	(pc) =	sbr.rel @p1 .LBB2_2-.Ltmp0, $4  }
0x2b: {  	[sflag:s9] =	ssyncadd.s32 $0xFFFFEC00  }
0x2c: {  	[spmem:s1] =	stream.indirect.scatter.add.f32 [tilespmem:s10], [sflag:$0x1], $0x80, s2, s11, $0xb8;
	[tilespmem:$0x15480] =	vst v63  }
0x2d: {  	_ =	swait.ge [sflag:s9], $0x1400  }
0x2e: {  	s17 =	smov.u32 s19;
	s15 =	sadd.s32 $0x280, s15;
	[sflag:s9] =	ssyncset.done $0x0  }
0x2f: {  	s16 =	sadd.s32 s16, s6;
	[sflag:s9] =	ssyncadd.s32 $0xFFFFEC00  }
0x30: {  	[tilespmem:s2], [sflag:$0x1] =	stream.linear.gather [hbm4b:s16+s2], $0x80, $0x38;
	[tilespmem:$0x15480] =	vst v63  }
0x31: {  	_ =	swait.ge [sflag:s9], $0x80  }
0x32: {  	[sflag:s9] =	ssyncset.done $0x0  }
0x33: {  	[sflag:s9] =	ssyncadd.s32 $0xFFFFFF80  }
0x34: {  	[tilespmem:s10], [sflag:$0x1] =	stream.linear.gather [hbm4b:s15+s2], $0x1400, $0x38;
	[tilespmem:$0x15480] =	vst v63  }
0x35: {  	_ =	swait.ge [sflag:s9], $0x1400  }
0x36: {  	[sflag:s9] =	ssyncset.done $0x0  }
0x37: {  	[sflag:s9] =	ssyncadd.s32 $0xFFFFEC00  }
0x38: {  	[spmem:s1] =	stream.indirect.scatter.add.f32 [tilespmem:s10], [sflag:$0x1], $0x80, s2, s11, $0xb8;
	[tilespmem:$0x15480] =	vst v63  }
0x39: {  	_ =	swait.ge [sflag:s9], $0x1400  }
0x3a: {  	s14 =	sadd.s32 $0x1, s14;
	[sflag:s9] =	ssyncset.done $0x0  }
0x3b: {  	p1 =	sne.s32 s14, s5;
	[sflag:s9] =	ssyncadd.s32 $0xFFFFEC00  }
.Ltmp1:
0x3c: {  	[bflag:$0x0] =	sbarrier.arrive $0xFFFF;
	(pc) =	sbr.rel @p1 .LBB2_1-.Ltmp1, $4  }
0x3d: {  	[hbm:s4], [sflag:s12] =	dma.local [spmem:s13], $0x2800  }
0x3e: {  	_ =	swait.ge [sflag:s9], $0x2800  }
0x3f: {  	[sflag:s9] =	ssyncset.done $0x0  }
0x40: {  	[sflag:s9] =	ssyncadd.s32 $0xFFFFD800  }
0x41: {  	_ =	sfence.sel $0x180000  }
0x42: {  	[bflag:$0x0] =	sbarrier.arrive $0xFFFF  }
0x43: {  	_ =	strace $0x9000005B  }
0x44: {  	s0 =	sadd.s32 @!p0 $0x100000, s0;
	[bflag:$0x2] =	sbarrier.arrive $0xFFFF  }
0x45: {  	[sflag:s0] =	ssyncadd.tile.s32 @!p0 $0x1;
	_ =	shalt  }
.Lfunc_end2:
_tile_overlayer_lowered:
.L_overlay_start_2:
0x46: {  	(tag) =	ssettag $0x2  }
0x47: {  	s0 =	rddreg [dreg:$0x0];
	s2 =	stileid.u32  }
0x48: {  	s1 =	rddreg [dreg:$0x1];
	p0 =	sne.s32 s2, $0x0  }
0x49: {  	s3 =	rddreg [dreg:$0x2];
	[bflag:$0x3] =	sbarrier.arrive $0xFFFF;
	s2 =	simm.s32 @!p0 $0x1C01  }
0x4a: {  	[timem:s3], [sflag:s2] =	dma.local @!p0 [hbm:s0], s1  }
0x4b: {  	s0 =	simm.s32 @!p0 $0x1  }
0x4c: {  	_ =	swait.ge @!p0 [sflag:s0], s1  }
0x4d: {  	s1 =	ssub.s32 @!p0 $0x0, s1;
	[sflag:s0] =	ssyncset.done @!p0 $0x0  }
0x4e: {  	[sflag:s0] =	ssyncadd.s32 @!p0 s1  }
0x4f: {  	[bflag:$0x3] =	sbarrier.arrive $0xFFFF  }
0x50: {  	_ =	shalt  }

// kernel: kernel.9.cloned.1.call-start
scs
__scs_entry_jumppad:
0x0: {  	(pc) =	sbr.rel $0x88, $3  }
0x1: {  	(tag) =	ssettag $0x0;
	lr =	simm.s32 $0x1  }
0x2: {  	[smem:$0x3F96] =	sst lr;
	_ =	strace $0xD0000000  }
0x3: {  	_ = 	snop  }
0x4: {  	_ = 	snop  }
0x5: {  	_ = 	snop  }
0x6: {  	_ = 	snop  }
0x7: {  	_ = 	snop  }
__scs_overlays_trampoline_lowered:
0x8: {  	[smem:$0x3FA5] =	sst s0  }
0x9: {  	[smem:$0x3FA6] =	sst s1  }
0xa: {  	[smem:$0x3FA7] =	sst s2  }
0xb: {  	[smem:$0x3FA8] =	sst s3  }
0xc: {  	[smem:$0x3FA9] =	sst s4  }
0xd: {  	[smem:$0x3FAA] =	sst s5  }
0xe: {  	[smem:$0x3FAB] =	sst s6  }
0xf: {  	[smem:$0x3FAC] =	sst s7  }
0x10: {  	[smem:$0x3FAD] =	sst s8  }
0x11: {  	[smem:$0x3FAE] =	sst s9;
	s0 =	simm.s32 @!p0 $0x0  }
0x12: {  	s1 =	sld [smem:$0x3F94];
	s0 =	simm.s32 @p0 $0x1  }
0x13: {  	[smem:$0x3FAF] =	sst s0;
	s0 =	simm.s32 @!p1 $0x0  }
0x14: {  	s2 =	sld [smem:$0x3F93];
	s0 =	simm.s32 @p1 $0x1  }
0x15: {  	[smem:$0x3FB0] =	sst s0;
	s0 =	simm.s32 @!p2 $0x0  }
0x16: {  	s3 =	sld [smem:$0x3FDB];
	s0 =	simm.s32 @p2 $0x1  }
0x17: {  	s4 =	simm.s32 $0x1BF5;
	[smem:$0x3FB2] =	sst s0  }
0x18: {  	s0 =	sld [smem:$0x3F95];
	_ =	swait.ge [sflag:s4], $0x0  }
0x19: {  	s7 =	sld [smem:$0x3F96]  }
0x1a: {  	s8 =	sadd.s32 $0xFFFFE003, lr  }
0x1b: {  	s9 =	sadd.s32 $0xFFFFFEF7, lr;
	s5 =	simm.s32 $0xFFFFFFFF;
	p2 =	slt.u32 s8, $0xFFFFF086  }
0x1c: {  	p1 =	slt.u32 s9, $0xF7A;
	s5 =	simm.s32 @!p2 $0x0  }
0x1d: {  	s5 =	simm.s32 @p1 $0x1;
	p0 =	seq.s32 s7, s2  }
0x1e: {  	s7 =	smul.u32 @!p0 $0xF7A, s2;
	p2 =	seq.s32 @!p0 s5, $0x0  }
0x1f: {  	s9 =	smul.u32 $0xF7A, s1;
	s8 =	simm.s32 @!p0 $0x1BF5;
	p2 =	por !p2, p0  }
0x20: {  	[sflag:s8] =	ssyncset.s32 @!p0 $0xFFFFF086;
	s6 =	sadd.s32 @!p0 s3, s7;
	s7 =	simm.s32 @!p0 $0x108  }
0x21: {  	s3 =	sadd.s32 s3, s9;
	s6 =	sadd.s32 @!p0 $0x88, s6;
	s7 =	simm.s32 @p2 $0x1082  }
0x22: {  	[simem:s7], [sflag:s8] =	dma.local @!p0 [hbm:s6], $0xF7A  }
0x23: {  	s9 =	sor.u32 $0xD0000000, s2;
	s6 =	simm.s32 $0x108;
	_ =	swait.ge @!p0 [sflag:s8], $0x0  }
0x24: {  	s3 =	sadd.s32 $0x88, s3;
	s6 =	simm.s32 @!p1 $0x1082;
	[sflag:s4] =	ssyncset.s32 $0xFFFFF086  }
0x25: {  	[simem:s6], [sflag:s4] =	dma.local [hbm:s3], $0xF7A  }
0x26: {  	[smem:$0x3F96] =	sst s1;
	(tag) =	ssettag s2;
	_ =	strace s9  }
0x27: {  	s1 =	sld [smem:$0x3FA6]  }
0x28: {  	s2 =	sld [smem:$0x3FA7]  }
0x29: {  	s4 =	sld [smem:$0x3FA9]  }
0x2a: {  	p0 =	seq.s32 s5, $0x0;
	s5 =	sld [smem:$0x3FAA]  }
0x2b: {  	s6 =	sld [smem:$0x3FAB]  }
0x2c: {  	s7 =	sld [smem:$0x3FAC]  }
0x2d: {  	s3 =	simm.s32 $0x108;
	s8 =	sld [smem:$0x3FAD]  }
0x2e: {  	s3 =	simm.s32 @!p0 $0x1082;
	s9 =	sld [smem:$0x3FAE]  }
0x2f: {  	lr =	sadd.s32 s0, s3;
	s0 =	sld [smem:$0x3FA5]  }
0x30: {  	s3 =	sld [smem:$0x3FA8]  }
0x31: {  	[smem:$0x3FB1] =	sst s10  }
0x32: {  	s10 =	sld [smem:$0x3FAF];
	_ =	sdelay $0x3  }
0x33: {  	p0 =	seq.s32 s10, $0x1;
	s10 =	sld [smem:$0x3FB1];
	_ =	sdelay $0x3  }
0x34: {  	[smem:$0x3FB1] =	sst s10  }
0x35: {  	s10 =	sld [smem:$0x3FB0];
	_ =	sdelay $0x3  }
0x36: {  	p1 =	seq.s32 s10, $0x1;
	s10 =	sld [smem:$0x3FB1];
	_ =	sdelay $0x3  }
0x37: {  	[smem:$0x3FB1] =	sst s10  }
0x38: {  	s10 =	sld [smem:$0x3FB2]  }
0x39: {  	_ = 	snop;
	(pc) =	sbr.ind lr, $3  }
0x3a: {  	_ = 	snop  }
0x3b: {  	_ = 	snop  }
0x3c: {  	p2 =	seq.s32 s10, $0x1;
	s10 =	sld [smem:$0x3FB1]  }
0x3d: {  	_ =	shalt  }
0x3e: {  	_ =	shalt  }
0x3f: {  	_ =	shalt  }
0x40: {  	_ =	shalt  }
0x41: {  	_ =	shalt  }
0x42: {  	_ =	shalt  }
0x43: {  	_ =	shalt  }
0x44: {  	_ =	shalt  }
0x45: {  	_ =	shalt  }
0x46: {  	_ =	shalt  }
0x47: {  	_ =	shalt  }
0x48: {  	_ =	shalt  }
0x49: {  	_ =	shalt  }
0x4a: {  	_ =	shalt  }
0x4b: {  	_ =	shalt  }
0x4c: {  	_ =	shalt  }
0x4d: {  	_ =	shalt  }
0x4e: {  	_ =	shalt  }
0x4f: {  	_ =	shalt  }
0x50: {  	_ =	shalt  }
0x51: {  	_ =	shalt  }
0x52: {  	_ =	shalt  }
0x53: {  	_ =	shalt  }
0x54: {  	_ =	shalt  }
0x55: {  	_ =	shalt  }
0x56: {  	_ =	shalt  }
0x57: {  	_ =	shalt  }
0x58: {  	_ =	shalt  }
0x59: {  	_ =	shalt  }
0x5a: {  	_ =	shalt  }
0x5b: {  	_ =	shalt  }
0x5c: {  	_ =	shalt  }
0x5d: {  	_ =	shalt  }
0x5e: {  	_ =	shalt  }
0x5f: {  	_ =	shalt  }
0x60: {  	_ =	shalt  }
0x61: {  	_ =	shalt  }
0x62: {  	_ =	shalt  }
0x63: {  	_ =	shalt  }
0x64: {  	_ =	shalt  }
0x65: {  	_ =	shalt  }
0x66: {  	_ =	shalt  }
0x67: {  	_ =	shalt  }
0x68: {  	_ =	shalt  }
0x69: {  	_ =	shalt  }
0x6a: {  	_ =	shalt  }
0x6b: {  	_ =	shalt  }
0x6c: {  	_ =	shalt  }
0x6d: {  	_ =	shalt  }
0x6e: {  	_ =	shalt  }
0x6f: {  	_ =	shalt  }
0x70: {  	_ =	shalt  }
0x71: {  	_ =	shalt  }
0x72: {  	_ =	shalt  }
0x73: {  	_ =	shalt  }
0x74: {  	_ =	shalt  }
0x75: {  	_ =	shalt  }
0x76: {  	_ =	shalt  }
0x77: {  	_ =	shalt  }
0x78: {  	_ =	shalt  }
0x79: {  	_ =	shalt  }
0x7a: {  	_ =	shalt  }
0x7b: {  	_ =	shalt  }
0x7c: {  	_ =	shalt  }
0x7d: {  	_ =	shalt  }
0x7e: {  	_ =	shalt  }
0x7f: {  	_ =	shalt  }
0x80: {  	_ =	shalt  }
0x81: {  	_ =	shalt  }
0x82: {  	_ =	shalt  }
0x83: {  	_ =	shalt  }
0x84: {  	_ =	shalt  }
0x85: {  	_ =	shalt  }
0x86: {  	_ =	shalt  }
0x87: {  	_ =	shalt  }
.Lfunc_end0:
.L_simem_size_0:
called_computation_lowered:
.L_overlay_start_0:
0x88: {  	s2 =	sld [smem:$0x3FD9]  }
0x89: {  	s3 =	sld [smem:$0x3FFE];
	_ =	sdelay $0x1  }
0x8a: {  	s1 =	srdreg.scid  }
0x8b: {  	s0 =	sand.u32 $0x1, s1  }
0x8c: {  	s17 =	sshll.u32 s0, $0xA;
	s2 =	sadd.s32 s3, s2  }
0x8d: {  	s2 =	sadd.s32 s2, s17  }
0x8e: {  	[smem:$0x3FBD] =	sst s2  }
0x8f: {  	_ = 	snop  }
0x90: {  	(tm) =	ssettm $0x1  }
0x91: {  	s18 =	sld [smem:$0x3FFB];
	_ =	sdelay $0x3  }
0x92: {  	_ =	strace s18  }
0x93: {  	s2 =	sld [smem:$0x3FFC];
	_ =	sdelay $0x3  }
0x94: {  	_ =	strace s2  }
0x95: {  	s2 =	sld [smem:$0x3FFD];
	_ =	sdelay $0x3  }
0x96: {  	_ =	strace s2  }
0x97: {  	_ =	strace $0x8FFFFFFF  }
0x98: {  	s19 =	sld [smem:$0x3FDB];
	_ =	sdelay $0x1  }
0x99: {  	s20 =	simm.s32 $_scs_section_size  }
0x9a: {  	s4 =	simm.s32 $_size__tile_overlayer_lowered;
	s5 =	simm.s32 $_tile_overlayer_lowered  }
0x9b: {  	s6 =	simm.s32 $0x1BFF;
	s21 =	sshll.u32 s5, $0x1;
	s3 =	sadd.s32 s20, s19  }
0x9c: {  	s22 =	simm.s32 $0x0;
	s4 =	sshll.u32 s4, $0x1;
	s5 =	sadd.s32 s21, s3  }
0x9d: {  	[timem:s22], [sflag:s6] =	dma.local [hbm:s5], s4  }
0x9e: {  	_ =	swait.ge [sflag:s6], s4  }
0x9f: {  	s4 =	ssub.s32 $0x0, s4;
	[sflag:s6] =	ssyncset.done $0x0  }
0xa0: {  	[sflag:s6] =	ssyncadd.s32 s4;
	_ =	sdelay $0x1  }
0xa1: {  	s23 =	simm.s32 $0x1B8B  }
0xa2: {  	_ =	swait.ge [sflag:s23], $0x1  }
0xa3: {  	[sflag:s23] =	ssyncset.done $0x0  }
0xa4: {  	[sflag:s23] =	ssyncadd.s32 $0xFFFFFFFF  }
0xa5: {  	s4 =	sld [smem:$0x0]  }
0xa6: {  	s5 =	sand.u32 $0xFFFFFFFE, s1  }
0xa7: {  	p0 =	sne.s32 s1, s5  }
0xa8: {  	s5 =	sshll.u32 @p0 s5, $0xE  }
0xa9: {  	s5 =	sadd.s32 @p0 $0x11B8D, s5;
	s6 =	sshll.u32 @p0 s4, $0x11  }
0xaa: {  	s5 =	sor.u32 @p0 s6, s5  }
0xab: {  	[sflag:s5] =	ssyncadd.remote.s32 @p0 $0x1;
	_ =	sdelay $0x1  }
0xac: {  	s5 =	simm.s32 @p0 $0x1B8D  }
0xad: {  	_ =	swait.eq @p0 [sflag:s5], $0x1  }
0xae: {  	[sflag:s5] =	ssyncadd.s32 @p0 $0xFFFFFFFF  }
0xaf: {  	s6 =	sshll.u32 @!p0 s1, $0xE  }
0xb0: {  	s6 =	sor.u32 @!p0 $0x4000, s6;
	s5 =	simm.s32 @!p0 $0x1B8D  }
0xb1: {  	s4 =	sshll.u32 @!p0 s4, $0x11;
	s6 =	sadd.s32 @!p0 $0x11B8D, s6;
	_ =	swait.eq @!p0 [sflag:s5], $0x1  }
0xb2: {  	s4 =	sor.u32 @!p0 s4, s6;
	[sflag:s5] =	ssyncadd.s32 @!p0 $0xFFFFFFFF  }
0xb3: {  	s25 =	simm.s32 $0x1B8E;
	s24 =	sld [smem:$0x3FFE];
	[sflag:s4] =	ssyncadd.remote.s32 @!p0 $0x1  }
0xb4: {  	s26 =	simm.s32 $execute0_lowered;
	[smem:$0x3FD2] =	sst s25  }
0xb5: {  	s5 =	sshll.u32 s26, $0x1;
	_ =	strace $0x80000050;
	[dreg:$0x1] =	wrdreg $0xFFFFFFFF  }
0xb6: {  	s28 =	simm.s32 $_size_execute0_lowered;
	s3 =	sadd.s32 s3, s5;
	[dreg:$0x0] =	wrdreg $0x0  }
0xb7: {  	s5 =	sshll.u32 s28, $0x1;
	[dreg:$0x2] =	wrdreg s3  }
0xb8: {  	[dreg:$0x3] =	wrdreg s5  }
0xb9: {  	[dreg:$0x4] =	wrdreg $0xC0  }
0xba: {  	_ =	task [dreg:s22], $0x5FFFF  }
0xbb: {  	[dreg:$0x1] =	wrdreg $0xFFFFFFFF  }
0xbc: {  	[dreg:$0x0] =	wrdreg $0x60  }
0xbd: {  	[dreg:$0x2] =	wrdreg s24  }
0xbe: {  	[dreg:$0x3] =	wrdreg $0x9  }
0xbf: {  	_ =	task.clear_ibuf [dreg:s22], $0x4FFFF;
	_ =	strace $0x90000050  }
0xc0: {  	s29 =	simm.s32 $0x9;
	_ =	strace $0x80000059  }
0xc1: {  	_ =	swait.ge [sflag:s29], $0x1  }
0xc2: {  	[sflag:s29] =	ssyncadd.s32 $0xFFFFFFFF  }
0xc3: {  	_ =	strace $0x90000059  }
0xc4: {  	_ =	sfence  }
0xc5: {  	s30 =	sld [smem:$0x0];
	_ =	sdelay $0x2  }
0xc6: {  	s31 =	sshll.u32 s1, $0xD;
	s1 =	sshrl.u32 s1, $0x2  }
0xc7: {  	s4 =	sand.u32 $0x4000, s31;
	s1 =	sadd.s32 s1, s30  }
0xc8: {  	s0 =	sor.u32 s4, s0;
	s1 =	sshll.u32 s1, $0x11  }
0xc9: {  	s0 =	sor.u32 s1, s0  }
0xca: {  	s0 =	sadd.s32 $0x8F2B, s0  }
0xcb: {  	[sflag:s0] =	ssyncadd.remote.s32 $0x1  }
0xcc: {  	_ =	sfence.sel $0xFFFF  }
0xcd: {  	[dreg:$0x0] =	wrdreg $0xFFFFFFFF;
	(pc) =	sbr.abs _section_cstart, $3  }
0xce: {  	[dreg:$0x1] =	wrdreg $0xFFFFFFFF  }
0xcf: {  	_ =	task.clear_ibuf [dreg:s22], $0x2FFFF;
	_ =	strace $0x9FFFFFFF  }
0xd0: {  	(tm) =	ssettm $0x7FFFFFFF  }
0xd1: {  	_ =	shalt  }
tec
execute0_lowered:
.L_overlay_start_1:
0x0: {  	(tag) =	ssettag $0x1  }
0x1: {  	s0 =	srdreg.scid  }
0x2: {  	s5 =	rddreg [dreg:$0x0];
	s1 =	stileid.u32;
	s6 =	sand.u32 $0x1, s0  }
0x3: {  	s2 =	simm.s32 $0x0;
	s10 =	simm.s32 $0x5;
	s3 =	sshll.u32 s6, $0x4  }
0x4: {  	s11 =	simm.s32 $0x0;
	s0 =	rddreg [dreg:$0x1];
	s4 =	sor.u32 s1, s3  }
0x5: {  	[smem:$0x7FF] =	sst s2;
	s9 =	sadd.s32 $0xA36E00, s5;
	s7 =	smul.u32 $0x4E, s4  }
0x6: {  	_ =	strace $0x80000051;
	[dreg:$0x2] =	wrdreg s9;
	s8 =	smul.u32 $0x4F, s4  }
0x7: {  	s30 =	ssub.s32 $0x2, s6;
	p0 =	slt.u32 s4, $0x4;
	s4 =	sadd.s32 $0x4, s7  }
0x8: {  	s6 =	simm.s32 $0x4F;
	s3 =	sadd.s32 $0x15E00, s5;
	s4 =	smov.u32 @p0 s8  }
0x9: {  	v2 =	vlaneseq.u32;
	s5 =	sadd.s32 $0xA2D000, s5;
	s31 =	sshrl.u32 s30, $0x1;
	s8 =	sshll.u32 s4, $0x4  }
0xa: {  	vm0 =	vmmov $0xffff;
	v1 =	vshrl.u32 v2, $0x3;
	s9 =	ssub.s32 s30, s31;
	s6 =	simm.s32 @!p0 $0x4E;
	s8 =	sand.u32 $0x1FFFFFF0, s8  }
0xb: {  	v0 =	vand.u32 $0x7, v2;
	v2 =	vor.u32 $0x8, v2;
	v1 =	vmul.u32 $0x8, v1;
	s9 =	smax.u32 s9, $0x1;
	s7 =	sadd.s32 s5, s8;
	s8 =	sadd.s32 $0xFFFFFFFF, s6  }
.LBB2_1:
0xc: {  	_ =	strace $0x80000052;
	s13 =	simm.s32 $0x0  }
0xd: {  	s12 =	simm.s32 $0x0;
	s14 =	simm.s32 $0x0;
	s15 =	simm.s32 $0x0  }
0xe: {  	[tilespmem:s2], [sflag:$0x1] =	stream.linear.gather [hbm4b:s7+s2], $0x80, $0x200038;
	[tilespmem:$0x10100] =	vst v63  }
0xf: {  	s16 =	simm.s32 $0x1;
	s17 =	simm.s32 $0x0;
	_ =	strace $0x90000052  }
.LBB2_2:
0x10: {  	s18 =	smov.u32 s13;
	s13 =	sadd.s32 $0x1, s13  }
0x11: {  	p0 =	seq.s32 s13, s6  }
0x12: {  	s13 =	simm.s32 @p0 $0x0  }
0x13: {  	p6 =	slt.u32 s17, s8;
	p1 =	sne.s32 s18, s13  }
0x14: {  	p0 =	por !p6, !p1  }
0x15: {  	p0 =	por !p0, !p0  }
0x16: {  	s19 =	sadd.s32 @p0 s4, s13  }
0x17: {  	s20 =	sand.u32 @p0 $0x1, s16;
	s19 =	sshll.u32 @p0 s19, $0x4  }
0x18: {  	_ =	strace @p0 $0x80000053;
	s22 =	simm.s32 @p0 $0x0;
	s19 =	sand.u32 @p0 $0x1FFFFFF0, s19  }
0x19: {  	s21 =	sshll.u32 @p0 s20, $0x7;
	s20 =	sadd.s32 @p0 $0x1, s20;
	s19 =	sadd.s32 @p0 s5, s19  }
0x1a: {  	[tilespmem:s21], [sflag:s20] =	stream.linear.gather @p0 [hbm4b:s19+s22], $0x80, $0x200038;
	[tilespmem:$0x10100] =	vst v63  }
0x1b: {  	s23 =	sand.u32 $0x1, s15;
	_ =	strace @p0 $0x90000053  }
0x1c: {  	s19 =	sadd.s32 $0x1, s23;
	_ =	strace $0x80000054  }
0x1d: {  	_ =	swait.ge [sflag:s19], $0x80  }
0x1e: {  	[sflag:s19] =	ssyncset.done $0x0  }
0x1f: {  	[sflag:s19] =	ssyncadd.s32 $0xFFFFFF80  }
0x20: {  	s24 =	sshll.u32 s15, $0x7;
	_ =	strace $0x90000054  }
0x21: {  	s22 =	sand.u32 $0x80, s24;
	_ =	strace $0x80000055  }
0x22: {  	v3 =	vld [tilespmem:s22+$0x0];
	_ =	sdelay $0x4  }
0x23: {  	v4 =	vshll.u32 v3, $0x1  }
0x24: {  	v3 =	vand.u32 $0x7, v3;
	v4 =	vand.u32 $0xFFFFFFF0, v4  }
0x25: {  	v3 =	vor.u32 v3, v4  }
0x26: {  	v4 =	vperm.xlane v3, v0;
	_ =	sdelay $0x1  }
0x27: {  	v3 =	vperm.xlane v3, v2;
	v4 =	vadd.s32 v1, v4;
	_ =	sdelay $0x1  }
0x28: {  	s19 =	sand.u32 $0x1, s14;
	v3 =	vadd.s32 v1, v3  }
0x29: {  	s21 =	sshll.u32 s19, $0xF  }
0x2a: {  	s20 =	sor.u32 $0x100, s21  }
0x2b: {  	[tilespmem:s20], [sflag:$0x5] =	stream.indirect_vreg.gather [hbm4b:s3+s2], $0x80, v4, vm0, $0x2000b8;
	[tilespmem:$0x10100] =	vst v63  }
0x2c: {  	s23 =	sor.u32 $0x900, s21  }
0x2d: {  	[tilespmem:s23], [sflag:$0x5] =	stream.indirect_vreg.gather [hbm4b:s3+s2], $0x80, v3, vm0, $0x2000b8;
	[tilespmem:$0x10100] =	vst v63  }
0x2e: {  	v3 =	vld [tilespmem:s22+$0x10];
	_ =	sdelay $0x4  }
0x2f: {  	v57 =	vshll.u32 v3, $0x1  }
0x30: {  	v3 =	vand.u32 $0x7, v3;
	v4 =	vand.u32 $0xFFFFFFF0, v57  }
0x31: {  	v3 =	vor.u32 v3, v4  }
0x32: {  	v4 =	vperm.xlane v3, v0;
	_ =	sdelay $0x1  }
0x33: {  	v3 =	vperm.xlane v3, v2;
	v4 =	vadd.s32 v1, v4;
	_ =	sdelay $0x1  }
0x34: {  	v3 =	vadd.s32 v1, v3;
	_ =	sdelay $0x1  }
0x35: {  	s25 =	sor.u32 $0x1100, s21  }
0x36: {  	[tilespmem:s25], [sflag:$0x5] =	stream.indirect_vreg.gather [hbm4b:s3+s2], $0x80, v4, vm0, $0x2000b8;
	[tilespmem:$0x10100] =	vst v63  }
0x37: {  	s26 =	sor.u32 $0x1900, s21  }
0x38: {  	[tilespmem:s26], [sflag:$0x5] =	stream.indirect_vreg.gather [hbm4b:s3+s2], $0x80, v3, vm0, $0x2000b8;
	[tilespmem:$0x10100] =	vst v63  }
0x39: {  	v3 =	vld [tilespmem:s22+$0x20];
	_ =	sdelay $0x4  }
0x3a: {  	v58 =	vshll.u32 v3, $0x1  }
0x3b: {  	v3 =	vand.u32 $0x7, v3;
	v4 =	vand.u32 $0xFFFFFFF0, v58  }
0x3c: {  	v3 =	vor.u32 v3, v4  }
0x3d: {  	v4 =	vperm.xlane v3, v0;
	_ =	sdelay $0x1  }
0x3e: {  	v3 =	vperm.xlane v3, v2;
	v4 =	vadd.s32 v1, v4;
	_ =	sdelay $0x1  }
0x3f: {  	v3 =	vadd.s32 v1, v3;
	_ =	sdelay $0x1  }
0x40: {  	s28 =	sor.u32 $0x2100, s21  }
0x41: {  	[tilespmem:s28], [sflag:$0x5] =	stream.indirect_vreg.gather [hbm4b:s3+s2], $0x80, v4, vm0, $0x2000b8;
	[tilespmem:$0x10100] =	vst v63  }
0x42: {  	s29 =	sor.u32 $0x2900, s21  }
0x43: {  	[tilespmem:s29], [sflag:$0x5] =	stream.indirect_vreg.gather [hbm4b:s3+s2], $0x80, v3, vm0, $0x2000b8;
	[tilespmem:$0x10100] =	vst v63  }
0x44: {  	v3 =	vld [tilespmem:s22+$0x30];
	_ =	sdelay $0x4  }
0x45: {  	v59 =	vshll.u32 v3, $0x1  }
0x46: {  	v3 =	vand.u32 $0x7, v3;
	v4 =	vand.u32 $0xFFFFFFF0, v59  }
0x47: {  	v3 =	vor.u32 v3, v4  }
0x48: {  	v4 =	vperm.xlane v3, v0;
	_ =	sdelay $0x1  }
0x49: {  	v3 =	vperm.xlane v3, v2;
	v4 =	vadd.s32 v1, v4;
	_ =	sdelay $0x1  }
0x4a: {  	v3 =	vadd.s32 v1, v3;
	_ =	sdelay $0x1  }
0x4b: {  	s30 =	sor.u32 $0x3100, s21  }
0x4c: {  	[tilespmem:s30], [sflag:$0x5] =	stream.indirect_vreg.gather [hbm4b:s3+s2], $0x80, v4, vm0, $0x2000b8;
	[tilespmem:$0x10100] =	vst v63  }
0x4d: {  	s31 =	sor.u32 $0x3900, s21  }
0x4e: {  	[tilespmem:s31], [sflag:$0x5] =	stream.indirect_vreg.gather [hbm4b:s3+s2], $0x80, v3, vm0, $0x2000b8;
	[tilespmem:$0x10100] =	vst v63  }
0x4f: {  	v3 =	vld [tilespmem:s22+$0x40];
	_ =	sdelay $0x4  }
0x50: {  	v60 =	vshll.u32 v3, $0x1  }
0x51: {  	v3 =	vand.u32 $0x7, v3;
	v4 =	vand.u32 $0xFFFFFFF0, v60  }
0x52: {  	v3 =	vor.u32 v3, v4  }
0x53: {  	v4 =	vperm.xlane v3, v0;
	_ =	sdelay $0x1  }
0x54: {  	v3 =	vperm.xlane v3, v2;
	v4 =	vadd.s32 v1, v4;
	_ =	sdelay $0x1  }
0x55: {  	v3 =	vadd.s32 v1, v3;
	_ =	sdelay $0x1  }
0x56: {  	s24 =	sor.u32 $0x4100, s21  }
0x57: {  	[tilespmem:s24], [sflag:$0x5] =	stream.indirect_vreg.gather [hbm4b:s3+s2], $0x80, v4, vm0, $0x2000b8;
	[tilespmem:$0x10100] =	vst v63  }
0x58: {  	s25 =	sor.u32 $0x4900, s21  }
0x59: {  	[tilespmem:s25], [sflag:$0x5] =	stream.indirect_vreg.gather [hbm4b:s3+s2], $0x80, v3, vm0, $0x2000b8;
	[tilespmem:$0x10100] =	vst v63  }
0x5a: {  	v3 =	vld [tilespmem:s22+$0x50];
	_ =	sdelay $0x4  }
0x5b: {  	v61 =	vshll.u32 v3, $0x1  }
0x5c: {  	v3 =	vand.u32 $0x7, v3;
	v4 =	vand.u32 $0xFFFFFFF0, v61  }
0x5d: {  	v3 =	vor.u32 v3, v4  }
0x5e: {  	v4 =	vperm.xlane v3, v0;
	_ =	sdelay $0x1  }
0x5f: {  	v3 =	vperm.xlane v3, v2;
	v4 =	vadd.s32 v1, v4;
	_ =	sdelay $0x1  }
0x60: {  	v3 =	vadd.s32 v1, v3;
	_ =	sdelay $0x1  }
0x61: {  	s26 =	sor.u32 $0x5100, s21  }
0x62: {  	[tilespmem:s26], [sflag:$0x5] =	stream.indirect_vreg.gather [hbm4b:s3+s2], $0x80, v4, vm0, $0x2000b8;
	[tilespmem:$0x10100] =	vst v63  }
0x63: {  	s28 =	sor.u32 $0x5900, s21  }
0x64: {  	[tilespmem:s28], [sflag:$0x5] =	stream.indirect_vreg.gather [hbm4b:s3+s2], $0x80, v3, vm0, $0x2000b8;
	[tilespmem:$0x10100] =	vst v63  }
0x65: {  	v3 =	vld [tilespmem:s22+$0x60];
	_ =	sdelay $0x4  }
0x66: {  	v62 =	vshll.u32 v3, $0x1  }
0x67: {  	v3 =	vand.u32 $0x7, v3;
	v4 =	vand.u32 $0xFFFFFFF0, v62  }
0x68: {  	v3 =	vor.u32 v3, v4  }
0x69: {  	v4 =	vperm.xlane v3, v0;
	_ =	sdelay $0x1  }
0x6a: {  	v3 =	vperm.xlane v3, v2;
	v4 =	vadd.s32 v1, v4;
	_ =	sdelay $0x1  }
0x6b: {  	v3 =	vadd.s32 v1, v3;
	_ =	sdelay $0x1  }
0x6c: {  	s29 =	sor.u32 $0x6100, s21  }
0x6d: {  	[tilespmem:s29], [sflag:$0x5] =	stream.indirect_vreg.gather [hbm4b:s3+s2], $0x80, v4, vm0, $0x2000b8;
	[tilespmem:$0x10100] =	vst v63  }
0x6e: {  	s30 =	sor.u32 $0x6900, s21  }
0x6f: {  	[tilespmem:s30], [sflag:$0x5] =	stream.indirect_vreg.gather [hbm4b:s3+s2], $0x80, v3, vm0, $0x2000b8;
	[tilespmem:$0x10100] =	vst v63  }
0x70: {  	v3 =	vld [tilespmem:s22+$0x70];
	_ =	sdelay $0x4  }
0x71: {  	v63 =	vshll.u32 v3, $0x1  }
0x72: {  	v3 =	vand.u32 $0x7, v3;
	v4 =	vand.u32 $0xFFFFFFF0, v63  }
0x73: {  	v3 =	vor.u32 v3, v4  }
0x74: {  	v4 =	vperm.xlane v3, v0;
	_ =	sdelay $0x1  }
0x75: {  	v3 =	vperm.xlane v3, v2;
	v4 =	vadd.s32 v1, v4;
	_ =	sdelay $0x1  }
0x76: {  	v3 =	vadd.s32 v1, v3;
	_ =	sdelay $0x1  }
0x77: {  	s31 =	sor.u32 $0x7100, s21  }
0x78: {  	[tilespmem:s31], [sflag:$0x5] =	stream.indirect_vreg.gather [hbm4b:s3+s2], $0x80, v4, vm0, $0x2000b8;
	[tilespmem:$0x10100] =	vst v63  }
0x79: {  	s21 =	sor.u32 $0x7900, s21  }
0x7a: {  	[tilespmem:s21], [sflag:$0x5] =	stream.indirect_vreg.gather [hbm4b:s3+s2], $0x80, v3, vm0, $0x2000b8;
	[tilespmem:$0x10100] =	vst v63  }
0x7b: {  	_ =	swait.ge [sflag:s10], $0x8000  }
0x7c: {  	p2 =	seq.s32 s8, s17;
	[sflag:s10] =	ssyncset.done $0x0  }
0x7d: {  	s18 =	sadd.s32 s4, s18;
	p1 =	por p2, p1;
	[sflag:s10] =	ssyncadd.s32 $0xFFFF8000  }
0x7e: {  	s18 =	sshll.u32 @p1 s18, $0xC;
	_ =	strace $0x90000055  }
0x7f: {  	s18 =	sand.u32 @p1 $0x1FFFF000, s18;
	s22 =	simm.s32 $0x1;
	_ =	strace @p1 $0x80000056  }
0x80: {  	s19 =	sadd.s32 @p1 $0x3, s19;
	s22 =	simm.s32 @!p0 $0x0;
	s21 =	rddreg [dreg:$0x2]  }
0x81: {  	p0 =	seq.s32 s17, $0x0;
	s18 =	sadd.s32 @p1 s21, s18;
	s21 =	simm.s32 @p1 $0x0  }
0x82: {  	[hbm4b:s18+s21] =	stream.linear.scatter @p1 [tilespmem:s20], [sflag:s19], $0x8000, $0x200038;
	[tilespmem:$0x10100] =	vst v63  }
0x83: {  	s18 =	simm.s32 $0x1;
	s20 =	simm.s32 $0x1;
	_ =	strace @p1 $0x90000056  }
0x84: {  	s18 =	simm.s32 @!p1 $0x0;
	p1 =	sne.s32 s17, $0x0;
	s17 =	sadd.s32 $0x1, s17  }
0x85: {  	s19 =	sand.u32 @!p0 $0x1, s12;
	s20 =	simm.s32 @!p1 $0x0;
	p1 =	sne.s32 s6, s17  }
.Ltmp0:
0x86: {  	s19 =	sadd.s32 @!p0 $0x3, s19;
	_ =	strace @!p0 $0x80000057;
	(pc) =	sbr.rel @p1 .LBB2_2-.Ltmp0, $4  }
0x87: {  	_ =	swait.ge @!p0 [sflag:s19], $0x8000  }
0x88: {  	[sflag:s19] =	ssyncset.done @!p0 $0x0  }
0x89: {  	s16 =	sadd.s32 s22, s16;
	s14 =	sadd.s32 s18, s14;
	[sflag:s19] =	ssyncadd.s32 @!p0 $0xFFFF8000  }
0x8a: {  	s15 =	sadd.s32 s18, s15;
	s12 =	sadd.s32 s20, s12;
	_ =	strace @!p0 $0x90000057  }
0x8b: {  	s11 =	sadd.s32 $0x1, s11  }
0x8c: {  	s12 =	sand.u32 $0x1, s12;
	p0 =	sne.s32 s11, s9  }
.Ltmp1:
0x8d: {  	_ =	strace $0x80000058;
	s12 =	sadd.s32 $0x3, s12;
	(pc) =	sbr.rel @p0 .LBB2_1-.Ltmp1, $4  }
0x8e: {  	_ =	swait.ge [sflag:s12], $0x8000  }
0x8f: {  	[sflag:s12] =	ssyncset.done $0x0  }
0x90: {  	[sflag:s12] =	ssyncadd.s32 $0xFFFF8000  }
0x91: {  	_ =	strace $0x90000058  }
0x92: {  	_ =	sfence.sel $0x180000  }
0x93: {  	[bflag:$0x0] =	sbarrier.arrive $0xFFFF  }
0x94: {  	p0 =	sne.s32 s1, $0x0;
	_ =	strace $0x90000051  }
0x95: {  	s0 =	sadd.s32 @!p0 $0x100000, s0;
	[bflag:$0x2] =	sbarrier.arrive $0xFFFF  }
0x96: {  	[sflag:s0] =	ssyncadd.tile.s32 @!p0 $0x1;
	_ =	shalt  }
.Lfunc_end2:
_tile_overlayer_lowered:
.L_overlay_start_2:
0x97: {  	(tag) =	ssettag $0x2  }
0x98: {  	s0 =	rddreg [dreg:$0x0];
	s2 =	stileid.u32  }
0x99: {  	s1 =	rddreg [dreg:$0x1];
	p0 =	sne.s32 s2, $0x0  }
0x9a: {  	s3 =	rddreg [dreg:$0x2];
	[bflag:$0x3] =	sbarrier.arrive $0xFFFF;
	s2 =	simm.s32 @!p0 $0x1C01  }
0x9b: {  	[timem:s3], [sflag:s2] =	dma.local @!p0 [hbm:s0], s1  }
0x9c: {  	s0 =	simm.s32 @!p0 $0x1  }
0x9d: {  	_ =	swait.ge @!p0 [sflag:s0], s1  }
0x9e: {  	s1 =	ssub.s32 @!p0 $0x0, s1;
	[sflag:s0] =	ssyncset.done @!p0 $0x0  }
0x9f: {  	[sflag:s0] =	ssyncadd.s32 @!p0 s1  }
0xa0: {  	[bflag:$0x3] =	sbarrier.arrive $0xFFFF  }
0xa1: {  	_ =	shalt  }

</sc_bundles>
